<compile_context>
chip_gen: v7x
topology: tpu7x:2x2x1
jax: 0.10.2.dev20260603
libtpu: 0.0.44.dev20260713+nightly
codegen_flags: <defaults>
</compile_context>

<pallas_src>
import functools

import jax
import jax.numpy as jnp
from jax import lax
from jax.experimental import pallas as pl
from jax.experimental.pallas import tpu as pltpu
from jax.experimental.pallas import tpu_sc as plsc

NUM_RNA = 6000
NUM_DIS = 3990
N_NODE = 10000
N_FEAT = 128
R = 64
N_PAIRS = 4096

AW = 128
N_ACC = 10112
NW = 32
MC = 128
MICROS = 82
E2P = MC * MICROS * NW
ROWS_PT = N_ACC // 16



def _dense1_body(x_ref, w1p_ref, ones_ref, haug_ref):
    xb = x_ref[...]
    haug_ref[...] = (jnp.dot(xb, w1p_ref[...],
                             preferred_element_type=jnp.float32)
                     + ones_ref[...])


def _dense1(x, W1p, ones_row):
    N = x.shape[0]
    blk = 2000
    grid = (N // blk,)
    return pl.pallas_call(
        _dense1_body,
        grid=grid,
        in_specs=[
            pl.BlockSpec((blk, N_FEAT), lambda i: (i, 0)),
            pl.BlockSpec((N_FEAT, 128), lambda i: (0, 0)),
            pl.BlockSpec((1, 128), lambda i: (0, 0)),
        ],
        out_specs=pl.BlockSpec((blk, 128), lambda i: (i, 0)),
        out_shape=jax.ShapeDtypeStruct((N, 128), jnp.float32),
    )(x, W1p, ones_row)


def _combine2_body(acc_ref, b1_ref, w2p_ref, ones_ref, haug_ref):
    a = acc_ref[0] + acc_ref[1]
    num = a[:, :R]
    den = a[:, R:R + 1]
    t = num / den
    haug = jnp.dot(t, w2p_ref[...], preferred_element_type=jnp.float32)
    haug = haug + jnp.dot(b1_ref[...], w2p_ref[...],
                          preferred_element_type=jnp.float32)
    haug_ref[...] = haug + ones_ref[...]


def _combine2(acc, b1v, W2p, ones_row):
    blk = 2000
    grid = (N_NODE // blk,)
    return pl.pallas_call(
        _combine2_body,
        grid=grid,
        in_specs=[
            pl.BlockSpec((2, blk, AW), lambda i: (0, i, 0)),
            pl.BlockSpec((1, R), lambda i: (0, 0)),
            pl.BlockSpec((R, 128), lambda i: (0, 0)),
            pl.BlockSpec((1, 128), lambda i: (0, 0)),
        ],
        out_specs=pl.BlockSpec((blk, 128), lambda i: (i, 0)),
        out_shape=jax.ShapeDtypeStruct((N_NODE, 128), jnp.float32),
    )(acc, b1v, W2p, ones_row)


def _mlp_body(rawl_ref, rawr_ref, b2cat_ref,
              w1, b1, w2, b2, w3, b3, w4, b4, w5, b5, w6, b6, o_ref):
    def lin(z, w, b):
        return jax.lax.dot_general(z, w[...], (((1,), (1,)), ((), ())),
                                   preferred_element_type=jnp.float32) + b[...]

    rawl = rawl_ref[...]
    rawr = rawr_ref[...]
    zl = rawl[:, :R] / rawl[:, R:R + 1]
    zr = rawr[:, :R] / rawr[:, R:R + 1]
    z = jnp.concatenate([zl, zr], axis=1) + b2cat_ref[...]
    z = jnp.maximum(lin(z, w1, b1), 0.0)
    z = jnp.maximum(lin(z, w2, b2), 0.0)
    z = jnp.maximum(lin(z, w3, b3), 0.0)
    z = jnp.maximum(lin(z, w4, b4), 0.0)
    z = jnp.maximum(lin(z, w5, b5), 0.0)
    o_ref[...] = jax.nn.sigmoid(lin(z, w6, b6))


def _mlp(rawl, rawr, b2cat, mWbs):
    P = rawl.shape[0]
    blk = 2048
    grid = (P // blk,)
    in_specs = [pl.BlockSpec((blk, 128), lambda i: (i, 0)),
                pl.BlockSpec((blk, 128), lambda i: (i, 0)),
                pl.BlockSpec((1, 128), lambda i: (0, 0))]
    args = [rawl, rawr, b2cat]
    for w, b in mWbs:
        in_specs.append(pl.BlockSpec(w.shape, lambda i: (0, 0)))
        in_specs.append(pl.BlockSpec(b.shape, lambda i: (0, 0)))
        args.extend([w, b])
    out = pl.pallas_call(
        _mlp_body,
        grid=grid,
        in_specs=in_specs,
        out_specs=pl.BlockSpec((blk, 128), lambda i: (i, 0)),
        out_shape=jax.ShapeDtypeStruct((P, 128), jnp.float32),
    )(*args)
    return out[:, :1]



_MESH = plsc.VectorSubcoreMesh(core_axis_name="c", subcore_axis_name="s")
_SC_PARAMS = pltpu.CompilerParams(needs_layout_passes=False)


@functools.partial(
    pl.kernel,
    out_type=jax.ShapeDtypeStruct((2, N_ACC, AW), jnp.float32),
    mesh=_MESH,
    compiler_params=_SC_PARAMS,
    scratch_types=[
        pltpu.VMEM((N_NODE,), jnp.float32),
        pltpu.VMEM((N_NODE,), jnp.float32),
        pltpu.VMEM((MC,), jnp.int32),
        pltpu.VMEM((MC,), jnp.int32),
        pltpu.VMEM((MC + 16,), jnp.float32),
        pltpu.VMEM((MC, AW), jnp.float32),
        pltpu.VMEM_SHARED((N_ACC, AW), jnp.float32),
        pltpu.SemaphoreType.DMA,
    ],
)
def _edge_kernel(h_hbm, es_hbm, ed_hbm, src_hbm, dst_hbm, out_hbm,
                 es_t, ed_t, src_t, dst_t, p_t, hb0, acc_sh, g0):
    cid = lax.axis_index("c")
    sid = lax.axis_index("s")
    wid = sid * 2 + cid

    def _zrow(j, _):
        zv = jnp.zeros((16,), jnp.float32)
        for cc in range(AW // 16):
            hb0[j, pl.ds(cc * 16, 16)] = zv
        return 0

    lax.fori_loop(0, MC, _zrow, 0)
    base_row = sid * ROWS_PT
    off = 0
    while off < ROWS_PT:
        n = min(MC, ROWS_PT - off)
        pltpu.sync_copy(hb0.at[pl.ds(0, n)],
                        acc_sh.at[pl.ds(base_row + off, n)])
        off += n
    plsc.subcore_barrier()

    pltpu.sync_copy(es_hbm, es_t)
    pltpu.sync_copy(ed_hbm, ed_t)

    def _micro(m, _):
        ebase = (wid * MICROS + m) * MC
        pltpu.sync_copy(src_hbm.at[pl.ds(ebase, MC)], src_t)
        pltpu.sync_copy(dst_hbm.at[pl.ds(ebase, MC)], dst_t)
        gather = pltpu.async_copy(h_hbm.at[src_t], hb0, g0)

        for g in range(MC // 16):
            sl = pl.ds(g * 16, 16)
            sv = src_t[sl]
            dv = dst_t[sl]
            e = plsc.load_gather(es_t, [sv]) + plsc.load_gather(ed_t, [dv])
            e = jnp.where(e >= 0, e, e * jnp.float32(0.2))
            p_t[sl] = jnp.exp(e)

        gather.wait()

        @plsc.parallel_loop(0, MC, unroll=2)
        def _scale(j):
            pj = p_t[pl.ds(j, 16)][0]
            for cc in range(AW // 16):
                sl = pl.ds(cc * 16, 16)
                hb0[j, sl] = hb0[j, sl] * pj

        pltpu.sync_copy(hb0, acc_sh.at[dst_t], add=True)
        return 0

    lax.fori_loop(0, MICROS, _micro, 0)

    plsc.subcore_barrier()
    pltpu.sync_copy(acc_sh.at[pl.ds(base_row, ROWS_PT)],
                    out_hbm.at[cid, pl.ds(base_row, ROWS_PT)])


@functools.partial(
    pl.kernel,
    out_type=(jax.ShapeDtypeStruct((N_PAIRS, 128), jnp.float32),
              jax.ShapeDtypeStruct((N_PAIRS, 128), jnp.float32)),
    mesh=_MESH,
    compiler_params=_SC_PARAMS,
    scratch_types=[
        pltpu.VMEM((128,), jnp.int32),
        pltpu.VMEM((128, AW), jnp.float32),
        pltpu.VMEM((128, AW), jnp.float32),
        pltpu.VMEM((128, 128), jnp.float32),
        pltpu.SemaphoreType.DMA,
        pltpu.SemaphoreType.DMA,
    ],
)
def _pair_kernel(accA_hbm, accB_hbm, ridx_hbm, didx_hbm,
                 rawl_hbm, rawr_hbm, idx_t, bufA, bufB, fbuf, semA, semB):
    cid = lax.axis_index("c")
    sid = lax.axis_index("s")
    wid = sid * 2 + cid
    pb = N_PAIRS // NW
    base = wid * pb

    for idx_hbm, out_hbm in ((ridx_hbm, rawl_hbm), (didx_hbm, rawr_hbm)):
        pltpu.sync_copy(idx_hbm.at[pl.ds(base, pb)], idx_t)
        pltpu.async_copy(accA_hbm.at[idx_t], bufA, semA).wait()
        pltpu.async_copy(accB_hbm.at[idx_t], bufB, semB).wait()

        def _row(j, _):
            for cc in range(AW // 16):
                sl = pl.ds(cc * 16, 16)
                fbuf[j, sl] = bufA[j, sl] + bufB[j, sl]
            return 0

        lax.fori_loop(0, pb, _row, 0)
        pltpu.sync_copy(fbuf, out_hbm.at[pl.ds(base, pb)])



def kernel(x, adj, coo_data, W1, a_s1, a_d1, b1, W2, a_s2, a_d2, b2,
           mW1, mb1, mW2, mb2, mW3, mb3, mW4, mb4, mW5, mb5, mW6, mb6):
    src, dst = adj[0], adj[1]
    loop = jnp.arange(N_NODE, dtype=src.dtype)
    npad = E2P - (src.shape[0] + N_NODE)
    pad_src = jnp.zeros((npad,), src.dtype)
    pad_dst = jnp.full((npad,), N_NODE, src.dtype) + (
        jnp.arange(npad, dtype=src.dtype) % 16)
    src2 = jnp.concatenate([src, loop, pad_src])
    dst2 = jnp.concatenate([dst, loop, pad_dst])

    ones_row = jnp.zeros((1, 128), jnp.float32).at[0, R].set(1.0)

    def _wpack(W, a_s, a_d):
        return jnp.concatenate(
            [W, jnp.zeros((W.shape[0], 1), jnp.float32),
             (W @ a_s)[:, None], (W @ a_d)[:, None],
             jnp.zeros((W.shape[0], 61), jnp.float32)], axis=1)

    W1p = _wpack(W1, a_s1, a_d1)
    W2p = _wpack(W2, a_s2, a_d2)

    haug1 = _dense1(x, W1p, ones_row)
    acc1 = _edge_kernel(haug1, haug1[:, 65], haug1[:, 66], src2, dst2)

    haug2 = _combine2(acc1, b1.reshape(1, R), W2p, ones_row)
    acc2 = _edge_kernel(haug2, haug2[:, 65], haug2[:, 66], src2, dst2)

    ridx = coo_data[:, 0]
    didx = coo_data[:, 1] + NUM_RNA
    rawl, rawr = _pair_kernel(acc2[0], acc2[1], ridx, didx)
    b2cat = jnp.concatenate([b2, b2]).reshape(1, 128)

    mWbs = []
    for w, b in ((mW1, mb1), (mW2, mb2), (mW3, mb3), (mW4, mb4),
                 (mW5, mb5), (mW6, mb6)):
        o, i = w.shape
        mWbs.append((jnp.pad(w, ((0, 128 - o), (0, 128 - i))),
                     jnp.pad(b.reshape(1, -1), ((0, 0), (0, 128 - o)))))
    return _mlp(rawl, rawr, b2cat, mWbs)

# --- scband reference (transcript-rebuilt; emitter-appended) ---
"""Pipeline reference for scband-hggn-56014963474545 (READ-ONLY COPY).

The authoritative reference and input builder live on the scoring server;
editing this copy changes nothing except your own understanding.
"""

import jax, jax.numpy as jnp
import numpy as np

NUM_RNA = 6000
NUM_DIS = 3990
N_GLOBAL = 10
N_NODE = 10000
N_FEAT = 128
R = 64
N_EDGES = 320000
N_PAIRS = 4096


def _glorot(key, shape):
    fan_out, fan_in = shape[0], shape[1]
    limit = float(np.sqrt(6.0 / (fan_in + fan_out)))
    return jax.random.uniform(key, shape, dtype=jnp.float32, minval=-limit, maxval=limit)


def setup_inputs(seed: int = 0):
    key = jax.random.key(seed)
    ks = jax.random.split(key, 32)
    inp = {}
    inp['x'] = jax.random.normal(ks[0], (N_NODE, N_FEAT), dtype=jnp.float32)
    inp['adj'] = jax.random.randint(ks[1], (2, N_EDGES), 0, N_NODE, dtype=jnp.int32)
    inp['coo_data'] = jax.random.randint(ks[2], (N_PAIRS, 2), 0, NUM_DIS, dtype=jnp.int32)
    # GAT layer 1 (in=N_FEAT, out=R)
    inp['W1'] = _glorot(ks[3], (N_FEAT, R))
    inp['a_s1'] = jax.random.uniform(ks[4], (R,), dtype=jnp.float32, minval=-0.3, maxval=0.3)
    inp['a_d1'] = jax.random.uniform(ks[5], (R,), dtype=jnp.float32, minval=-0.3, maxval=0.3)
    inp['b1'] = jnp.zeros((R,), dtype=jnp.float32)
    # GAT layer 2 (in=R, out=R)
    inp['W2'] = _glorot(ks[6], (R, R))
    inp['a_s2'] = jax.random.uniform(ks[7], (R,), dtype=jnp.float32, minval=-0.3, maxval=0.3)
    inp['a_d2'] = jax.random.uniform(ks[8], (R,), dtype=jnp.float32, minval=-0.3, maxval=0.3)
    inp['b2'] = jnp.zeros((R,), dtype=jnp.float32)
    # MLP: 2R->R->R/2->32->16->8->1 (torch Linear convention, weight [out,in])
    dims = [(R, 2 * R), (R // 2, R), (32, R // 2), (16, 32), (8, 16), (1, 8)]
    for i, d in enumerate(dims):
        inp['mW%d' % (i + 1)] = _glorot(ks[9 + 2 * i], d)
        inp['mb%d' % (i + 1)] = jnp.zeros((d[0],), dtype=jnp.float32)
    return inp


def _gat(x, src, dst, W, a_s, a_d, b):
    N = x.shape[0]
    h = x @ W
    loop = jnp.arange(N, dtype=src.dtype)
    s2 = jnp.concatenate([src, loop])
    d2 = jnp.concatenate([dst, loop])
    e = jax.nn.leaky_relu((h @ a_s)[s2] + (h @ a_d)[d2], negative_slope=0.2)
    e_max = jax.lax.stop_gradient(jax.ops.segment_max(e, d2, num_segments=N))
    e_max = jnp.where(jnp.isfinite(e_max), e_max, 0.0)
    p = jnp.exp(e - e_max[d2])
    denom = jax.ops.segment_sum(p, d2, num_segments=N)
    alpha = p / (denom[d2] + 1e-16)
    out = jax.ops.segment_sum(h[s2] * alpha[:, None], d2, num_segments=N)
    return out + b


def reference(x, adj, coo_data, W1, a_s1, a_d1, b1, W2, a_s2, a_d2, b2, mW1, mb1, mW2, mb2, mW3, mb3, mW4, mb4, mW5, mb5, mW6, mb6):
    src, dst = adj[0], adj[1]
    h = _gat(x, src, dst, W1, a_s1, a_d1, b1)
    h = _gat(h, src, dst, W2, a_s2, a_d2, b2)
    xr = h[:NUM_RNA]
    xd = h[NUM_RNA:NUM_RNA + NUM_DIS]
    feat = jnp.concatenate([xr[coo_data[:, 0]], xd[coo_data[:, 1]]], axis=1)
    z = jax.nn.relu(feat @ mW1.T + mb1)
    z = jax.nn.relu(z @ mW2.T + mb2)
    z = jax.nn.relu(z @ mW3.T + mb3)
    z = jax.nn.relu(z @ mW4.T + mb4)
    z = jax.nn.relu(z @ mW5.T + mb5)
    z = jax.nn.sigmoid(z @ mW6.T + mb6)
    return z

if __name__ == "__main__":
    import jax
    _d = setup_inputs()
    print(jax.jit(kernel)(*tuple(_d.values())))

</pallas_src>

<mosaic_0001>
#map = affine_map<(d0, d1) -> (0, 0)>
#map1 = affine_map<(d0, d1) -> (0)>
#map2 = affine_map<(d0, d1) -> (0, 0, 0)>
module attributes {stable_mosaic.version = 14 : i64} {
  func.func @_edge_kernel(%arg0: i32, %arg1: i32, %arg2: memref<10000x128xf32, #tpu.memory_space<hbm>>, %arg3: memref<10000xf32, #tpu.memory_space<hbm>>, %arg4: memref<10000xf32, #tpu.memory_space<hbm>>, %arg5: memref<335872xi32, #tpu.memory_space<hbm>>, %arg6: memref<335872xi32, #tpu.memory_space<hbm>>, %arg7: memref<2x10112x128xf32, #tpu.memory_space<hbm>>, %arg8: memref<10000xf32, #tpu.memory_space<vmem>>, %arg9: memref<10000xf32, #tpu.memory_space<vmem>>, %arg10: memref<128xi32, #tpu.memory_space<vmem>>, %arg11: memref<128xi32, #tpu.memory_space<vmem>>, %arg12: memref<144xf32, #tpu.memory_space<vmem>>, %arg13: memref<128x128xf32, #tpu.memory_space<vmem>>, %arg14: memref<10112x128xf32, #tpu.memory_space<vmem_shared>>, %arg15: memref<!tpu.dma_semaphore, #tpu.memory_space<semaphore_mem>>) attributes {dimension_semantics = [#tpu.dimension_semantics<core_parallel>, #tpu.dimension_semantics<subcore_parallel>], iteration_bounds = array<i64: 2, 16>, scalar_prefetch = 0 : i64, scratch_operands = 8 : i64, tpu.core_type = #tpu.core_type<sc_vector_subcore>, window_params = [{transform_indices = #map}, {transform_indices = #map1}, {transform_indices = #map1}, {transform_indices = #map1}, {transform_indices = #map1}, {transform_indices = #map2}]} {
    %mul3A = arith.constant 2 : i32
    %mul3A_0 = arith.muli %arg1, %mul3A : i32
    %add3A = arith.addi %mul3A_0, %arg0 : i32
    %scan3A = arith.constant 0 : i32
    %scan3A_1 = arith.constant 0 : i32
    %scan3A_2 = arith.constant 128 : i32
    %scan3A_3 = arith.addi %scan3A_1, %scan3A_2 : i32
    %scan3A_4 = arith.constant 1 : i32
    %scan3A_5 = scf.for %scan3A_27 = %scan3A_1 to %scan3A_3 step %scan3A_4 iter_args(%scan3A_28 = %scan3A) -> (i32)  : i32 {
      %broadcast_in_dim3A = arith.constant 0.000000e+00 : f32
      %broadcast_in_dim3A_29 = vector.broadcast %broadcast_in_dim3A : f32 to vector<16xf32>
      %swap3A = arith.index_cast %scan3A_27 : i32 to index
      %swap3A_30 = arith.constant 0 : index
      %swap3A_31 = tpu.vector_load %arg13[%swap3A, %swap3A_30] {strides = array<i32>} : memref<128x128xf32, #tpu.memory_space<vmem>>, vector<16xf32>,
      tpu.vector_store %arg13[%swap3A, %swap3A_30], %broadcast_in_dim3A_29 {strides = array<i32>} : memref<128x128xf32, #tpu.memory_space<vmem>>, vector<16xf32>,
      %swap3A_32 = arith.index_cast %scan3A_27 : i32 to index
      %swap3A_33 = arith.constant 16 : index
      %swap3A_34 = tpu.vector_load %arg13[%swap3A_32, %swap3A_33] {strides = array<i32>} : memref<128x128xf32, #tpu.memory_space<vmem>>, vector<16xf32>,
      tpu.vector_store %arg13[%swap3A_32, %swap3A_33], %broadcast_in_dim3A_29 {strides = array<i32>} : memref<128x128xf32, #tpu.memory_space<vmem>>, vector<16xf32>,
      %swap3A_35 = arith.index_cast %scan3A_27 : i32 to index
      %swap3A_36 = arith.constant 32 : index
      %swap3A_37 = tpu.vector_load %arg13[%swap3A_35, %swap3A_36] {strides = array<i32>} : memref<128x128xf32, #tpu.memory_space<vmem>>, vector<16xf32>,
      tpu.vector_store %arg13[%swap3A_35, %swap3A_36], %broadcast_in_dim3A_29 {strides = array<i32>} : memref<128x128xf32, #tpu.memory_space<vmem>>, vector<16xf32>,
      %swap3A_38 = arith.index_cast %scan3A_27 : i32 to index
      %swap3A_39 = arith.constant 48 : index
      %swap3A_40 = tpu.vector_load %arg13[%swap3A_38, %swap3A_39] {strides = array<i32>} : memref<128x128xf32, #tpu.memory_space<vmem>>, vector<16xf32>,
      tpu.vector_store %arg13[%swap3A_38, %swap3A_39], %broadcast_in_dim3A_29 {strides = array<i32>} : memref<128x128xf32, #tpu.memory_space<vmem>>, vector<16xf32>,
      %swap3A_41 = arith.index_cast %scan3A_27 : i32 to index
      %swap3A_42 = arith.constant 64 : index
      %swap3A_43 = tpu.vector_load %arg13[%swap3A_41, %swap3A_42] {strides = array<i32>} : memref<128x128xf32, #tpu.memory_space<vmem>>, vector<16xf32>,
      tpu.vector_store %arg13[%swap3A_41, %swap3A_42], %broadcast_in_dim3A_29 {strides = array<i32>} : memref<128x128xf32, #tpu.memory_space<vmem>>, vector<16xf32>,
      %swap3A_44 = arith.index_cast %scan3A_27 : i32 to index
      %swap3A_45 = arith.constant 80 : index
      %swap3A_46 = tpu.vector_load %arg13[%swap3A_44, %swap3A_45] {strides = array<i32>} : memref<128x128xf32, #tpu.memory_space<vmem>>, vector<16xf32>,
      tpu.vector_store %arg13[%swap3A_44, %swap3A_45], %broadcast_in_dim3A_29 {strides = array<i32>} : memref<128x128xf32, #tpu.memory_space<vmem>>, vector<16xf32>,
      %swap3A_47 = arith.index_cast %scan3A_27 : i32 to index
      %swap3A_48 = arith.constant 96 : index
      %swap3A_49 = tpu.vector_load %arg13[%swap3A_47, %swap3A_48] {strides = array<i32>} : memref<128x128xf32, #tpu.memory_space<vmem>>, vector<16xf32>,
      tpu.vector_store %arg13[%swap3A_47, %swap3A_48], %broadcast_in_dim3A_29 {strides = array<i32>} : memref<128x128xf32, #tpu.memory_space<vmem>>, vector<16xf32>,
      %swap3A_50 = arith.index_cast %scan3A_27 : i32 to index
      %swap3A_51 = arith.constant 112 : index
      %swap3A_52 = tpu.vector_load %arg13[%swap3A_50, %swap3A_51] {strides = array<i32>} : memref<128x128xf32, #tpu.memory_space<vmem>>, vector<16xf32>,
      tpu.vector_store %arg13[%swap3A_50, %swap3A_51], %broadcast_in_dim3A_29 {strides = array<i32>} : memref<128x128xf32, #tpu.memory_space<vmem>>, vector<16xf32>,
      %scan3A_53 = arith.constant 0 : i32
      scf.yield %scan3A_53 : i32
    }
    %scan3A_6 = arith.constant 128 : i32
    %mul3A_7 = arith.constant 632 : i32
    %mul3A_8 = arith.muli %arg1, %mul3A_7 : i32
    %add3A_9 = arith.constant 0 : i32
    %add3A_10 = arith.addi %mul3A_8, %add3A_9 : i32
    "tpu.region"() ({
      %run_scoped3A = tpu.sem_alloc : memref<!tpu.dma_semaphore, #tpu.memory_space<semaphore_mem>>
      %dma_start3A = arith.constant 0 : i32
      %dma_start3A_27 = arith.constant 0 : i32
      %dma_start3A_28 = tpu.memref_slice %arg13[%dma_start3A, %dma_start3A_27] : memref<128x128xf32, #tpu.memory_space<vmem>> -> memref<128x128xf32, #tpu.memory_space<vmem>>
      %dma_start3A_29 = arith.constant 0 : i32
      %dma_start3A_30 = tpu.memref_slice %arg14[%add3A_10, %dma_start3A_29] : memref<10112x128xf32, #tpu.memory_space<vmem_shared>> -> memref<128x128xf32, #tpu.memory_space<vmem_shared>>
      %dma_start3A_31 = arith.constant 0 : i32
      %dma_start3A_32 = tpu.memref_slice %arg14[%add3A_10, %dma_start3A_31] : memref<10112x128xf32, #tpu.memory_space<vmem_shared>> -> memref<128x128xf32, #tpu.memory_space<vmem_shared>>
      %dma_start3A_33 = arith.constant 0 : i32
      %dma_start3A_34 = arith.constant 0 : i32
      %dma_start3A_35 = tpu.memref_slice %arg13[%dma_start3A_33, %dma_start3A_34] : memref<128x128xf32, #tpu.memory_space<vmem>> -> memref<128x128xf32, #tpu.memory_space<vmem>>
      tpu.enqueue_dma source(%dma_start3A_35 : memref<128x128xf32, #tpu.memory_space<vmem>>) target(%dma_start3A_32 : memref<128x128xf32, #tpu.memory_space<vmem_shared>>) target_semaphore(%run_scoped3A : memref<!tpu.dma_semaphore, #tpu.memory_space<semaphore_mem>>)
      %dma_wait3A = arith.constant 0 : i32
      %dma_wait3A_36 = arith.constant 0 : i32
      %dma_wait3A_37 = tpu.memref_slice %arg13[%dma_wait3A, %dma_wait3A_36] : memref<128x128xf32, #tpu.memory_space<vmem>> -> memref<128x128xf32, #tpu.memory_space<vmem>>
      %dma_wait3A_38 = arith.constant 0 : i32
      %dma_wait3A_39 = tpu.memref_slice %arg14[%add3A_10, %dma_wait3A_38] : memref<10112x128xf32, #tpu.memory_space<vmem_shared>> -> memref<128x128xf32, #tpu.memory_space<vmem_shared>>
      %dma_wait3A_40 = arith.constant 0 : i32
      %dma_wait3A_41 = tpu.memref_slice %arg14[%add3A_10, %dma_wait3A_40] : memref<10112x128xf32, #tpu.memory_space<vmem_shared>> -> memref<128x128xf32, #tpu.memory_space<vmem_shared>>
      %dma_wait3A_42 = arith.constant 0 : i32
      %dma_wait3A_43 = arith.constant 0 : i32
      %dma_wait3A_44 = tpu.memref_slice %arg13[%dma_wait3A_42, %dma_wait3A_43] : memref<128x128xf32, #tpu.memory_space<vmem>> -> memref<128x128xf32, #tpu.memory_space<vmem>>
      tpu.wait_dma2 semaphore(%run_scoped3A : memref<!tpu.dma_semaphore, #tpu.memory_space<semaphore_mem>>) src(%dma_wait3A_44 : memref<128x128xf32, #tpu.memory_space<vmem>>) dst(%dma_wait3A_41 : memref<128x128xf32, #tpu.memory_space<vmem_shared>>)
      tpu.yield
    }) : () -> ()
    %add3A_11 = arith.constant 128 : i32
    %add3A_12 = arith.addi %mul3A_8, %add3A_11 : i32
    "tpu.region"() ({
      %run_scoped3A = tpu.sem_alloc : memref<!tpu.dma_semaphore, #tpu.memory_space<semaphore_mem>>
      %dma_start3A = arith.constant 0 : i32
      %dma_start3A_27 = arith.constant 0 : i32
      %dma_start3A_28 = tpu.memref_slice %arg13[%dma_start3A, %dma_start3A_27] : memref<128x128xf32, #tpu.memory_space<vmem>> -> memref<128x128xf32, #tpu.memory_space<vmem>>
      %dma_start3A_29 = arith.constant 0 : i32
      %dma_start3A_30 = tpu.memref_slice %arg14[%add3A_12, %dma_start3A_29] : memref<10112x128xf32, #tpu.memory_space<vmem_shared>> -> memref<128x128xf32, #tpu.memory_space<vmem_shared>>
      %dma_start3A_31 = arith.constant 0 : i32
      %dma_start3A_32 = tpu.memref_slice %arg14[%add3A_12, %dma_start3A_31] : memref<10112x128xf32, #tpu.memory_space<vmem_shared>> -> memref<128x128xf32, #tpu.memory_space<vmem_shared>>
      %dma_start3A_33 = arith.constant 0 : i32
      %dma_start3A_34 = arith.constant 0 : i32
      %dma_start3A_35 = tpu.memref_slice %arg13[%dma_start3A_33, %dma_start3A_34] : memref<128x128xf32, #tpu.memory_space<vmem>> -> memref<128x128xf32, #tpu.memory_space<vmem>>
      tpu.enqueue_dma source(%dma_start3A_35 : memref<128x128xf32, #tpu.memory_space<vmem>>) target(%dma_start3A_32 : memref<128x128xf32, #tpu.memory_space<vmem_shared>>) target_semaphore(%run_scoped3A : memref<!tpu.dma_semaphore, #tpu.memory_space<semaphore_mem>>)
      %dma_wait3A = arith.constant 0 : i32
      %dma_wait3A_36 = arith.constant 0 : i32
      %dma_wait3A_37 = tpu.memref_slice %arg13[%dma_wait3A, %dma_wait3A_36] : memref<128x128xf32, #tpu.memory_space<vmem>> -> memref<128x128xf32, #tpu.memory_space<vmem>>
      %dma_wait3A_38 = arith.constant 0 : i32
      %dma_wait3A_39 = tpu.memref_slice %arg14[%add3A_12, %dma_wait3A_38] : memref<10112x128xf32, #tpu.memory_space<vmem_shared>> -> memref<128x128xf32, #tpu.memory_space<vmem_shared>>
      %dma_wait3A_40 = arith.constant 0 : i32
      %dma_wait3A_41 = tpu.memref_slice %arg14[%add3A_12, %dma_wait3A_40] : memref<10112x128xf32, #tpu.memory_space<vmem_shared>> -> memref<128x128xf32, #tpu.memory_space<vmem_shared>>
      %dma_wait3A_42 = arith.constant 0 : i32
      %dma_wait3A_43 = arith.constant 0 : i32
      %dma_wait3A_44 = tpu.memref_slice %arg13[%dma_wait3A_42, %dma_wait3A_43] : memref<128x128xf32, #tpu.memory_space<vmem>> -> memref<128x128xf32, #tpu.memory_space<vmem>>
      tpu.wait_dma2 semaphore(%run_scoped3A : memref<!tpu.dma_semaphore, #tpu.memory_space<semaphore_mem>>) src(%dma_wait3A_44 : memref<128x128xf32, #tpu.memory_space<vmem>>) dst(%dma_wait3A_41 : memref<128x128xf32, #tpu.memory_space<vmem_shared>>)
      tpu.yield
    }) : () -> ()
    %add3A_13 = arith.constant 256 : i32
    %add3A_14 = arith.addi %mul3A_8, %add3A_13 : i32
    "tpu.region"() ({
      %run_scoped3A = tpu.sem_alloc : memref<!tpu.dma_semaphore, #tpu.memory_space<semaphore_mem>>
      %dma_start3A = arith.constant 0 : i32
      %dma_start3A_27 = arith.constant 0 : i32
      %dma_start3A_28 = tpu.memref_slice %arg13[%dma_start3A, %dma_start3A_27] : memref<128x128xf32, #tpu.memory_space<vmem>> -> memref<128x128xf32, #tpu.memory_space<vmem>>
      %dma_start3A_29 = arith.constant 0 : i32
      %dma_start3A_30 = tpu.memref_slice %arg14[%add3A_14, %dma_start3A_29] : memref<10112x128xf32, #tpu.memory_space<vmem_shared>> -> memref<128x128xf32, #tpu.memory_space<vmem_shared>>
      %dma_start3A_31 = arith.constant 0 : i32
      %dma_start3A_32 = tpu.memref_slice %arg14[%add3A_14, %dma_start3A_31] : memref<10112x128xf32, #tpu.memory_space<vmem_shared>> -> memref<128x128xf32, #tpu.memory_space<vmem_shared>>
      %dma_start3A_33 = arith.constant 0 : i32
      %dma_start3A_34 = arith.constant 0 : i32
      %dma_start3A_35 = tpu.memref_slice %arg13[%dma_start3A_33, %dma_start3A_34] : memref<128x128xf32, #tpu.memory_space<vmem>> -> memref<128x128xf32, #tpu.memory_space<vmem>>
      tpu.enqueue_dma source(%dma_start3A_35 : memref<128x128xf32, #tpu.memory_space<vmem>>) target(%dma_start3A_32 : memref<128x128xf32, #tpu.memory_space<vmem_shared>>) target_semaphore(%run_scoped3A : memref<!tpu.dma_semaphore, #tpu.memory_space<semaphore_mem>>)
      %dma_wait3A = arith.constant 0 : i32
      %dma_wait3A_36 = arith.constant 0 : i32
      %dma_wait3A_37 = tpu.memref_slice %arg13[%dma_wait3A, %dma_wait3A_36] : memref<128x128xf32, #tpu.memory_space<vmem>> -> memref<128x128xf32, #tpu.memory_space<vmem>>
      %dma_wait3A_38 = arith.constant 0 : i32
      %dma_wait3A_39 = tpu.memref_slice %arg14[%add3A_14, %dma_wait3A_38] : memref<10112x128xf32, #tpu.memory_space<vmem_shared>> -> memref<128x128xf32, #tpu.memory_space<vmem_shared>>
      %dma_wait3A_40 = arith.constant 0 : i32
      %dma_wait3A_41 = tpu.memref_slice %arg14[%add3A_14, %dma_wait3A_40] : memref<10112x128xf32, #tpu.memory_space<vmem_shared>> -> memref<128x128xf32, #tpu.memory_space<vmem_shared>>
      %dma_wait3A_42 = arith.constant 0 : i32
      %dma_wait3A_43 = arith.constant 0 : i32
      %dma_wait3A_44 = tpu.memref_slice %arg13[%dma_wait3A_42, %dma_wait3A_43] : memref<128x128xf32, #tpu.memory_space<vmem>> -> memref<128x128xf32, #tpu.memory_space<vmem>>
      tpu.wait_dma2 semaphore(%run_scoped3A : memref<!tpu.dma_semaphore, #tpu.memory_space<semaphore_mem>>) src(%dma_wait3A_44 : memref<128x128xf32, #tpu.memory_space<vmem>>) dst(%dma_wait3A_41 : memref<128x128xf32, #tpu.memory_space<vmem_shared>>)
      tpu.yield
    }) : () -> ()
    %add3A_15 = arith.constant 384 : i32
    %add3A_16 = arith.addi %mul3A_8, %add3A_15 : i32
    "tpu.region"() ({
      %run_scoped3A = tpu.sem_alloc : memref<!tpu.dma_semaphore, #tpu.memory_space<semaphore_mem>>
      %dma_start3A = arith.constant 0 : i32
      %dma_start3A_27 = arith.constant 0 : i32
      %dma_start3A_28 = tpu.memref_slice %arg13[%dma_start3A, %dma_start3A_27] : memref<128x128xf32, #tpu.memory_space<vmem>> -> memref<128x128xf32, #tpu.memory_space<vmem>>
      %dma_start3A_29 = arith.constant 0 : i32
      %dma_start3A_30 = tpu.memref_slice %arg14[%add3A_16, %dma_start3A_29] : memref<10112x128xf32, #tpu.memory_space<vmem_shared>> -> memref<128x128xf32, #tpu.memory_space<vmem_shared>>
      %dma_start3A_31 = arith.constant 0 : i32
      %dma_start3A_32 = tpu.memref_slice %arg14[%add3A_16, %dma_start3A_31] : memref<10112x128xf32, #tpu.memory_space<vmem_shared>> -> memref<128x128xf32, #tpu.memory_space<vmem_shared>>
      %dma_start3A_33 = arith.constant 0 : i32
      %dma_start3A_34 = arith.constant 0 : i32
      %dma_start3A_35 = tpu.memref_slice %arg13[%dma_start3A_33, %dma_start3A_34] : memref<128x128xf32, #tpu.memory_space<vmem>> -> memref<128x128xf32, #tpu.memory_space<vmem>>
      tpu.enqueue_dma source(%dma_start3A_35 : memref<128x128xf32, #tpu.memory_space<vmem>>) target(%dma_start3A_32 : memref<128x128xf32, #tpu.memory_space<vmem_shared>>) target_semaphore(%run_scoped3A : memref<!tpu.dma_semaphore, #tpu.memory_space<semaphore_mem>>)
      %dma_wait3A = arith.constant 0 : i32
      %dma_wait3A_36 = arith.constant 0 : i32
      %dma_wait3A_37 = tpu.memref_slice %arg13[%dma_wait3A, %dma_wait3A_36] : memref<128x128xf32, #tpu.memory_space<vmem>> -> memref<128x128xf32, #tpu.memory_space<vmem>>
      %dma_wait3A_38 = arith.constant 0 : i32
      %dma_wait3A_39 = tpu.memref_slice %arg14[%add3A_16, %dma_wait3A_38] : memref<10112x128xf32, #tpu.memory_space<vmem_shared>> -> memref<128x128xf32, #tpu.memory_space<vmem_shared>>
      %dma_wait3A_40 = arith.constant 0 : i32
      %dma_wait3A_41 = tpu.memref_slice %arg14[%add3A_16, %dma_wait3A_40] : memref<10112x128xf32, #tpu.memory_space<vmem_shared>> -> memref<128x128xf32, #tpu.memory_space<vmem_shared>>
      %dma_wait3A_42 = arith.constant 0 : i32
      %dma_wait3A_43 = arith.constant 0 : i32
      %dma_wait3A_44 = tpu.memref_slice %arg13[%dma_wait3A_42, %dma_wait3A_43] : memref<128x128xf32, #tpu.memory_space<vmem>> -> memref<128x128xf32, #tpu.memory_space<vmem>>
      tpu.wait_dma2 semaphore(%run_scoped3A : memref<!tpu.dma_semaphore, #tpu.memory_space<semaphore_mem>>) src(%dma_wait3A_44 : memref<128x128xf32, #tpu.memory_space<vmem>>) dst(%dma_wait3A_41 : memref<128x128xf32, #tpu.memory_space<vmem_shared>>)
      tpu.yield
    }) : () -> ()
    %add3A_17 = arith.constant 512 : i32
    %add3A_18 = arith.addi %mul3A_8, %add3A_17 : i32
    "tpu.region"() ({
      %run_scoped3A = tpu.sem_alloc : memref<!tpu.dma_semaphore, #tpu.memory_space<semaphore_mem>>
      %dma_start3A = arith.constant 0 : i32
      %dma_start3A_27 = arith.constant 0 : i32
      %dma_start3A_28 = tpu.memref_slice %arg13[%dma_start3A, %dma_start3A_27] : memref<128x128xf32, #tpu.memory_space<vmem>> -> memref<120x128xf32, #tpu.memory_space<vmem>>
      %dma_start3A_29 = arith.constant 0 : i32
      %dma_start3A_30 = tpu.memref_slice %arg14[%add3A_18, %dma_start3A_29] : memref<10112x128xf32, #tpu.memory_space<vmem_shared>> -> memref<120x128xf32, #tpu.memory_space<vmem_shared>>
      %dma_start3A_31 = arith.constant 0 : i32
      %dma_start3A_32 = tpu.memref_slice %arg14[%add3A_18, %dma_start3A_31] : memref<10112x128xf32, #tpu.memory_space<vmem_shared>> -> memref<120x128xf32, #tpu.memory_space<vmem_shared>>
      %dma_start3A_33 = arith.constant 0 : i32
      %dma_start3A_34 = arith.constant 0 : i32
      %dma_start3A_35 = tpu.memref_slice %arg13[%dma_start3A_33, %dma_start3A_34] : memref<128x128xf32, #tpu.memory_space<vmem>> -> memref<120x128xf32, #tpu.memory_space<vmem>>
      tpu.enqueue_dma source(%dma_start3A_35 : memref<120x128xf32, #tpu.memory_space<vmem>>) target(%dma_start3A_32 : memref<120x128xf32, #tpu.memory_space<vmem_shared>>) target_semaphore(%run_scoped3A : memref<!tpu.dma_semaphore, #tpu.memory_space<semaphore_mem>>)
      %dma_wait3A = arith.constant 0 : i32
      %dma_wait3A_36 = arith.constant 0 : i32
      %dma_wait3A_37 = tpu.memref_slice %arg13[%dma_wait3A, %dma_wait3A_36] : memref<128x128xf32, #tpu.memory_space<vmem>> -> memref<120x128xf32, #tpu.memory_space<vmem>>
      %dma_wait3A_38 = arith.constant 0 : i32
      %dma_wait3A_39 = tpu.memref_slice %arg14[%add3A_18, %dma_wait3A_38] : memref<10112x128xf32, #tpu.memory_space<vmem_shared>> -> memref<120x128xf32, #tpu.memory_space<vmem_shared>>
      %dma_wait3A_40 = arith.constant 0 : i32
      %dma_wait3A_41 = tpu.memref_slice %arg14[%add3A_18, %dma_wait3A_40] : memref<10112x128xf32, #tpu.memory_space<vmem_shared>> -> memref<120x128xf32, #tpu.memory_space<vmem_shared>>
      %dma_wait3A_42 = arith.constant 0 : i32
      %dma_wait3A_43 = arith.constant 0 : i32
      %dma_wait3A_44 = tpu.memref_slice %arg13[%dma_wait3A_42, %dma_wait3A_43] : memref<128x128xf32, #tpu.memory_space<vmem>> -> memref<120x128xf32, #tpu.memory_space<vmem>>
      tpu.wait_dma2 semaphore(%run_scoped3A : memref<!tpu.dma_semaphore, #tpu.memory_space<semaphore_mem>>) src(%dma_wait3A_44 : memref<120x128xf32, #tpu.memory_space<vmem>>) dst(%dma_wait3A_41 : memref<120x128xf32, #tpu.memory_space<vmem_shared>>)
      tpu.yield
    }) : () -> ()
    %barrier3A = arith.constant 0 : index
    tpu.barrier barrier_id(%barrier3A)
    "tpu.region"() ({
      %run_scoped3A = tpu.sem_alloc : memref<!tpu.dma_semaphore, #tpu.memory_space<semaphore_mem>>
      tpu.enqueue_dma source(%arg3 : memref<10000xf32, #tpu.memory_space<hbm>>) target(%arg8 : memref<10000xf32, #tpu.memory_space<vmem>>) target_semaphore(%run_scoped3A : memref<!tpu.dma_semaphore, #tpu.memory_space<semaphore_mem>>)
      tpu.wait_dma2 semaphore(%run_scoped3A : memref<!tpu.dma_semaphore, #tpu.memory_space<semaphore_mem>>) src(%arg3 : memref<10000xf32, #tpu.memory_space<hbm>>) dst(%arg8 : memref<10000xf32, #tpu.memory_space<vmem>>)
      tpu.yield
    }) : () -> ()
    "tpu.region"() ({
      %run_scoped3A = tpu.sem_alloc : memref<!tpu.dma_semaphore, #tpu.memory_space<semaphore_mem>>
      tpu.enqueue_dma source(%arg4 : memref<10000xf32, #tpu.memory_space<hbm>>) target(%arg9 : memref<10000xf32, #tpu.memory_space<vmem>>) target_semaphore(%run_scoped3A : memref<!tpu.dma_semaphore, #tpu.memory_space<semaphore_mem>>)
      tpu.wait_dma2 semaphore(%run_scoped3A : memref<!tpu.dma_semaphore, #tpu.memory_space<semaphore_mem>>) src(%arg4 : memref<10000xf32, #tpu.memory_space<hbm>>) dst(%arg9 : memref<10000xf32, #tpu.memory_space<vmem>>)
      tpu.yield
    }) : () -> ()
    %scan3A_19 = arith.constant 0 : i32
    %scan3A_20 = arith.constant 0 : i32
    %scan3A_21 = arith.constant 82 : i32
    %scan3A_22 = arith.addi %scan3A_20, %scan3A_21 : i32
    %scan3A_23 = arith.constant 1 : i32
    %scan3A_24 = scf.for %scan3A_27 = %scan3A_20 to %scan3A_22 step %scan3A_23 iter_args(%scan3A_28 = %scan3A_19) -> (i32)  : i32 {
      %mul3A_29 = arith.constant 82 : i32
      %mul3A_30 = arith.muli %add3A, %mul3A_29 : i32
      %add3A_31 = arith.addi %mul3A_30, %scan3A_27 : i32
      %mul3A_32 = arith.constant 128 : i32
      %mul3A_33 = arith.muli %add3A_31, %mul3A_32 : i32
      "tpu.region"() ({
        %run_scoped3A = tpu.sem_alloc : memref<!tpu.dma_semaphore, #tpu.memory_space<semaphore_mem>>
        %dma_start3A_171 = tpu.memref_slice %arg5[%mul3A_33] : memref<335872xi32, #tpu.memory_space<hbm>> -> memref<128xi32, #tpu.memory_space<hbm>>
        %dma_start3A_172 = tpu.memref_slice %arg5[%mul3A_33] : memref<335872xi32, #tpu.memory_space<hbm>> -> memref<128xi32, #tpu.memory_space<hbm>>
        tpu.enqueue_dma source(%dma_start3A_172 : memref<128xi32, #tpu.memory_space<hbm>>) target(%arg10 : memref<128xi32, #tpu.memory_space<vmem>>) target_semaphore(%run_scoped3A : memref<!tpu.dma_semaphore, #tpu.memory_space<semaphore_mem>>)
        %dma_wait3A_173 = tpu.memref_slice %arg5[%mul3A_33] : memref<335872xi32, #tpu.memory_space<hbm>> -> memref<128xi32, #tpu.memory_space<hbm>>
        %dma_wait3A_174 = tpu.memref_slice %arg5[%mul3A_33] : memref<335872xi32, #tpu.memory_space<hbm>> -> memref<128xi32, #tpu.memory_space<hbm>>
        tpu.wait_dma2 semaphore(%run_scoped3A : memref<!tpu.dma_semaphore, #tpu.memory_space<semaphore_mem>>) src(%dma_wait3A_174 : memref<128xi32, #tpu.memory_space<hbm>>) dst(%arg10 : memref<128xi32, #tpu.memory_space<vmem>>)
        tpu.yield
      }) : () -> ()
      "tpu.region"() ({
        %run_scoped3A = tpu.sem_alloc : memref<!tpu.dma_semaphore, #tpu.memory_space<semaphore_mem>>
        %dma_start3A_171 = tpu.memref_slice %arg6[%mul3A_33] : memref<335872xi32, #tpu.memory_space<hbm>> -> memref<128xi32, #tpu.memory_space<hbm>>
        %dma_start3A_172 = tpu.memref_slice %arg6[%mul3A_33] : memref<335872xi32, #tpu.memory_space<hbm>> -> memref<128xi32, #tpu.memory_space<hbm>>
        tpu.enqueue_dma source(%dma_start3A_172 : memref<128xi32, #tpu.memory_space<hbm>>) target(%arg11 : memref<128xi32, #tpu.memory_space<vmem>>) target_semaphore(%run_scoped3A : memref<!tpu.dma_semaphore, #tpu.memory_space<semaphore_mem>>)
        %dma_wait3A_173 = tpu.memref_slice %arg6[%mul3A_33] : memref<335872xi32, #tpu.memory_space<hbm>> -> memref<128xi32, #tpu.memory_space<hbm>>
        %dma_wait3A_174 = tpu.memref_slice %arg6[%mul3A_33] : memref<335872xi32, #tpu.memory_space<hbm>> -> memref<128xi32, #tpu.memory_space<hbm>>
        tpu.wait_dma2 semaphore(%run_scoped3A : memref<!tpu.dma_semaphore, #tpu.memory_space<semaphore_mem>>) src(%dma_wait3A_174 : memref<128xi32, #tpu.memory_space<hbm>>) dst(%arg11 : memref<128xi32, #tpu.memory_space<vmem>>)
        tpu.yield
      }) : () -> ()
      %dma_start3A = arith.constant 0 : i32
      %dma_start3A_34 = arith.constant 0 : i32
      %dma_start3A_35 = tpu.memref_slice %arg2[%dma_start3A, %dma_start3A_34] : memref<10000x128xf32, #tpu.memory_space<hbm>> -> memref<10000x128xf32, #tpu.memory_space<hbm>>
      tpu.enqueue_indirect_dma source(%dma_start3A_35 : memref<10000x128xf32, #tpu.memory_space<hbm>>) target(%arg13 : memref<128x128xf32, #tpu.memory_space<vmem>>) offsets(%arg10 : memref<128xi32, #tpu.memory_space<vmem>>) semaphore(%arg15 : memref<!tpu.dma_semaphore, #tpu.memory_space<semaphore_mem>>)
      %get3A = arith.constant 0 : index
      %get3A_36 = tpu.vector_load %arg10[%get3A] {strides = array<i32>} : memref<128xi32, #tpu.memory_space<vmem>>, vector<16xi32>,
      %get3A_37 = arith.constant 0 : index
      %get3A_38 = tpu.vector_load %arg11[%get3A_37] {strides = array<i32>} : memref<128xi32, #tpu.memory_space<vmem>>, vector<16xi32>,
      %gather3A = tpu.vector_load_idx %arg8[%get3A_36] : memref<10000xf32, #tpu.memory_space<vmem>>[vector<16xi32>], vector<16xf32>,
      %gather3A_39 = tpu.vector_load_idx %arg9[%get3A_38] : memref<10000xf32, #tpu.memory_space<vmem>>[vector<16xi32>], vector<16xf32>,
      %add3A_40 = arith.addf %gather3A, %gather3A_39 : vector<16xf32>
      %ge3A = arith.constant 0.000000e+00 : f32
      %ge3A_41 = vector.broadcast %ge3A : f32 to vector<16xf32>
      %ge3A_42 = arith.cmpf oge, %add3A_40, %ge3A_41 : vector<16xf32>
      %mul3A_43 = arith.constant 2.000000e-01 : f32
      %mul3A_44 = vector.broadcast %mul3A_43 : f32 to vector<16xf32>
      %mul3A_45 = arith.mulf %add3A_40, %mul3A_44 : vector<16xf32>
      %select_n3A = arith.select %ge3A_42, %add3A_40, %mul3A_45 : vector<16xi1>, vector<16xf32>
      %exp3A = math.exp %select_n3A : vector<16xf32>
      %swap3A = arith.constant 0 : index
      %swap3A_46 = tpu.vector_load %arg12[%swap3A] {strides = array<i32>} : memref<144xf32, #tpu.memory_space<vmem>>, vector<16xf32>,
      tpu.vector_store %arg12[%swap3A], %exp3A {strides = array<i32>} : memref<144xf32, #tpu.memory_space<vmem>>, vector<16xf32>,
      %get3A_47 = arith.constant 16 : index
      %get3A_48 = tpu.vector_load %arg10[%get3A_47] {strides = array<i32>} : memref<128xi32, #tpu.memory_space<vmem>>, vector<16xi32>,
      %get3A_49 = arith.constant 16 : index
      %get3A_50 = tpu.vector_load %arg11[%get3A_49] {strides = array<i32>} : memref<128xi32, #tpu.memory_space<vmem>>, vector<16xi32>,
      %gather3A_51 = tpu.vector_load_idx %arg8[%get3A_48] : memref<10000xf32, #tpu.memory_space<vmem>>[vector<16xi32>], vector<16xf32>,
      %gather3A_52 = tpu.vector_load_idx %arg9[%get3A_50] : memref<10000xf32, #tpu.memory_space<vmem>>[vector<16xi32>], vector<16xf32>,
      %add3A_53 = arith.addf %gather3A_51, %gather3A_52 : vector<16xf32>
      %ge3A_54 = arith.constant 0.000000e+00 : f32
      %ge3A_55 = vector.broadcast %ge3A_54 : f32 to vector<16xf32>
      %ge3A_56 = arith.cmpf oge, %add3A_53, %ge3A_55 : vector<16xf32>
      %mul3A_57 = arith.constant 2.000000e-01 : f32
      %mul3A_58 = vector.broadcast %mul3A_57 : f32 to vector<16xf32>
      %mul3A_59 = arith.mulf %add3A_53, %mul3A_58 : vector<16xf32>
      %select_n3A_60 = arith.select %ge3A_56, %add3A_53, %mul3A_59 : vector<16xi1>, vector<16xf32>
      %exp3A_61 = math.exp %select_n3A_60 : vector<16xf32>
      %swap3A_62 = arith.constant 16 : index
      %swap3A_63 = tpu.vector_load %arg12[%swap3A_62] {strides = array<i32>} : memref<144xf32, #tpu.memory_space<vmem>>, vector<16xf32>,
      tpu.vector_store %arg12[%swap3A_62], %exp3A_61 {strides = array<i32>} : memref<144xf32, #tpu.memory_space<vmem>>, vector<16xf32>,
      %get3A_64 = arith.constant 32 : index
      %get3A_65 = tpu.vector_load %arg10[%get3A_64] {strides = array<i32>} : memref<128xi32, #tpu.memory_space<vmem>>, vector<16xi32>,
      %get3A_66 = arith.constant 32 : index
      %get3A_67 = tpu.vector_load %arg11[%get3A_66] {strides = array<i32>} : memref<128xi32, #tpu.memory_space<vmem>>, vector<16xi32>,
      %gather3A_68 = tpu.vector_load_idx %arg8[%get3A_65] : memref<10000xf32, #tpu.memory_space<vmem>>[vector<16xi32>], vector<16xf32>,
      %gather3A_69 = tpu.vector_load_idx %arg9[%get3A_67] : memref<10000xf32, #tpu.memory_space<vmem>>[vector<16xi32>], vector<16xf32>,
      %add3A_70 = arith.addf %gather3A_68, %gather3A_69 : vector<16xf32>
      %ge3A_71 = arith.constant 0.000000e+00 : f32
      %ge3A_72 = vector.broadcast %ge3A_71 : f32 to vector<16xf32>
      %ge3A_73 = arith.cmpf oge, %add3A_70, %ge3A_72 : vector<16xf32>
      %mul3A_74 = arith.constant 2.000000e-01 : f32
      %mul3A_75 = vector.broadcast %mul3A_74 : f32 to vector<16xf32>
      %mul3A_76 = arith.mulf %add3A_70, %mul3A_75 : vector<16xf32>
      %select_n3A_77 = arith.select %ge3A_73, %add3A_70, %mul3A_76 : vector<16xi1>, vector<16xf32>
      %exp3A_78 = math.exp %select_n3A_77 : vector<16xf32>
      %swap3A_79 = arith.constant 32 : index
      %swap3A_80 = tpu.vector_load %arg12[%swap3A_79] {strides = array<i32>} : memref<144xf32, #tpu.memory_space<vmem>>, vector<16xf32>,
      tpu.vector_store %arg12[%swap3A_79], %exp3A_78 {strides = array<i32>} : memref<144xf32, #tpu.memory_space<vmem>>, vector<16xf32>,
      %get3A_81 = arith.constant 48 : index
      %get3A_82 = tpu.vector_load %arg10[%get3A_81] {strides = array<i32>} : memref<128xi32, #tpu.memory_space<vmem>>, vector<16xi32>,
      %get3A_83 = arith.constant 48 : index
      %get3A_84 = tpu.vector_load %arg11[%get3A_83] {strides = array<i32>} : memref<128xi32, #tpu.memory_space<vmem>>, vector<16xi32>,
      %gather3A_85 = tpu.vector_load_idx %arg8[%get3A_82] : memref<10000xf32, #tpu.memory_space<vmem>>[vector<16xi32>], vector<16xf32>,
      %gather3A_86 = tpu.vector_load_idx %arg9[%get3A_84] : memref<10000xf32, #tpu.memory_space<vmem>>[vector<16xi32>], vector<16xf32>,
      %add3A_87 = arith.addf %gather3A_85, %gather3A_86 : vector<16xf32>
      %ge3A_88 = arith.constant 0.000000e+00 : f32
      %ge3A_89 = vector.broadcast %ge3A_88 : f32 to vector<16xf32>
      %ge3A_90 = arith.cmpf oge, %add3A_87, %ge3A_89 : vector<16xf32>
      %mul3A_91 = arith.constant 2.000000e-01 : f32
      %mul3A_92 = vector.broadcast %mul3A_91 : f32 to vector<16xf32>
      %mul3A_93 = arith.mulf %add3A_87, %mul3A_92 : vector<16xf32>
      %select_n3A_94 = arith.select %ge3A_90, %add3A_87, %mul3A_93 : vector<16xi1>, vector<16xf32>
      %exp3A_95 = math.exp %select_n3A_94 : vector<16xf32>
      %swap3A_96 = arith.constant 48 : index
      %swap3A_97 = tpu.vector_load %arg12[%swap3A_96] {strides = array<i32>} : memref<144xf32, #tpu.memory_space<vmem>>, vector<16xf32>,
      tpu.vector_store %arg12[%swap3A_96], %exp3A_95 {strides = array<i32>} : memref<144xf32, #tpu.memory_space<vmem>>, vector<16xf32>,
      %get3A_98 = arith.constant 64 : index
      %get3A_99 = tpu.vector_load %arg10[%get3A_98] {strides = array<i32>} : memref<128xi32, #tpu.memory_space<vmem>>, vector<16xi32>,
      %get3A_100 = arith.constant 64 : index
      %get3A_101 = tpu.vector_load %arg11[%get3A_100] {strides = array<i32>} : memref<128xi32, #tpu.memory_space<vmem>>, vector<16xi32>,
      %gather3A_102 = tpu.vector_load_idx %arg8[%get3A_99] : memref<10000xf32, #tpu.memory_space<vmem>>[vector<16xi32>], vector<16xf32>,
      %gather3A_103 = tpu.vector_load_idx %arg9[%get3A_101] : memref<10000xf32, #tpu.memory_space<vmem>>[vector<16xi32>], vector<16xf32>,
      %add3A_104 = arith.addf %gather3A_102, %gather3A_103 : vector<16xf32>
      %ge3A_105 = arith.constant 0.000000e+00 : f32
      %ge3A_106 = vector.broadcast %ge3A_105 : f32 to vector<16xf32>
      %ge3A_107 = arith.cmpf oge, %add3A_104, %ge3A_106 : vector<16xf32>
      %mul3A_108 = arith.constant 2.000000e-01 : f32
      %mul3A_109 = vector.broadcast %mul3A_108 : f32 to vector<16xf32>
      %mul3A_110 = arith.mulf %add3A_104, %mul3A_109 : vector<16xf32>
      %select_n3A_111 = arith.select %ge3A_107, %add3A_104, %mul3A_110 : vector<16xi1>, vector<16xf32>
      %exp3A_112 = math.exp %select_n3A_111 : vector<16xf32>
      %swap3A_113 = arith.constant 64 : index
      %swap3A_114 = tpu.vector_load %arg12[%swap3A_113] {strides = array<i32>} : memref<144xf32, #tpu.memory_space<vmem>>, vector<16xf32>,
      tpu.vector_store %arg12[%swap3A_113], %exp3A_112 {strides = array<i32>} : memref<144xf32, #tpu.memory_space<vmem>>, vector<16xf32>,
      %get3A_115 = arith.constant 80 : index
      %get3A_116 = tpu.vector_load %arg10[%get3A_115] {strides = array<i32>} : memref<128xi32, #tpu.memory_space<vmem>>, vector<16xi32>,
      %get3A_117 = arith.constant 80 : index
      %get3A_118 = tpu.vector_load %arg11[%get3A_117] {strides = array<i32>} : memref<128xi32, #tpu.memory_space<vmem>>, vector<16xi32>,
      %gather3A_119 = tpu.vector_load_idx %arg8[%get3A_116] : memref<10000xf32, #tpu.memory_space<vmem>>[vector<16xi32>], vector<16xf32>,
      %gather3A_120 = tpu.vector_load_idx %arg9[%get3A_118] : memref<10000xf32, #tpu.memory_space<vmem>>[vector<16xi32>], vector<16xf32>,
      %add3A_121 = arith.addf %gather3A_119, %gather3A_120 : vector<16xf32>
      %ge3A_122 = arith.constant 0.000000e+00 : f32
      %ge3A_123 = vector.broadcast %ge3A_122 : f32 to vector<16xf32>
      %ge3A_124 = arith.cmpf oge, %add3A_121, %ge3A_123 : vector<16xf32>
      %mul3A_125 = arith.constant 2.000000e-01 : f32
      %mul3A_126 = vector.broadcast %mul3A_125 : f32 to vector<16xf32>
      %mul3A_127 = arith.mulf %add3A_121, %mul3A_126 : vector<16xf32>
      %select_n3A_128 = arith.select %ge3A_124, %add3A_121, %mul3A_127 : vector<16xi1>, vector<16xf32>
      %exp3A_129 = math.exp %select_n3A_128 : vector<16xf32>
      %swap3A_130 = arith.constant 80 : index
      %swap3A_131 = tpu.vector_load %arg12[%swap3A_130] {strides = array<i32>} : memref<144xf32, #tpu.memory_space<vmem>>, vector<16xf32>,
      tpu.vector_store %arg12[%swap3A_130], %exp3A_129 {strides = array<i32>} : memref<144xf32, #tpu.memory_space<vmem>>, vector<16xf32>,
      %get3A_132 = arith.constant 96 : index
      %get3A_133 = tpu.vector_load %arg10[%get3A_132] {strides = array<i32>} : memref<128xi32, #tpu.memory_space<vmem>>, vector<16xi32>,
      %get3A_134 = arith.constant 96 : index
      %get3A_135 = tpu.vector_load %arg11[%get3A_134] {strides = array<i32>} : memref<128xi32, #tpu.memory_space<vmem>>, vector<16xi32>,
      %gather3A_136 = tpu.vector_load_idx %arg8[%get3A_133] : memref<10000xf32, #tpu.memory_space<vmem>>[vector<16xi32>], vector<16xf32>,
      %gather3A_137 = tpu.vector_load_idx %arg9[%get3A_135] : memref<10000xf32, #tpu.memory_space<vmem>>[vector<16xi32>], vector<16xf32>,
      %add3A_138 = arith.addf %gather3A_136, %gather3A_137 : vector<16xf32>
      %ge3A_139 = arith.constant 0.000000e+00 : f32
      %ge3A_140 = vector.broadcast %ge3A_139 : f32 to vector<16xf32>
      %ge3A_141 = arith.cmpf oge, %add3A_138, %ge3A_140 : vector<16xf32>
      %mul3A_142 = arith.constant 2.000000e-01 : f32
      %mul3A_143 = vector.broadcast %mul3A_142 : f32 to vector<16xf32>
      %mul3A_144 = arith.mulf %add3A_138, %mul3A_143 : vector<16xf32>
      %select_n3A_145 = arith.select %ge3A_141, %add3A_138, %mul3A_144 : vector<16xi1>, vector<16xf32>
      %exp3A_146 = math.exp %select_n3A_145 : vector<16xf32>
      %swap3A_147 = arith.constant 96 : index
      %swap3A_148 = tpu.vector_load %arg12[%swap3A_147] {strides = array<i32>} : memref<144xf32, #tpu.memory_space<vmem>>, vector<16xf32>,
      tpu.vector_store %arg12[%swap3A_147], %exp3A_146 {strides = array<i32>} : memref<144xf32, #tpu.memory_space<vmem>>, vector<16xf32>,
      %get3A_149 = arith.constant 112 : index
      %get3A_150 = tpu.vector_load %arg10[%get3A_149] {strides = array<i32>} : memref<128xi32, #tpu.memory_space<vmem>>, vector<16xi32>,
      %get3A_151 = arith.constant 112 : index
      %get3A_152 = tpu.vector_load %arg11[%get3A_151] {strides = array<i32>} : memref<128xi32, #tpu.memory_space<vmem>>, vector<16xi32>,
      %gather3A_153 = tpu.vector_load_idx %arg8[%get3A_150] : memref<10000xf32, #tpu.memory_space<vmem>>[vector<16xi32>], vector<16xf32>,
      %gather3A_154 = tpu.vector_load_idx %arg9[%get3A_152] : memref<10000xf32, #tpu.memory_space<vmem>>[vector<16xi32>], vector<16xf32>,
      %add3A_155 = arith.addf %gather3A_153, %gather3A_154 : vector<16xf32>
      %ge3A_156 = arith.constant 0.000000e+00 : f32
      %ge3A_157 = vector.broadcast %ge3A_156 : f32 to vector<16xf32>
      %ge3A_158 = arith.cmpf oge, %add3A_155, %ge3A_157 : vector<16xf32>
      %mul3A_159 = arith.constant 2.000000e-01 : f32
      %mul3A_160 = vector.broadcast %mul3A_159 : f32 to vector<16xf32>
      %mul3A_161 = arith.mulf %add3A_155, %mul3A_160 : vector<16xf32>
      %select_n3A_162 = arith.select %ge3A_158, %add3A_155, %mul3A_161 : vector<16xi1>, vector<16xf32>
      %exp3A_163 = math.exp %select_n3A_162 : vector<16xf32>
      %swap3A_164 = arith.constant 112 : index
      %swap3A_165 = tpu.vector_load %arg12[%swap3A_164] {strides = array<i32>} : memref<144xf32, #tpu.memory_space<vmem>>, vector<16xf32>,
      tpu.vector_store %arg12[%swap3A_164], %exp3A_163 {strides = array<i32>} : memref<144xf32, #tpu.memory_space<vmem>>, vector<16xf32>,
      %dma_wait3A = arith.constant 0 : i32
      %dma_wait3A_166 = arith.constant 0 : i32
      %dma_wait3A_167 = tpu.memref_slice %arg2[%dma_wait3A, %dma_wait3A_166] : memref<10000x128xf32, #tpu.memory_space<hbm>> -> memref<10000x128xf32, #tpu.memory_space<hbm>>
      tpu.wait_indirect_dma semaphore(%arg15 : memref<!tpu.dma_semaphore, #tpu.memory_space<semaphore_mem>>) src(%dma_wait3A_167 : memref<10000x128xf32, #tpu.memory_space<hbm>>) dst(%arg13 : memref<128x128xf32, #tpu.memory_space<vmem>>)
      %parallel_loop3A = arith.constant 0 : i32
      %parallel_loop3A_168 = arith.constant 128 : i32
      %parallel_loop3A_169 = arith.constant 1 : i32
      scf.for %parallel_loop3A_171 = %parallel_loop3A to %parallel_loop3A_168 step %parallel_loop3A_169  : i32 {
        %parallel_loop3A_172 = arith.index_cast %parallel_loop3A_171 : i32 to index
        %parallel_loop3A_173 = tpu.vector_load %arg12[%parallel_loop3A_172] {strides = array<i32>} : memref<144xf32, #tpu.memory_space<vmem>>, vector<16xf32>,
        %parallel_loop3A_174 = vector.extract_strided_slice %parallel_loop3A_173 {offsets = [0], sizes = [1], strides = [1]} : vector<16xf32> to vector<1xf32>
        %parallel_loop3A_175 = vector.extract %parallel_loop3A_174[0] : f32 from vector<1xf32>
        %parallel_loop3A_176 = arith.index_cast %parallel_loop3A_171 : i32 to index
        %parallel_loop3A_177 = arith.constant 0 : index
        %parallel_loop3A_178 = tpu.vector_load %arg13[%parallel_loop3A_176, %parallel_loop3A_177] {strides = array<i32>} : memref<128x128xf32, #tpu.memory_space<vmem>>, vector<16xf32>,
        %parallel_loop3A_179 = vector.broadcast %parallel_loop3A_175 : f32 to vector<16xf32>
        %parallel_loop3A_180 = arith.mulf %parallel_loop3A_178, %parallel_loop3A_179 : vector<16xf32>
        %parallel_loop3A_181 = arith.index_cast %parallel_loop3A_171 : i32 to index
        %parallel_loop3A_182 = arith.constant 0 : index
        %parallel_loop3A_183 = tpu.vector_load %arg13[%parallel_loop3A_181, %parallel_loop3A_182] {strides = array<i32>} : memref<128x128xf32, #tpu.memory_space<vmem>>, vector<16xf32>,
        tpu.vector_store %arg13[%parallel_loop3A_181, %parallel_loop3A_182], %parallel_loop3A_180 {strides = array<i32>} : memref<128x128xf32, #tpu.memory_space<vmem>>, vector<16xf32>,
        %parallel_loop3A_184 = arith.index_cast %parallel_loop3A_171 : i32 to index
        %parallel_loop3A_185 = arith.constant 16 : index
        %parallel_loop3A_186 = tpu.vector_load %arg13[%parallel_loop3A_184, %parallel_loop3A_185] {strides = array<i32>} : memref<128x128xf32, #tpu.memory_space<vmem>>, vector<16xf32>,
        %parallel_loop3A_187 = vector.broadcast %parallel_loop3A_175 : f32 to vector<16xf32>
        %parallel_loop3A_188 = arith.mulf %parallel_loop3A_186, %parallel_loop3A_187 : vector<16xf32>
        %parallel_loop3A_189 = arith.index_cast %parallel_loop3A_171 : i32 to index
        %parallel_loop3A_190 = arith.constant 16 : index
        %parallel_loop3A_191 = tpu.vector_load %arg13[%parallel_loop3A_189, %parallel_loop3A_190] {strides = array<i32>} : memref<128x128xf32, #tpu.memory_space<vmem>>, vector<16xf32>,
        tpu.vector_store %arg13[%parallel_loop3A_189, %parallel_loop3A_190], %parallel_loop3A_188 {strides = array<i32>} : memref<128x128xf32, #tpu.memory_space<vmem>>, vector<16xf32>,
        %parallel_loop3A_192 = arith.index_cast %parallel_loop3A_171 : i32 to index
        %parallel_loop3A_193 = arith.constant 32 : index
        %parallel_loop3A_194 = tpu.vector_load %arg13[%parallel_loop3A_192, %parallel_loop3A_193] {strides = array<i32>} : memref<128x128xf32, #tpu.memory_space<vmem>>, vector<16xf32>,
        %parallel_loop3A_195 = vector.broadcast %parallel_loop3A_175 : f32 to vector<16xf32>
        %parallel_loop3A_196 = arith.mulf %parallel_loop3A_194, %parallel_loop3A_195 : vector<16xf32>
        %parallel_loop3A_197 = arith.index_cast %parallel_loop3A_171 : i32 to index
        %parallel_loop3A_198 = arith.constant 32 : index
        %parallel_loop3A_199 = tpu.vector_load %arg13[%parallel_loop3A_197, %parallel_loop3A_198] {strides = array<i32>} : memref<128x128xf32, #tpu.memory_space<vmem>>, vector<16xf32>,
        tpu.vector_store %arg13[%parallel_loop3A_197, %parallel_loop3A_198], %parallel_loop3A_196 {strides = array<i32>} : memref<128x128xf32, #tpu.memory_space<vmem>>, vector<16xf32>,
        %parallel_loop3A_200 = arith.index_cast %parallel_loop3A_171 : i32 to index
        %parallel_loop3A_201 = arith.constant 48 : index
        %parallel_loop3A_202 = tpu.vector_load %arg13[%parallel_loop3A_200, %parallel_loop3A_201] {strides = array<i32>} : memref<128x128xf32, #tpu.memory_space<vmem>>, vector<16xf32>,
        %parallel_loop3A_203 = vector.broadcast %parallel_loop3A_175 : f32 to vector<16xf32>
        %parallel_loop3A_204 = arith.mulf %parallel_loop3A_202, %parallel_loop3A_203 : vector<16xf32>
        %parallel_loop3A_205 = arith.index_cast %parallel_loop3A_171 : i32 to index
        %parallel_loop3A_206 = arith.constant 48 : index
        %parallel_loop3A_207 = tpu.vector_load %arg13[%parallel_loop3A_205, %parallel_loop3A_206] {strides = array<i32>} : memref<128x128xf32, #tpu.memory_space<vmem>>, vector<16xf32>,
        tpu.vector_store %arg13[%parallel_loop3A_205, %parallel_loop3A_206], %parallel_loop3A_204 {strides = array<i32>} : memref<128x128xf32, #tpu.memory_space<vmem>>, vector<16xf32>,
        %parallel_loop3A_208 = arith.index_cast %parallel_loop3A_171 : i32 to index
        %parallel_loop3A_209 = arith.constant 64 : index
        %parallel_loop3A_210 = tpu.vector_load %arg13[%parallel_loop3A_208, %parallel_loop3A_209] {strides = array<i32>} : memref<128x128xf32, #tpu.memory_space<vmem>>, vector<16xf32>,
        %parallel_loop3A_211 = vector.broadcast %parallel_loop3A_175 : f32 to vector<16xf32>
        %parallel_loop3A_212 = arith.mulf %parallel_loop3A_210, %parallel_loop3A_211 : vector<16xf32>
        %parallel_loop3A_213 = arith.index_cast %parallel_loop3A_171 : i32 to index
        %parallel_loop3A_214 = arith.constant 64 : index
        %parallel_loop3A_215 = tpu.vector_load %arg13[%parallel_loop3A_213, %parallel_loop3A_214] {strides = array<i32>} : memref<128x128xf32, #tpu.memory_space<vmem>>, vector<16xf32>,
        tpu.vector_store %arg13[%parallel_loop3A_213, %parallel_loop3A_214], %parallel_loop3A_212 {strides = array<i32>} : memref<128x128xf32, #tpu.memory_space<vmem>>, vector<16xf32>,
        %parallel_loop3A_216 = arith.index_cast %parallel_loop3A_171 : i32 to index
        %parallel_loop3A_217 = arith.constant 80 : index
        %parallel_loop3A_218 = tpu.vector_load %arg13[%parallel_loop3A_216, %parallel_loop3A_217] {strides = array<i32>} : memref<128x128xf32, #tpu.memory_space<vmem>>, vector<16xf32>,
        %parallel_loop3A_219 = vector.broadcast %parallel_loop3A_175 : f32 to vector<16xf32>
        %parallel_loop3A_220 = arith.mulf %parallel_loop3A_218, %parallel_loop3A_219 : vector<16xf32>
        %parallel_loop3A_221 = arith.index_cast %parallel_loop3A_171 : i32 to index
        %parallel_loop3A_222 = arith.constant 80 : index
        %parallel_loop3A_223 = tpu.vector_load %arg13[%parallel_loop3A_221, %parallel_loop3A_222] {strides = array<i32>} : memref<128x128xf32, #tpu.memory_space<vmem>>, vector<16xf32>,
        tpu.vector_store %arg13[%parallel_loop3A_221, %parallel_loop3A_222], %parallel_loop3A_220 {strides = array<i32>} : memref<128x128xf32, #tpu.memory_space<vmem>>, vector<16xf32>,
        %parallel_loop3A_224 = arith.index_cast %parallel_loop3A_171 : i32 to index
        %parallel_loop3A_225 = arith.constant 96 : index
        %parallel_loop3A_226 = tpu.vector_load %arg13[%parallel_loop3A_224, %parallel_loop3A_225] {strides = array<i32>} : memref<128x128xf32, #tpu.memory_space<vmem>>, vector<16xf32>,
        %parallel_loop3A_227 = vector.broadcast %parallel_loop3A_175 : f32 to vector<16xf32>
        %parallel_loop3A_228 = arith.mulf %parallel_loop3A_226, %parallel_loop3A_227 : vector<16xf32>
        %parallel_loop3A_229 = arith.index_cast %parallel_loop3A_171 : i32 to index
        %parallel_loop3A_230 = arith.constant 96 : index
        %parallel_loop3A_231 = tpu.vector_load %arg13[%parallel_loop3A_229, %parallel_loop3A_230] {strides = array<i32>} : memref<128x128xf32, #tpu.memory_space<vmem>>, vector<16xf32>,
        tpu.vector_store %arg13[%parallel_loop3A_229, %parallel_loop3A_230], %parallel_loop3A_228 {strides = array<i32>} : memref<128x128xf32, #tpu.memory_space<vmem>>, vector<16xf32>,
        %parallel_loop3A_232 = arith.index_cast %parallel_loop3A_171 : i32 to index
        %parallel_loop3A_233 = arith.constant 112 : index
        %parallel_loop3A_234 = tpu.vector_load %arg13[%parallel_loop3A_232, %parallel_loop3A_233] {strides = array<i32>} : memref<128x128xf32, #tpu.memory_space<vmem>>, vector<16xf32>,
        %parallel_loop3A_235 = vector.broadcast %parallel_loop3A_175 : f32 to vector<16xf32>
        %parallel_loop3A_236 = arith.mulf %parallel_loop3A_234, %parallel_loop3A_235 : vector<16xf32>
        %parallel_loop3A_237 = arith.index_cast %parallel_loop3A_171 : i32 to index
        %parallel_loop3A_238 = arith.constant 112 : index
        %parallel_loop3A_239 = tpu.vector_load %arg13[%parallel_loop3A_237, %parallel_loop3A_238] {strides = array<i32>} : memref<128x128xf32, #tpu.memory_space<vmem>>, vector<16xf32>,
        tpu.vector_store %arg13[%parallel_loop3A_237, %parallel_loop3A_238], %parallel_loop3A_236 {strides = array<i32>} : memref<128x128xf32, #tpu.memory_space<vmem>>, vector<16xf32>,
      } {sc.loop_unroll_factor = 2 : i64, sc.parallel_access}
      "tpu.region"() ({
        %run_scoped3A = tpu.sem_alloc : memref<!tpu.dma_semaphore, #tpu.memory_space<semaphore_mem>>
        %dma_start3A_171 = arith.constant 0 : i32
        %dma_start3A_172 = arith.constant 0 : i32
        %dma_start3A_173 = tpu.memref_slice %arg14[%dma_start3A_171, %dma_start3A_172] : memref<10112x128xf32, #tpu.memory_space<vmem_shared>> -> memref<10112x128xf32, #tpu.memory_space<vmem_shared>>
        tpu.enqueue_indirect_dma source(%arg13 : memref<128x128xf32, #tpu.memory_space<vmem>>) target(%dma_start3A_173 : memref<10112x128xf32, #tpu.memory_space<vmem_shared>>) offsets(%arg11 : memref<128xi32, #tpu.memory_space<vmem>>) semaphore(%run_scoped3A : memref<!tpu.dma_semaphore, #tpu.memory_space<semaphore_mem>>) {add = true}
        %dma_wait3A_174 = arith.constant 0 : i32
        %dma_wait3A_175 = arith.constant 0 : i32
        %dma_wait3A_176 = tpu.memref_slice %arg14[%dma_wait3A_174, %dma_wait3A_175] : memref<10112x128xf32, #tpu.memory_space<vmem_shared>> -> memref<10112x128xf32, #tpu.memory_space<vmem_shared>>
        tpu.wait_indirect_dma semaphore(%run_scoped3A : memref<!tpu.dma_semaphore, #tpu.memory_space<semaphore_mem>>) src(%arg13 : memref<128x128xf32, #tpu.memory_space<vmem>>) dst(%dma_wait3A_176 : memref<10112x128xf32, #tpu.memory_space<vmem_shared>>)
        tpu.yield
      }) : () -> ()
      %scan3A_170 = arith.constant 0 : i32
      scf.yield %scan3A_170 : i32
    }
    %scan3A_25 = arith.constant 82 : i32
    %barrier3A_26 = arith.constant 0 : index
    tpu.barrier barrier_id(%barrier3A_26)
    "tpu.region"() ({
      %run_scoped3A = tpu.sem_alloc : memref<!tpu.dma_semaphore, #tpu.memory_space<semaphore_mem>>
      %dma_start3A = arith.constant 0 : i32
      %dma_start3A_27 = tpu.memref_slice %arg7[%arg0, %mul3A_8, %dma_start3A] : memref<2x10112x128xf32, #tpu.memory_space<hbm>> -> memref<1x632x128xf32, #tpu.memory_space<hbm>>
      %dma_start3A_28 = tpu.memref_squeeze %dma_start3A_27 : memref<1x632x128xf32, #tpu.memory_space<hbm>> -> memref<632x128xf32, #tpu.memory_space<hbm>>
      %dma_start3A_29 = arith.constant 0 : i32
      %dma_start3A_30 = tpu.memref_slice %arg14[%mul3A_8, %dma_start3A_29] : memref<10112x128xf32, #tpu.memory_space<vmem_shared>> -> memref<632x128xf32, #tpu.memory_space<vmem_shared>>
      tpu.enqueue_dma source(%dma_start3A_30 : memref<632x128xf32, #tpu.memory_space<vmem_shared>>) target(%dma_start3A_28 : memref<632x128xf32, #tpu.memory_space<hbm>>) target_semaphore(%run_scoped3A : memref<!tpu.dma_semaphore, #tpu.memory_space<semaphore_mem>>)
      %dma_wait3A = arith.constant 0 : i32
      %dma_wait3A_31 = tpu.memref_slice %arg7[%arg0, %mul3A_8, %dma_wait3A] : memref<2x10112x128xf32, #tpu.memory_space<hbm>> -> memref<1x632x128xf32, #tpu.memory_space<hbm>>
      %dma_wait3A_32 = tpu.memref_squeeze %dma_wait3A_31 : memref<1x632x128xf32, #tpu.memory_space<hbm>> -> memref<632x128xf32, #tpu.memory_space<hbm>>
      %dma_wait3A_33 = arith.constant 0 : i32
      %dma_wait3A_34 = tpu.memref_slice %arg14[%mul3A_8, %dma_wait3A_33] : memref<10112x128xf32, #tpu.memory_space<vmem_shared>> -> memref<632x128xf32, #tpu.memory_space<vmem_shared>>
      tpu.wait_dma2 semaphore(%run_scoped3A : memref<!tpu.dma_semaphore, #tpu.memory_space<semaphore_mem>>) src(%dma_wait3A_34 : memref<632x128xf32, #tpu.memory_space<vmem_shared>>) dst(%dma_wait3A_32 : memref<632x128xf32, #tpu.memory_space<hbm>>)
      tpu.yield
    }) : () -> ()
    return
  }
}

#map = affine_map<(d0, d1) -> (0, 0)>
#map1 = affine_map<(d0, d1) -> (0)>
module attributes {stable_mosaic.version = 14 : i64} {
  func.func @_pair_kernel(%arg0: i32, %arg1: i32, %arg2: memref<10112x128xf32, #tpu.memory_space<hbm>>, %arg3: memref<10112x128xf32, #tpu.memory_space<hbm>>, %arg4: memref<4096xi32, #tpu.memory_space<hbm>>, %arg5: memref<4096xi32, #tpu.memory_space<hbm>>, %arg6: memref<4096x128xf32, #tpu.memory_space<hbm>>, %arg7: memref<4096x128xf32, #tpu.memory_space<hbm>>, %arg8: memref<128xi32, #tpu.memory_space<vmem>>, %arg9: memref<128x128xf32, #tpu.memory_space<vmem>>, %arg10: memref<128x128xf32, #tpu.memory_space<vmem>>, %arg11: memref<128x128xf32, #tpu.memory_space<vmem>>, %arg12: memref<!tpu.dma_semaphore, #tpu.memory_space<semaphore_mem>>, %arg13: memref<!tpu.dma_semaphore, #tpu.memory_space<semaphore_mem>>) attributes {dimension_semantics = [#tpu.dimension_semantics<core_parallel>, #tpu.dimension_semantics<subcore_parallel>], iteration_bounds = array<i64: 2, 16>, scalar_prefetch = 0 : i64, scratch_operands = 6 : i64, tpu.core_type = #tpu.core_type<sc_vector_subcore>, window_params = [{transform_indices = #map}, {transform_indices = #map}, {transform_indices = #map1}, {transform_indices = #map1}, {transform_indices = #map}, {transform_indices = #map}]} {
    %mul3A = arith.constant 2 : i32
    %mul3A_0 = arith.muli %arg1, %mul3A : i32
    %add3A = arith.addi %mul3A_0, %arg0 : i32
    %mul3A_1 = arith.constant 128 : i32
    %mul3A_2 = arith.muli %add3A, %mul3A_1 : i32
    "tpu.region"() ({
      %run_scoped3A = tpu.sem_alloc : memref<!tpu.dma_semaphore, #tpu.memory_space<semaphore_mem>>
      %dma_start3A_38 = tpu.memref_slice %arg4[%mul3A_2] : memref<4096xi32, #tpu.memory_space<hbm>> -> memref<128xi32, #tpu.memory_space<hbm>>
      %dma_start3A_39 = tpu.memref_slice %arg4[%mul3A_2] : memref<4096xi32, #tpu.memory_space<hbm>> -> memref<128xi32, #tpu.memory_space<hbm>>
      tpu.enqueue_dma source(%dma_start3A_39 : memref<128xi32, #tpu.memory_space<hbm>>) target(%arg8 : memref<128xi32, #tpu.memory_space<vmem>>) target_semaphore(%run_scoped3A : memref<!tpu.dma_semaphore, #tpu.memory_space<semaphore_mem>>)
      %dma_wait3A_40 = tpu.memref_slice %arg4[%mul3A_2] : memref<4096xi32, #tpu.memory_space<hbm>> -> memref<128xi32, #tpu.memory_space<hbm>>
      %dma_wait3A_41 = tpu.memref_slice %arg4[%mul3A_2] : memref<4096xi32, #tpu.memory_space<hbm>> -> memref<128xi32, #tpu.memory_space<hbm>>
      tpu.wait_dma2 semaphore(%run_scoped3A : memref<!tpu.dma_semaphore, #tpu.memory_space<semaphore_mem>>) src(%dma_wait3A_41 : memref<128xi32, #tpu.memory_space<hbm>>) dst(%arg8 : memref<128xi32, #tpu.memory_space<vmem>>)
      tpu.yield
    }) : () -> ()
    %dma_start3A = arith.constant 0 : i32
    %dma_start3A_3 = arith.constant 0 : i32
    %dma_start3A_4 = tpu.memref_slice %arg2[%dma_start3A, %dma_start3A_3] : memref<10112x128xf32, #tpu.memory_space<hbm>> -> memref<10112x128xf32, #tpu.memory_space<hbm>>
    tpu.enqueue_indirect_dma source(%dma_start3A_4 : memref<10112x128xf32, #tpu.memory_space<hbm>>) target(%arg9 : memref<128x128xf32, #tpu.memory_space<vmem>>) offsets(%arg8 : memref<128xi32, #tpu.memory_space<vmem>>) semaphore(%arg12 : memref<!tpu.dma_semaphore, #tpu.memory_space<semaphore_mem>>)
    %dma_wait3A = arith.constant 0 : i32
    %dma_wait3A_5 = arith.constant 0 : i32
    %dma_wait3A_6 = tpu.memref_slice %arg2[%dma_wait3A, %dma_wait3A_5] : memref<10112x128xf32, #tpu.memory_space<hbm>> -> memref<10112x128xf32, #tpu.memory_space<hbm>>
    tpu.wait_indirect_dma semaphore(%arg12 : memref<!tpu.dma_semaphore, #tpu.memory_space<semaphore_mem>>) src(%dma_wait3A_6 : memref<10112x128xf32, #tpu.memory_space<hbm>>) dst(%arg9 : memref<128x128xf32, #tpu.memory_space<vmem>>)
    %dma_start3A_7 = arith.constant 0 : i32
    %dma_start3A_8 = arith.constant 0 : i32
    %dma_start3A_9 = tpu.memref_slice %arg3[%dma_start3A_7, %dma_start3A_8] : memref<10112x128xf32, #tpu.memory_space<hbm>> -> memref<10112x128xf32, #tpu.memory_space<hbm>>
    tpu.enqueue_indirect_dma source(%dma_start3A_9 : memref<10112x128xf32, #tpu.memory_space<hbm>>) target(%arg10 : memref<128x128xf32, #tpu.memory_space<vmem>>) offsets(%arg8 : memref<128xi32, #tpu.memory_space<vmem>>) semaphore(%arg13 : memref<!tpu.dma_semaphore, #tpu.memory_space<semaphore_mem>>)
    %dma_wait3A_10 = arith.constant 0 : i32
    %dma_wait3A_11 = arith.constant 0 : i32
    %dma_wait3A_12 = tpu.memref_slice %arg3[%dma_wait3A_10, %dma_wait3A_11] : memref<10112x128xf32, #tpu.memory_space<hbm>> -> memref<10112x128xf32, #tpu.memory_space<hbm>>
    tpu.wait_indirect_dma semaphore(%arg13 : memref<!tpu.dma_semaphore, #tpu.memory_space<semaphore_mem>>) src(%dma_wait3A_12 : memref<10112x128xf32, #tpu.memory_space<hbm>>) dst(%arg10 : memref<128x128xf32, #tpu.memory_space<vmem>>)
    %scan3A = arith.constant 0 : i32
    %scan3A_13 = arith.constant 0 : i32
    %scan3A_14 = arith.constant 128 : i32
    %scan3A_15 = arith.addi %scan3A_13, %scan3A_14 : i32
    %scan3A_16 = arith.constant 1 : i32
    %scan3A_17 = scf.for %scan3A_38 = %scan3A_13 to %scan3A_15 step %scan3A_16 iter_args(%scan3A_39 = %scan3A) -> (i32)  : i32 {
      %get3A = arith.index_cast %scan3A_38 : i32 to index
      %get3A_40 = arith.constant 0 : index
      %get3A_41 = tpu.vector_load %arg9[%get3A, %get3A_40] {strides = array<i32>} : memref<128x128xf32, #tpu.memory_space<vmem>>, vector<16xf32>,
      %get3A_42 = arith.index_cast %scan3A_38 : i32 to index
      %get3A_43 = arith.constant 0 : index
      %get3A_44 = tpu.vector_load %arg10[%get3A_42, %get3A_43] {strides = array<i32>} : memref<128x128xf32, #tpu.memory_space<vmem>>, vector<16xf32>,
      %add3A_45 = arith.addf %get3A_41, %get3A_44 : vector<16xf32>
      %swap3A = arith.index_cast %scan3A_38 : i32 to index
      %swap3A_46 = arith.constant 0 : index
      %swap3A_47 = tpu.vector_load %arg11[%swap3A, %swap3A_46] {strides = array<i32>} : memref<128x128xf32, #tpu.memory_space<vmem>>, vector<16xf32>,
      tpu.vector_store %arg11[%swap3A, %swap3A_46], %add3A_45 {strides = array<i32>} : memref<128x128xf32, #tpu.memory_space<vmem>>, vector<16xf32>,
      %get3A_48 = arith.index_cast %scan3A_38 : i32 to index
      %get3A_49 = arith.constant 16 : index
      %get3A_50 = tpu.vector_load %arg9[%get3A_48, %get3A_49] {strides = array<i32>} : memref<128x128xf32, #tpu.memory_space<vmem>>, vector<16xf32>,
      %get3A_51 = arith.index_cast %scan3A_38 : i32 to index
      %get3A_52 = arith.constant 16 : index
      %get3A_53 = tpu.vector_load %arg10[%get3A_51, %get3A_52] {strides = array<i32>} : memref<128x128xf32, #tpu.memory_space<vmem>>, vector<16xf32>,
      %add3A_54 = arith.addf %get3A_50, %get3A_53 : vector<16xf32>
      %swap3A_55 = arith.index_cast %scan3A_38 : i32 to index
      %swap3A_56 = arith.constant 16 : index
      %swap3A_57 = tpu.vector_load %arg11[%swap3A_55, %swap3A_56] {strides = array<i32>} : memref<128x128xf32, #tpu.memory_space<vmem>>, vector<16xf32>,
      tpu.vector_store %arg11[%swap3A_55, %swap3A_56], %add3A_54 {strides = array<i32>} : memref<128x128xf32, #tpu.memory_space<vmem>>, vector<16xf32>,
      %get3A_58 = arith.index_cast %scan3A_38 : i32 to index
      %get3A_59 = arith.constant 32 : index
      %get3A_60 = tpu.vector_load %arg9[%get3A_58, %get3A_59] {strides = array<i32>} : memref<128x128xf32, #tpu.memory_space<vmem>>, vector<16xf32>,
      %get3A_61 = arith.index_cast %scan3A_38 : i32 to index
      %get3A_62 = arith.constant 32 : index
      %get3A_63 = tpu.vector_load %arg10[%get3A_61, %get3A_62] {strides = array<i32>} : memref<128x128xf32, #tpu.memory_space<vmem>>, vector<16xf32>,
      %add3A_64 = arith.addf %get3A_60, %get3A_63 : vector<16xf32>
      %swap3A_65 = arith.index_cast %scan3A_38 : i32 to index
      %swap3A_66 = arith.constant 32 : index
      %swap3A_67 = tpu.vector_load %arg11[%swap3A_65, %swap3A_66] {strides = array<i32>} : memref<128x128xf32, #tpu.memory_space<vmem>>, vector<16xf32>,
      tpu.vector_store %arg11[%swap3A_65, %swap3A_66], %add3A_64 {strides = array<i32>} : memref<128x128xf32, #tpu.memory_space<vmem>>, vector<16xf32>,
      %get3A_68 = arith.index_cast %scan3A_38 : i32 to index
      %get3A_69 = arith.constant 48 : index
      %get3A_70 = tpu.vector_load %arg9[%get3A_68, %get3A_69] {strides = array<i32>} : memref<128x128xf32, #tpu.memory_space<vmem>>, vector<16xf32>,
      %get3A_71 = arith.index_cast %scan3A_38 : i32 to index
      %get3A_72 = arith.constant 48 : index
      %get3A_73 = tpu.vector_load %arg10[%get3A_71, %get3A_72] {strides = array<i32>} : memref<128x128xf32, #tpu.memory_space<vmem>>, vector<16xf32>,
      %add3A_74 = arith.addf %get3A_70, %get3A_73 : vector<16xf32>
      %swap3A_75 = arith.index_cast %scan3A_38 : i32 to index
      %swap3A_76 = arith.constant 48 : index
      %swap3A_77 = tpu.vector_load %arg11[%swap3A_75, %swap3A_76] {strides = array<i32>} : memref<128x128xf32, #tpu.memory_space<vmem>>, vector<16xf32>,
      tpu.vector_store %arg11[%swap3A_75, %swap3A_76], %add3A_74 {strides = array<i32>} : memref<128x128xf32, #tpu.memory_space<vmem>>, vector<16xf32>,
      %get3A_78 = arith.index_cast %scan3A_38 : i32 to index
      %get3A_79 = arith.constant 64 : index
      %get3A_80 = tpu.vector_load %arg9[%get3A_78, %get3A_79] {strides = array<i32>} : memref<128x128xf32, #tpu.memory_space<vmem>>, vector<16xf32>,
      %get3A_81 = arith.index_cast %scan3A_38 : i32 to index
      %get3A_82 = arith.constant 64 : index
      %get3A_83 = tpu.vector_load %arg10[%get3A_81, %get3A_82] {strides = array<i32>} : memref<128x128xf32, #tpu.memory_space<vmem>>, vector<16xf32>,
      %add3A_84 = arith.addf %get3A_80, %get3A_83 : vector<16xf32>
      %swap3A_85 = arith.index_cast %scan3A_38 : i32 to index
      %swap3A_86 = arith.constant 64 : index
      %swap3A_87 = tpu.vector_load %arg11[%swap3A_85, %swap3A_86] {strides = array<i32>} : memref<128x128xf32, #tpu.memory_space<vmem>>, vector<16xf32>,
      tpu.vector_store %arg11[%swap3A_85, %swap3A_86], %add3A_84 {strides = array<i32>} : memref<128x128xf32, #tpu.memory_space<vmem>>, vector<16xf32>,
      %get3A_88 = arith.index_cast %scan3A_38 : i32 to index
      %get3A_89 = arith.constant 80 : index
      %get3A_90 = tpu.vector_load %arg9[%get3A_88, %get3A_89] {strides = array<i32>} : memref<128x128xf32, #tpu.memory_space<vmem>>, vector<16xf32>,
      %get3A_91 = arith.index_cast %scan3A_38 : i32 to index
      %get3A_92 = arith.constant 80 : index
      %get3A_93 = tpu.vector_load %arg10[%get3A_91, %get3A_92] {strides = array<i32>} : memref<128x128xf32, #tpu.memory_space<vmem>>, vector<16xf32>,
      %add3A_94 = arith.addf %get3A_90, %get3A_93 : vector<16xf32>
      %swap3A_95 = arith.index_cast %scan3A_38 : i32 to index
      %swap3A_96 = arith.constant 80 : index
      %swap3A_97 = tpu.vector_load %arg11[%swap3A_95, %swap3A_96] {strides = array<i32>} : memref<128x128xf32, #tpu.memory_space<vmem>>, vector<16xf32>,
      tpu.vector_store %arg11[%swap3A_95, %swap3A_96], %add3A_94 {strides = array<i32>} : memref<128x128xf32, #tpu.memory_space<vmem>>, vector<16xf32>,
      %get3A_98 = arith.index_cast %scan3A_38 : i32 to index
      %get3A_99 = arith.constant 96 : index
      %get3A_100 = tpu.vector_load %arg9[%get3A_98, %get3A_99] {strides = array<i32>} : memref<128x128xf32, #tpu.memory_space<vmem>>, vector<16xf32>,
      %get3A_101 = arith.index_cast %scan3A_38 : i32 to index
      %get3A_102 = arith.constant 96 : index
      %get3A_103 = tpu.vector_load %arg10[%get3A_101, %get3A_102] {strides = array<i32>} : memref<128x128xf32, #tpu.memory_space<vmem>>, vector<16xf32>,
      %add3A_104 = arith.addf %get3A_100, %get3A_103 : vector<16xf32>
      %swap3A_105 = arith.index_cast %scan3A_38 : i32 to index
      %swap3A_106 = arith.constant 96 : index
      %swap3A_107 = tpu.vector_load %arg11[%swap3A_105, %swap3A_106] {strides = array<i32>} : memref<128x128xf32, #tpu.memory_space<vmem>>, vector<16xf32>,
      tpu.vector_store %arg11[%swap3A_105, %swap3A_106], %add3A_104 {strides = array<i32>} : memref<128x128xf32, #tpu.memory_space<vmem>>, vector<16xf32>,
      %get3A_108 = arith.index_cast %scan3A_38 : i32 to index
      %get3A_109 = arith.constant 112 : index
      %get3A_110 = tpu.vector_load %arg9[%get3A_108, %get3A_109] {strides = array<i32>} : memref<128x128xf32, #tpu.memory_space<vmem>>, vector<16xf32>,
      %get3A_111 = arith.index_cast %scan3A_38 : i32 to index
      %get3A_112 = arith.constant 112 : index
      %get3A_113 = tpu.vector_load %arg10[%get3A_111, %get3A_112] {strides = array<i32>} : memref<128x128xf32, #tpu.memory_space<vmem>>, vector<16xf32>,
      %add3A_114 = arith.addf %get3A_110, %get3A_113 : vector<16xf32>
      %swap3A_115 = arith.index_cast %scan3A_38 : i32 to index
      %swap3A_116 = arith.constant 112 : index
      %swap3A_117 = tpu.vector_load %arg11[%swap3A_115, %swap3A_116] {strides = array<i32>} : memref<128x128xf32, #tpu.memory_space<vmem>>, vector<16xf32>,
      tpu.vector_store %arg11[%swap3A_115, %swap3A_116], %add3A_114 {strides = array<i32>} : memref<128x128xf32, #tpu.memory_space<vmem>>, vector<16xf32>,
      %scan3A_118 = arith.constant 0 : i32
      scf.yield %scan3A_118 : i32
    }
    %scan3A_18 = arith.constant 128 : i32
    "tpu.region"() ({
      %run_scoped3A = tpu.sem_alloc : memref<!tpu.dma_semaphore, #tpu.memory_space<semaphore_mem>>
      %dma_start3A_38 = arith.constant 0 : i32
      %dma_start3A_39 = tpu.memref_slice %arg6[%mul3A_2, %dma_start3A_38] : memref<4096x128xf32, #tpu.memory_space<hbm>> -> memref<128x128xf32, #tpu.memory_space<hbm>>
      %dma_start3A_40 = arith.constant 0 : i32
      %dma_start3A_41 = tpu.memref_slice %arg6[%mul3A_2, %dma_start3A_40] : memref<4096x128xf32, #tpu.memory_space<hbm>> -> memref<128x128xf32, #tpu.memory_space<hbm>>
      tpu.enqueue_dma source(%arg11 : memref<128x128xf32, #tpu.memory_space<vmem>>) target(%dma_start3A_41 : memref<128x128xf32, #tpu.memory_space<hbm>>) target_semaphore(%run_scoped3A : memref<!tpu.dma_semaphore, #tpu.memory_space<semaphore_mem>>)
      %dma_wait3A_42 = arith.constant 0 : i32
      %dma_wait3A_43 = tpu.memref_slice %arg6[%mul3A_2, %dma_wait3A_42] : memref<4096x128xf32, #tpu.memory_space<hbm>> -> memref<128x128xf32, #tpu.memory_space<hbm>>
      %dma_wait3A_44 = arith.constant 0 : i32
      %dma_wait3A_45 = tpu.memref_slice %arg6[%mul3A_2, %dma_wait3A_44] : memref<4096x128xf32, #tpu.memory_space<hbm>> -> memref<128x128xf32, #tpu.memory_space<hbm>>
      tpu.wait_dma2 semaphore(%run_scoped3A : memref<!tpu.dma_semaphore, #tpu.memory_space<semaphore_mem>>) src(%arg11 : memref<128x128xf32, #tpu.memory_space<vmem>>) dst(%dma_wait3A_45 : memref<128x128xf32, #tpu.memory_space<hbm>>)
      tpu.yield
    }) : () -> ()
    "tpu.region"() ({
      %run_scoped3A = tpu.sem_alloc : memref<!tpu.dma_semaphore, #tpu.memory_space<semaphore_mem>>
      %dma_start3A_38 = tpu.memref_slice %arg5[%mul3A_2] : memref<4096xi32, #tpu.memory_space<hbm>> -> memref<128xi32, #tpu.memory_space<hbm>>
      %dma_start3A_39 = tpu.memref_slice %arg5[%mul3A_2] : memref<4096xi32, #tpu.memory_space<hbm>> -> memref<128xi32, #tpu.memory_space<hbm>>
      tpu.enqueue_dma source(%dma_start3A_39 : memref<128xi32, #tpu.memory_space<hbm>>) target(%arg8 : memref<128xi32, #tpu.memory_space<vmem>>) target_semaphore(%run_scoped3A : memref<!tpu.dma_semaphore, #tpu.memory_space<semaphore_mem>>)
      %dma_wait3A_40 = tpu.memref_slice %arg5[%mul3A_2] : memref<4096xi32, #tpu.memory_space<hbm>> -> memref<128xi32, #tpu.memory_space<hbm>>
      %dma_wait3A_41 = tpu.memref_slice %arg5[%mul3A_2] : memref<4096xi32, #tpu.memory_space<hbm>> -> memref<128xi32, #tpu.memory_space<hbm>>
      tpu.wait_dma2 semaphore(%run_scoped3A : memref<!tpu.dma_semaphore, #tpu.memory_space<semaphore_mem>>) src(%dma_wait3A_41 : memref<128xi32, #tpu.memory_space<hbm>>) dst(%arg8 : memref<128xi32, #tpu.memory_space<vmem>>)
      tpu.yield
    }) : () -> ()
    %dma_start3A_19 = arith.constant 0 : i32
    %dma_start3A_20 = arith.constant 0 : i32
    %dma_start3A_21 = tpu.memref_slice %arg2[%dma_start3A_19, %dma_start3A_20] : memref<10112x128xf32, #tpu.memory_space<hbm>> -> memref<10112x128xf32, #tpu.memory_space<hbm>>
    tpu.enqueue_indirect_dma source(%dma_start3A_21 : memref<10112x128xf32, #tpu.memory_space<hbm>>) target(%arg9 : memref<128x128xf32, #tpu.memory_space<vmem>>) offsets(%arg8 : memref<128xi32, #tpu.memory_space<vmem>>) semaphore(%arg12 : memref<!tpu.dma_semaphore, #tpu.memory_space<semaphore_mem>>)
    %dma_wait3A_22 = arith.constant 0 : i32
    %dma_wait3A_23 = arith.constant 0 : i32
    %dma_wait3A_24 = tpu.memref_slice %arg2[%dma_wait3A_22, %dma_wait3A_23] : memref<10112x128xf32, #tpu.memory_space<hbm>> -> memref<10112x128xf32, #tpu.memory_space<hbm>>
    tpu.wait_indirect_dma semaphore(%arg12 : memref<!tpu.dma_semaphore, #tpu.memory_space<semaphore_mem>>) src(%dma_wait3A_24 : memref<10112x128xf32, #tpu.memory_space<hbm>>) dst(%arg9 : memref<128x128xf32, #tpu.memory_space<vmem>>)
    %dma_start3A_25 = arith.constant 0 : i32
    %dma_start3A_26 = arith.constant 0 : i32
    %dma_start3A_27 = tpu.memref_slice %arg3[%dma_start3A_25, %dma_start3A_26] : memref<10112x128xf32, #tpu.memory_space<hbm>> -> memref<10112x128xf32, #tpu.memory_space<hbm>>
    tpu.enqueue_indirect_dma source(%dma_start3A_27 : memref<10112x128xf32, #tpu.memory_space<hbm>>) target(%arg10 : memref<128x128xf32, #tpu.memory_space<vmem>>) offsets(%arg8 : memref<128xi32, #tpu.memory_space<vmem>>) semaphore(%arg13 : memref<!tpu.dma_semaphore, #tpu.memory_space<semaphore_mem>>)
    %dma_wait3A_28 = arith.constant 0 : i32
    %dma_wait3A_29 = arith.constant 0 : i32
    %dma_wait3A_30 = tpu.memref_slice %arg3[%dma_wait3A_28, %dma_wait3A_29] : memref<10112x128xf32, #tpu.memory_space<hbm>> -> memref<10112x128xf32, #tpu.memory_space<hbm>>
    tpu.wait_indirect_dma semaphore(%arg13 : memref<!tpu.dma_semaphore, #tpu.memory_space<semaphore_mem>>) src(%dma_wait3A_30 : memref<10112x128xf32, #tpu.memory_space<hbm>>) dst(%arg10 : memref<128x128xf32, #tpu.memory_space<vmem>>)
    %scan3A_31 = arith.constant 0 : i32
    %scan3A_32 = arith.constant 0 : i32
    %scan3A_33 = arith.constant 128 : i32
    %scan3A_34 = arith.addi %scan3A_32, %scan3A_33 : i32
    %scan3A_35 = arith.constant 1 : i32
    %scan3A_36 = scf.for %scan3A_38 = %scan3A_32 to %scan3A_34 step %scan3A_35 iter_args(%scan3A_39 = %scan3A_31) -> (i32)  : i32 {
      %get3A = arith.index_cast %scan3A_38 : i32 to index
      %get3A_40 = arith.constant 0 : index
      %get3A_41 = tpu.vector_load %arg9[%get3A, %get3A_40] {strides = array<i32>} : memref<128x128xf32, #tpu.memory_space<vmem>>, vector<16xf32>,
      %get3A_42 = arith.index_cast %scan3A_38 : i32 to index
      %get3A_43 = arith.constant 0 : index
      %get3A_44 = tpu.vector_load %arg10[%get3A_42, %get3A_43] {strides = array<i32>} : memref<128x128xf32, #tpu.memory_space<vmem>>, vector<16xf32>,
      %add3A_45 = arith.addf %get3A_41, %get3A_44 : vector<16xf32>
      %swap3A = arith.index_cast %scan3A_38 : i32 to index
      %swap3A_46 = arith.constant 0 : index
      %swap3A_47 = tpu.vector_load %arg11[%swap3A, %swap3A_46] {strides = array<i32>} : memref<128x128xf32, #tpu.memory_space<vmem>>, vector<16xf32>,
      tpu.vector_store %arg11[%swap3A, %swap3A_46], %add3A_45 {strides = array<i32>} : memref<128x128xf32, #tpu.memory_space<vmem>>, vector<16xf32>,
      %get3A_48 = arith.index_cast %scan3A_38 : i32 to index
      %get3A_49 = arith.constant 16 : index
      %get3A_50 = tpu.vector_load %arg9[%get3A_48, %get3A_49] {strides = array<i32>} : memref<128x128xf32, #tpu.memory_space<vmem>>, vector<16xf32>,
      %get3A_51 = arith.index_cast %scan3A_38 : i32 to index
      %get3A_52 = arith.constant 16 : index
      %get3A_53 = tpu.vector_load %arg10[%get3A_51, %get3A_52] {strides = array<i32>} : memref<128x128xf32, #tpu.memory_space<vmem>>, vector<16xf32>,
      %add3A_54 = arith.addf %get3A_50, %get3A_53 : vector<16xf32>
      %swap3A_55 = arith.index_cast %scan3A_38 : i32 to index
      %swap3A_56 = arith.constant 16 : index
      %swap3A_57 = tpu.vector_load %arg11[%swap3A_55, %swap3A_56] {strides = array<i32>} : memref<128x128xf32, #tpu.memory_space<vmem>>, vector<16xf32>,
      tpu.vector_store %arg11[%swap3A_55, %swap3A_56], %add3A_54 {strides = array<i32>} : memref<128x128xf32, #tpu.memory_space<vmem>>, vector<16xf32>,
      %get3A_58 = arith.index_cast %scan3A_38 : i32 to index
      %get3A_59 = arith.constant 32 : index
      %get3A_60 = tpu.vector_load %arg9[%get3A_58, %get3A_59] {strides = array<i32>} : memref<128x128xf32, #tpu.memory_space<vmem>>, vector<16xf32>,
      %get3A_61 = arith.index_cast %scan3A_38 : i32 to index
      %get3A_62 = arith.constant 32 : index
      %get3A_63 = tpu.vector_load %arg10[%get3A_61, %get3A_62] {strides = array<i32>} : memref<128x128xf32, #tpu.memory_space<vmem>>, vector<16xf32>,
      %add3A_64 = arith.addf %get3A_60, %get3A_63 : vector<16xf32>
      %swap3A_65 = arith.index_cast %scan3A_38 : i32 to index
      %swap3A_66 = arith.constant 32 : index
      %swap3A_67 = tpu.vector_load %arg11[%swap3A_65, %swap3A_66] {strides = array<i32>} : memref<128x128xf32, #tpu.memory_space<vmem>>, vector<16xf32>,
      tpu.vector_store %arg11[%swap3A_65, %swap3A_66], %add3A_64 {strides = array<i32>} : memref<128x128xf32, #tpu.memory_space<vmem>>, vector<16xf32>,
      %get3A_68 = arith.index_cast %scan3A_38 : i32 to index
      %get3A_69 = arith.constant 48 : index
      %get3A_70 = tpu.vector_load %arg9[%get3A_68, %get3A_69] {strides = array<i32>} : memref<128x128xf32, #tpu.memory_space<vmem>>, vector<16xf32>,
      %get3A_71 = arith.index_cast %scan3A_38 : i32 to index
      %get3A_72 = arith.constant 48 : index
      %get3A_73 = tpu.vector_load %arg10[%get3A_71, %get3A_72] {strides = array<i32>} : memref<128x128xf32, #tpu.memory_space<vmem>>, vector<16xf32>,
      %add3A_74 = arith.addf %get3A_70, %get3A_73 : vector<16xf32>
      %swap3A_75 = arith.index_cast %scan3A_38 : i32 to index
      %swap3A_76 = arith.constant 48 : index
      %swap3A_77 = tpu.vector_load %arg11[%swap3A_75, %swap3A_76] {strides = array<i32>} : memref<128x128xf32, #tpu.memory_space<vmem>>, vector<16xf32>,
      tpu.vector_store %arg11[%swap3A_75, %swap3A_76], %add3A_74 {strides = array<i32>} : memref<128x128xf32, #tpu.memory_space<vmem>>, vector<16xf32>,
      %get3A_78 = arith.index_cast %scan3A_38 : i32 to index
      %get3A_79 = arith.constant 64 : index
      %get3A_80 = tpu.vector_load %arg9[%get3A_78, %get3A_79] {strides = array<i32>} : memref<128x128xf32, #tpu.memory_space<vmem>>, vector<16xf32>,
      %get3A_81 = arith.index_cast %scan3A_38 : i32 to index
      %get3A_82 = arith.constant 64 : index
      %get3A_83 = tpu.vector_load %arg10[%get3A_81, %get3A_82] {strides = array<i32>} : memref<128x128xf32, #tpu.memory_space<vmem>>, vector<16xf32>,
      %add3A_84 = arith.addf %get3A_80, %get3A_83 : vector<16xf32>
      %swap3A_85 = arith.index_cast %scan3A_38 : i32 to index
      %swap3A_86 = arith.constant 64 : index
      %swap3A_87 = tpu.vector_load %arg11[%swap3A_85, %swap3A_86] {strides = array<i32>} : memref<128x128xf32, #tpu.memory_space<vmem>>, vector<16xf32>,
      tpu.vector_store %arg11[%swap3A_85, %swap3A_86], %add3A_84 {strides = array<i32>} : memref<128x128xf32, #tpu.memory_space<vmem>>, vector<16xf32>,
      %get3A_88 = arith.index_cast %scan3A_38 : i32 to index
      %get3A_89 = arith.constant 80 : index
      %get3A_90 = tpu.vector_load %arg9[%get3A_88, %get3A_89] {strides = array<i32>} : memref<128x128xf32, #tpu.memory_space<vmem>>, vector<16xf32>,
      %get3A_91 = arith.index_cast %scan3A_38 : i32 to index
      %get3A_92 = arith.constant 80 : index
      %get3A_93 = tpu.vector_load %arg10[%get3A_91, %get3A_92] {strides = array<i32>} : memref<128x128xf32, #tpu.memory_space<vmem>>, vector<16xf32>,
      %add3A_94 = arith.addf %get3A_90, %get3A_93 : vector<16xf32>
      %swap3A_95 = arith.index_cast %scan3A_38 : i32 to index
      %swap3A_96 = arith.constant 80 : index
      %swap3A_97 = tpu.vector_load %arg11[%swap3A_95, %swap3A_96] {strides = array<i32>} : memref<128x128xf32, #tpu.memory_space<vmem>>, vector<16xf32>,
      tpu.vector_store %arg11[%swap3A_95, %swap3A_96], %add3A_94 {strides = array<i32>} : memref<128x128xf32, #tpu.memory_space<vmem>>, vector<16xf32>,
      %get3A_98 = arith.index_cast %scan3A_38 : i32 to index
      %get3A_99 = arith.constant 96 : index
      %get3A_100 = tpu.vector_load %arg9[%get3A_98, %get3A_99] {strides = array<i32>} : memref<128x128xf32, #tpu.memory_space<vmem>>, vector<16xf32>,
      %get3A_101 = arith.index_cast %scan3A_38 : i32 to index
      %get3A_102 = arith.constant 96 : index
      %get3A_103 = tpu.vector_load %arg10[%get3A_101, %get3A_102] {strides = array<i32>} : memref<128x128xf32, #tpu.memory_space<vmem>>, vector<16xf32>,
      %add3A_104 = arith.addf %get3A_100, %get3A_103 : vector<16xf32>
      %swap3A_105 = arith.index_cast %scan3A_38 : i32 to index
      %swap3A_106 = arith.constant 96 : index
      %swap3A_107 = tpu.vector_load %arg11[%swap3A_105, %swap3A_106] {strides = array<i32>} : memref<128x128xf32, #tpu.memory_space<vmem>>, vector<16xf32>,
      tpu.vector_store %arg11[%swap3A_105, %swap3A_106], %add3A_104 {strides = array<i32>} : memref<128x128xf32, #tpu.memory_space<vmem>>, vector<16xf32>,
      %get3A_108 = arith.index_cast %scan3A_38 : i32 to index
      %get3A_109 = arith.constant 112 : index
      %get3A_110 = tpu.vector_load %arg9[%get3A_108, %get3A_109] {strides = array<i32>} : memref<128x128xf32, #tpu.memory_space<vmem>>, vector<16xf32>,
      %get3A_111 = arith.index_cast %scan3A_38 : i32 to index
      %get3A_112 = arith.constant 112 : index
      %get3A_113 = tpu.vector_load %arg10[%get3A_111, %get3A_112] {strides = array<i32>} : memref<128x128xf32, #tpu.memory_space<vmem>>, vector<16xf32>,
      %add3A_114 = arith.addf %get3A_110, %get3A_113 : vector<16xf32>
      %swap3A_115 = arith.index_cast %scan3A_38 : i32 to index
      %swap3A_116 = arith.constant 112 : index
      %swap3A_117 = tpu.vector_load %arg11[%swap3A_115, %swap3A_116] {strides = array<i32>} : memref<128x128xf32, #tpu.memory_space<vmem>>, vector<16xf32>,
      tpu.vector_store %arg11[%swap3A_115, %swap3A_116], %add3A_114 {strides = array<i32>} : memref<128x128xf32, #tpu.memory_space<vmem>>, vector<16xf32>,
      %scan3A_118 = arith.constant 0 : i32
      scf.yield %scan3A_118 : i32
    }
    %scan3A_37 = arith.constant 128 : i32
    "tpu.region"() ({
      %run_scoped3A = tpu.sem_alloc : memref<!tpu.dma_semaphore, #tpu.memory_space<semaphore_mem>>
      %dma_start3A_38 = arith.constant 0 : i32
      %dma_start3A_39 = tpu.memref_slice %arg7[%mul3A_2, %dma_start3A_38] : memref<4096x128xf32, #tpu.memory_space<hbm>> -> memref<128x128xf32, #tpu.memory_space<hbm>>
      %dma_start3A_40 = arith.constant 0 : i32
      %dma_start3A_41 = tpu.memref_slice %arg7[%mul3A_2, %dma_start3A_40] : memref<4096x128xf32, #tpu.memory_space<hbm>> -> memref<128x128xf32, #tpu.memory_space<hbm>>
      tpu.enqueue_dma source(%arg11 : memref<128x128xf32, #tpu.memory_space<vmem>>) target(%dma_start3A_41 : memref<128x128xf32, #tpu.memory_space<hbm>>) target_semaphore(%run_scoped3A : memref<!tpu.dma_semaphore, #tpu.memory_space<semaphore_mem>>)
      %dma_wait3A_42 = arith.constant 0 : i32
      %dma_wait3A_43 = tpu.memref_slice %arg7[%mul3A_2, %dma_wait3A_42] : memref<4096x128xf32, #tpu.memory_space<hbm>> -> memref<128x128xf32, #tpu.memory_space<hbm>>
      %dma_wait3A_44 = arith.constant 0 : i32
      %dma_wait3A_45 = tpu.memref_slice %arg7[%mul3A_2, %dma_wait3A_44] : memref<4096x128xf32, #tpu.memory_space<hbm>> -> memref<128x128xf32, #tpu.memory_space<hbm>>
      tpu.wait_dma2 semaphore(%run_scoped3A : memref<!tpu.dma_semaphore, #tpu.memory_space<semaphore_mem>>) src(%arg11 : memref<128x128xf32, #tpu.memory_space<vmem>>) dst(%dma_wait3A_45 : memref<128x128xf32, #tpu.memory_space<hbm>>)
      tpu.yield
    }) : () -> ()
    return
  }
}

#map = affine_map<(d0, d1) -> (0, 0)>
#map1 = affine_map<(d0, d1) -> (0)>
#map2 = affine_map<(d0, d1) -> (0, 0, 0)>
module attributes {stable_mosaic.version = 14 : i64} {
  func.func @_edge_kernel(%arg0: i32, %arg1: i32, %arg2: memref<10000x128xf32, #tpu.memory_space<hbm>>, %arg3: memref<10000xf32, #tpu.memory_space<hbm>>, %arg4: memref<10000xf32, #tpu.memory_space<hbm>>, %arg5: memref<335872xi32, #tpu.memory_space<hbm>>, %arg6: memref<335872xi32, #tpu.memory_space<hbm>>, %arg7: memref<2x10112x128xf32, #tpu.memory_space<hbm>>, %arg8: memref<10000xf32, #tpu.memory_space<vmem>>, %arg9: memref<10000xf32, #tpu.memory_space<vmem>>, %arg10: memref<128xi32, #tpu.memory_space<vmem>>, %arg11: memref<128xi32, #tpu.memory_space<vmem>>, %arg12: memref<144xf32, #tpu.memory_space<vmem>>, %arg13: memref<128x128xf32, #tpu.memory_space<vmem>>, %arg14: memref<10112x128xf32, #tpu.memory_space<vmem_shared>>, %arg15: memref<!tpu.dma_semaphore, #tpu.memory_space<semaphore_mem>>) attributes {dimension_semantics = [#tpu.dimension_semantics<core_parallel>, #tpu.dimension_semantics<subcore_parallel>], iteration_bounds = array<i64: 2, 16>, scalar_prefetch = 0 : i64, scratch_operands = 8 : i64, tpu.core_type = #tpu.core_type<sc_vector_subcore>, window_params = [{transform_indices = #map}, {transform_indices = #map1}, {transform_indices = #map1}, {transform_indices = #map1}, {transform_indices = #map1}, {transform_indices = #map2}]} {
    %mul3A = arith.constant 2 : i32
    %mul3A_0 = arith.muli %arg1, %mul3A : i32
    %add3A = arith.addi %mul3A_0, %arg0 : i32
    %scan3A = arith.constant 0 : i32
    %scan3A_1 = arith.constant 0 : i32
    %scan3A_2 = arith.constant 128 : i32
    %scan3A_3 = arith.addi %scan3A_1, %scan3A_2 : i32
    %scan3A_4 = arith.constant 1 : i32
    %scan3A_5 = scf.for %scan3A_27 = %scan3A_1 to %scan3A_3 step %scan3A_4 iter_args(%scan3A_28 = %scan3A) -> (i32)  : i32 {
      %broadcast_in_dim3A = arith.constant 0.000000e+00 : f32
      %broadcast_in_dim3A_29 = vector.broadcast %broadcast_in_dim3A : f32 to vector<16xf32>
      %swap3A = arith.index_cast %scan3A_27 : i32 to index
      %swap3A_30 = arith.constant 0 : index
      %swap3A_31 = tpu.vector_load %arg13[%swap3A, %swap3A_30] {strides = array<i32>} : memref<128x128xf32, #tpu.memory_space<vmem>>, vector<16xf32>,
      tpu.vector_store %arg13[%swap3A, %swap3A_30], %broadcast_in_dim3A_29 {strides = array<i32>} : memref<128x128xf32, #tpu.memory_space<vmem>>, vector<16xf32>,
      %swap3A_32 = arith.index_cast %scan3A_27 : i32 to index
      %swap3A_33 = arith.constant 16 : index
      %swap3A_34 = tpu.vector_load %arg13[%swap3A_32, %swap3A_33] {strides = array<i32>} : memref<128x128xf32, #tpu.memory_space<vmem>>, vector<16xf32>,
      tpu.vector_store %arg13[%swap3A_32, %swap3A_33], %broadcast_in_dim3A_29 {strides = array<i32>} : memref<128x128xf32, #tpu.memory_space<vmem>>, vector<16xf32>,
      %swap3A_35 = arith.index_cast %scan3A_27 : i32 to index
      %swap3A_36 = arith.constant 32 : index
      %swap3A_37 = tpu.vector_load %arg13[%swap3A_35, %swap3A_36] {strides = array<i32>} : memref<128x128xf32, #tpu.memory_space<vmem>>, vector<16xf32>,
      tpu.vector_store %arg13[%swap3A_35, %swap3A_36], %broadcast_in_dim3A_29 {strides = array<i32>} : memref<128x128xf32, #tpu.memory_space<vmem>>, vector<16xf32>,
      %swap3A_38 = arith.index_cast %scan3A_27 : i32 to index
      %swap3A_39 = arith.constant 48 : index
      %swap3A_40 = tpu.vector_load %arg13[%swap3A_38, %swap3A_39] {strides = array<i32>} : memref<128x128xf32, #tpu.memory_space<vmem>>, vector<16xf32>,
      tpu.vector_store %arg13[%swap3A_38, %swap3A_39], %broadcast_in_dim3A_29 {strides = array<i32>} : memref<128x128xf32, #tpu.memory_space<vmem>>, vector<16xf32>,
      %swap3A_41 = arith.index_cast %scan3A_27 : i32 to index
      %swap3A_42 = arith.constant 64 : index
      %swap3A_43 = tpu.vector_load %arg13[%swap3A_41, %swap3A_42] {strides = array<i32>} : memref<128x128xf32, #tpu.memory_space<vmem>>, vector<16xf32>,
      tpu.vector_store %arg13[%swap3A_41, %swap3A_42], %broadcast_in_dim3A_29 {strides = array<i32>} : memref<128x128xf32, #tpu.memory_space<vmem>>, vector<16xf32>,
      %swap3A_44 = arith.index_cast %scan3A_27 : i32 to index
      %swap3A_45 = arith.constant 80 : index
      %swap3A_46 = tpu.vector_load %arg13[%swap3A_44, %swap3A_45] {strides = array<i32>} : memref<128x128xf32, #tpu.memory_space<vmem>>, vector<16xf32>,
      tpu.vector_store %arg13[%swap3A_44, %swap3A_45], %broadcast_in_dim3A_29 {strides = array<i32>} : memref<128x128xf32, #tpu.memory_space<vmem>>, vector<16xf32>,
      %swap3A_47 = arith.index_cast %scan3A_27 : i32 to index
      %swap3A_48 = arith.constant 96 : index
      %swap3A_49 = tpu.vector_load %arg13[%swap3A_47, %swap3A_48] {strides = array<i32>} : memref<128x128xf32, #tpu.memory_space<vmem>>, vector<16xf32>,
      tpu.vector_store %arg13[%swap3A_47, %swap3A_48], %broadcast_in_dim3A_29 {strides = array<i32>} : memref<128x128xf32, #tpu.memory_space<vmem>>, vector<16xf32>,
      %swap3A_50 = arith.index_cast %scan3A_27 : i32 to index
      %swap3A_51 = arith.constant 112 : index
      %swap3A_52 = tpu.vector_load %arg13[%swap3A_50, %swap3A_51] {strides = array<i32>} : memref<128x128xf32, #tpu.memory_space<vmem>>, vector<16xf32>,
      tpu.vector_store %arg13[%swap3A_50, %swap3A_51], %broadcast_in_dim3A_29 {strides = array<i32>} : memref<128x128xf32, #tpu.memory_space<vmem>>, vector<16xf32>,
      %scan3A_53 = arith.constant 0 : i32
      scf.yield %scan3A_53 : i32
    }
    %scan3A_6 = arith.constant 128 : i32
    %mul3A_7 = arith.constant 632 : i32
    %mul3A_8 = arith.muli %arg1, %mul3A_7 : i32
    %add3A_9 = arith.constant 0 : i32
    %add3A_10 = arith.addi %mul3A_8, %add3A_9 : i32
    "tpu.region"() ({
      %run_scoped3A = tpu.sem_alloc : memref<!tpu.dma_semaphore, #tpu.memory_space<semaphore_mem>>
      %dma_start3A = arith.constant 0 : i32
      %dma_start3A_27 = arith.constant 0 : i32
      %dma_start3A_28 = tpu.memref_slice %arg13[%dma_start3A, %dma_start3A_27] : memref<128x128xf32, #tpu.memory_space<vmem>> -> memref<128x128xf32, #tpu.memory_space<vmem>>
      %dma_start3A_29 = arith.constant 0 : i32
      %dma_start3A_30 = tpu.memref_slice %arg14[%add3A_10, %dma_start3A_29] : memref<10112x128xf32, #tpu.memory_space<vmem_shared>> -> memref<128x128xf32, #tpu.memory_space<vmem_shared>>
      %dma_start3A_31 = arith.constant 0 : i32
      %dma_start3A_32 = tpu.memref_slice %arg14[%add3A_10, %dma_start3A_31] : memref<10112x128xf32, #tpu.memory_space<vmem_shared>> -> memref<128x128xf32, #tpu.memory_space<vmem_shared>>
      %dma_start3A_33 = arith.constant 0 : i32
      %dma_start3A_34 = arith.constant 0 : i32
      %dma_start3A_35 = tpu.memref_slice %arg13[%dma_start3A_33, %dma_start3A_34] : memref<128x128xf32, #tpu.memory_space<vmem>> -> memref<128x128xf32, #tpu.memory_space<vmem>>
      tpu.enqueue_dma source(%dma_start3A_35 : memref<128x128xf32, #tpu.memory_space<vmem>>) target(%dma_start3A_32 : memref<128x128xf32, #tpu.memory_space<vmem_shared>>) target_semaphore(%run_scoped3A : memref<!tpu.dma_semaphore, #tpu.memory_space<semaphore_mem>>)
      %dma_wait3A = arith.constant 0 : i32
      %dma_wait3A_36 = arith.constant 0 : i32
      %dma_wait3A_37 = tpu.memref_slice %arg13[%dma_wait3A, %dma_wait3A_36] : memref<128x128xf32, #tpu.memory_space<vmem>> -> memref<128x128xf32, #tpu.memory_space<vmem>>
      %dma_wait3A_38 = arith.constant 0 : i32
      %dma_wait3A_39 = tpu.memref_slice %arg14[%add3A_10, %dma_wait3A_38] : memref<10112x128xf32, #tpu.memory_space<vmem_shared>> -> memref<128x128xf32, #tpu.memory_space<vmem_shared>>
      %dma_wait3A_40 = arith.constant 0 : i32
      %dma_wait3A_41 = tpu.memref_slice %arg14[%add3A_10, %dma_wait3A_40] : memref<10112x128xf32, #tpu.memory_space<vmem_shared>> -> memref<128x128xf32, #tpu.memory_space<vmem_shared>>
      %dma_wait3A_42 = arith.constant 0 : i32
      %dma_wait3A_43 = arith.constant 0 : i32
      %dma_wait3A_44 = tpu.memref_slice %arg13[%dma_wait3A_42, %dma_wait3A_43] : memref<128x128xf32, #tpu.memory_space<vmem>> -> memref<128x128xf32, #tpu.memory_space<vmem>>
      tpu.wait_dma2 semaphore(%run_scoped3A : memref<!tpu.dma_semaphore, #tpu.memory_space<semaphore_mem>>) src(%dma_wait3A_44 : memref<128x128xf32, #tpu.memory_space<vmem>>) dst(%dma_wait3A_41 : memref<128x128xf32, #tpu.memory_space<vmem_shared>>)
      tpu.yield
    }) : () -> ()
    %add3A_11 = arith.constant 128 : i32
    %add3A_12 = arith.addi %mul3A_8, %add3A_11 : i32
    "tpu.region"() ({
      %run_scoped3A = tpu.sem_alloc : memref<!tpu.dma_semaphore, #tpu.memory_space<semaphore_mem>>
      %dma_start3A = arith.constant 0 : i32
      %dma_start3A_27 = arith.constant 0 : i32
      %dma_start3A_28 = tpu.memref_slice %arg13[%dma_start3A, %dma_start3A_27] : memref<128x128xf32, #tpu.memory_space<vmem>> -> memref<128x128xf32, #tpu.memory_space<vmem>>
      %dma_start3A_29 = arith.constant 0 : i32
      %dma_start3A_30 = tpu.memref_slice %arg14[%add3A_12, %dma_start3A_29] : memref<10112x128xf32, #tpu.memory_space<vmem_shared>> -> memref<128x128xf32, #tpu.memory_space<vmem_shared>>
      %dma_start3A_31 = arith.constant 0 : i32
      %dma_start3A_32 = tpu.memref_slice %arg14[%add3A_12, %dma_start3A_31] : memref<10112x128xf32, #tpu.memory_space<vmem_shared>> -> memref<128x128xf32, #tpu.memory_space<vmem_shared>>
      %dma_start3A_33 = arith.constant 0 : i32
      %dma_start3A_34 = arith.constant 0 : i32
      %dma_start3A_35 = tpu.memref_slice %arg13[%dma_start3A_33, %dma_start3A_34] : memref<128x128xf32, #tpu.memory_space<vmem>> -> memref<128x128xf32, #tpu.memory_space<vmem>>
      tpu.enqueue_dma source(%dma_start3A_35 : memref<128x128xf32, #tpu.memory_space<vmem>>) target(%dma_start3A_32 : memref<128x128xf32, #tpu.memory_space<vmem_shared>>) target_semaphore(%run_scoped3A : memref<!tpu.dma_semaphore, #tpu.memory_space<semaphore_mem>>)
      %dma_wait3A = arith.constant 0 : i32
      %dma_wait3A_36 = arith.constant 0 : i32
      %dma_wait3A_37 = tpu.memref_slice %arg13[%dma_wait3A, %dma_wait3A_36] : memref<128x128xf32, #tpu.memory_space<vmem>> -> memref<128x128xf32, #tpu.memory_space<vmem>>
      %dma_wait3A_38 = arith.constant 0 : i32
      %dma_wait3A_39 = tpu.memref_slice %arg14[%add3A_12, %dma_wait3A_38] : memref<10112x128xf32, #tpu.memory_space<vmem_shared>> -> memref<128x128xf32, #tpu.memory_space<vmem_shared>>
      %dma_wait3A_40 = arith.constant 0 : i32
      %dma_wait3A_41 = tpu.memref_slice %arg14[%add3A_12, %dma_wait3A_40] : memref<10112x128xf32, #tpu.memory_space<vmem_shared>> -> memref<128x128xf32, #tpu.memory_space<vmem_shared>>
      %dma_wait3A_42 = arith.constant 0 : i32
      %dma_wait3A_43 = arith.constant 0 : i32
      %dma_wait3A_44 = tpu.memref_slice %arg13[%dma_wait3A_42, %dma_wait3A_43] : memref<128x128xf32, #tpu.memory_space<vmem>> -> memref<128x128xf32, #tpu.memory_space<vmem>>
      tpu.wait_dma2 semaphore(%run_scoped3A : memref<!tpu.dma_semaphore, #tpu.memory_space<semaphore_mem>>) src(%dma_wait3A_44 : memref<128x128xf32, #tpu.memory_space<vmem>>) dst(%dma_wait3A_41 : memref<128x128xf32, #tpu.memory_space<vmem_shared>>)
      tpu.yield
    }) : () -> ()
    %add3A_13 = arith.constant 256 : i32
    %add3A_14 = arith.addi %mul3A_8, %add3A_13 : i32
    "tpu.region"() ({
      %run_scoped3A = tpu.sem_alloc : memref<!tpu.dma_semaphore, #tpu.memory_space<semaphore_mem>>
      %dma_start3A = arith.constant 0 : i32
      %dma_start3A_27 = arith.constant 0 : i32
      %dma_start3A_28 = tpu.memref_slice %arg13[%dma_start3A, %dma_start3A_27] : memref<128x128xf32, #tpu.memory_space<vmem>> -> memref<128x128xf32, #tpu.memory_space<vmem>>
      %dma_start3A_29 = arith.constant 0 : i32
      %dma_start3A_30 = tpu.memref_slice %arg14[%add3A_14, %dma_start3A_29] : memref<10112x128xf32, #tpu.memory_space<vmem_shared>> -> memref<128x128xf32, #tpu.memory_space<vmem_shared>>
      %dma_start3A_31 = arith.constant 0 : i32
      %dma_start3A_32 = tpu.memref_slice %arg14[%add3A_14, %dma_start3A_31] : memref<10112x128xf32, #tpu.memory_space<vmem_shared>> -> memref<128x128xf32, #tpu.memory_space<vmem_shared>>
      %dma_start3A_33 = arith.constant 0 : i32
      %dma_start3A_34 = arith.constant 0 : i32
      %dma_start3A_35 = tpu.memref_slice %arg13[%dma_start3A_33, %dma_start3A_34] : memref<128x128xf32, #tpu.memory_space<vmem>> -> memref<128x128xf32, #tpu.memory_space<vmem>>
      tpu.enqueue_dma source(%dma_start3A_35 : memref<128x128xf32, #tpu.memory_space<vmem>>) target(%dma_start3A_32 : memref<128x128xf32, #tpu.memory_space<vmem_shared>>) target_semaphore(%run_scoped3A : memref<!tpu.dma_semaphore, #tpu.memory_space<semaphore_mem>>)
      %dma_wait3A = arith.constant 0 : i32
      %dma_wait3A_36 = arith.constant 0 : i32
      %dma_wait3A_37 = tpu.memref_slice %arg13[%dma_wait3A, %dma_wait3A_36] : memref<128x128xf32, #tpu.memory_space<vmem>> -> memref<128x128xf32, #tpu.memory_space<vmem>>
      %dma_wait3A_38 = arith.constant 0 : i32
      %dma_wait3A_39 = tpu.memref_slice %arg14[%add3A_14, %dma_wait3A_38] : memref<10112x128xf32, #tpu.memory_space<vmem_shared>> -> memref<128x128xf32, #tpu.memory_space<vmem_shared>>
      %dma_wait3A_40 = arith.constant 0 : i32
      %dma_wait3A_41 = tpu.memref_slice %arg14[%add3A_14, %dma_wait3A_40] : memref<10112x128xf32, #tpu.memory_space<vmem_shared>> -> memref<128x128xf32, #tpu.memory_space<vmem_shared>>
      %dma_wait3A_42 = arith.constant 0 : i32
      %dma_wait3A_43 = arith.constant 0 : i32
      %dma_wait3A_44 = tpu.memref_slice %arg13[%dma_wait3A_42, %dma_wait3A_43] : memref<128x128xf32, #tpu.memory_space<vmem>> -> memref<128x128xf32, #tpu.memory_space<vmem>>
      tpu.wait_dma2 semaphore(%run_scoped3A : memref<!tpu.dma_semaphore, #tpu.memory_space<semaphore_mem>>) src(%dma_wait3A_44 : memref<128x128xf32, #tpu.memory_space<vmem>>) dst(%dma_wait3A_41 : memref<128x128xf32, #tpu.memory_space<vmem_shared>>)
      tpu.yield
    }) : () -> ()
    %add3A_15 = arith.constant 384 : i32
    %add3A_16 = arith.addi %mul3A_8, %add3A_15 : i32
    "tpu.region"() ({
      %run_scoped3A = tpu.sem_alloc : memref<!tpu.dma_semaphore, #tpu.memory_space<semaphore_mem>>
      %dma_start3A = arith.constant 0 : i32
      %dma_start3A_27 = arith.constant 0 : i32
      %dma_start3A_28 = tpu.memref_slice %arg13[%dma_start3A, %dma_start3A_27] : memref<128x128xf32, #tpu.memory_space<vmem>> -> memref<128x128xf32, #tpu.memory_space<vmem>>
      %dma_start3A_29 = arith.constant 0 : i32
      %dma_start3A_30 = tpu.memref_slice %arg14[%add3A_16, %dma_start3A_29] : memref<10112x128xf32, #tpu.memory_space<vmem_shared>> -> memref<128x128xf32, #tpu.memory_space<vmem_shared>>
      %dma_start3A_31 = arith.constant 0 : i32
      %dma_start3A_32 = tpu.memref_slice %arg14[%add3A_16, %dma_start3A_31] : memref<10112x128xf32, #tpu.memory_space<vmem_shared>> -> memref<128x128xf32, #tpu.memory_space<vmem_shared>>
      %dma_start3A_33 = arith.constant 0 : i32
      %dma_start3A_34 = arith.constant 0 : i32
      %dma_start3A_35 = tpu.memref_slice %arg13[%dma_start3A_33, %dma_start3A_34] : memref<128x128xf32, #tpu.memory_space<vmem>> -> memref<128x128xf32, #tpu.memory_space<vmem>>
      tpu.enqueue_dma source(%dma_start3A_35 : memref<128x128xf32, #tpu.memory_space<vmem>>) target(%dma_start3A_32 : memref<128x128xf32, #tpu.memory_space<vmem_shared>>) target_semaphore(%run_scoped3A : memref<!tpu.dma_semaphore, #tpu.memory_space<semaphore_mem>>)
      %dma_wait3A = arith.constant 0 : i32
      %dma_wait3A_36 = arith.constant 0 : i32
      %dma_wait3A_37 = tpu.memref_slice %arg13[%dma_wait3A, %dma_wait3A_36] : memref<128x128xf32, #tpu.memory_space<vmem>> -> memref<128x128xf32, #tpu.memory_space<vmem>>
      %dma_wait3A_38 = arith.constant 0 : i32
      %dma_wait3A_39 = tpu.memref_slice %arg14[%add3A_16, %dma_wait3A_38] : memref<10112x128xf32, #tpu.memory_space<vmem_shared>> -> memref<128x128xf32, #tpu.memory_space<vmem_shared>>
      %dma_wait3A_40 = arith.constant 0 : i32
      %dma_wait3A_41 = tpu.memref_slice %arg14[%add3A_16, %dma_wait3A_40] : memref<10112x128xf32, #tpu.memory_space<vmem_shared>> -> memref<128x128xf32, #tpu.memory_space<vmem_shared>>
      %dma_wait3A_42 = arith.constant 0 : i32
      %dma_wait3A_43 = arith.constant 0 : i32
      %dma_wait3A_44 = tpu.memref_slice %arg13[%dma_wait3A_42, %dma_wait3A_43] : memref<128x128xf32, #tpu.memory_space<vmem>> -> memref<128x128xf32, #tpu.memory_space<vmem>>
      tpu.wait_dma2 semaphore(%run_scoped3A : memref<!tpu.dma_semaphore, #tpu.memory_space<semaphore_mem>>) src(%dma_wait3A_44 : memref<128x128xf32, #tpu.memory_space<vmem>>) dst(%dma_wait3A_41 : memref<128x128xf32, #tpu.memory_space<vmem_shared>>)
      tpu.yield
    }) : () -> ()
    %add3A_17 = arith.constant 512 : i32
    %add3A_18 = arith.addi %mul3A_8, %add3A_17 : i32
    "tpu.region"() ({
      %run_scoped3A = tpu.sem_alloc : memref<!tpu.dma_semaphore, #tpu.memory_space<semaphore_mem>>
      %dma_start3A = arith.constant 0 : i32
      %dma_start3A_27 = arith.constant 0 : i32
      %dma_start3A_28 = tpu.memref_slice %arg13[%dma_start3A, %dma_start3A_27] : memref<128x128xf32, #tpu.memory_space<vmem>> -> memref<120x128xf32, #tpu.memory_space<vmem>>
      %dma_start3A_29 = arith.constant 0 : i32
      %dma_start3A_30 = tpu.memref_slice %arg14[%add3A_18, %dma_start3A_29] : memref<10112x128xf32, #tpu.memory_space<vmem_shared>> -> memref<120x128xf32, #tpu.memory_space<vmem_shared>>
      %dma_start3A_31 = arith.constant 0 : i32
      %dma_start3A_32 = tpu.memref_slice %arg14[%add3A_18, %dma_start3A_31] : memref<10112x128xf32, #tpu.memory_space<vmem_shared>> -> memref<120x128xf32, #tpu.memory_space<vmem_shared>>
      %dma_start3A_33 = arith.constant 0 : i32
      %dma_start3A_34 = arith.constant 0 : i32
      %dma_start3A_35 = tpu.memref_slice %arg13[%dma_start3A_33, %dma_start3A_34] : memref<128x128xf32, #tpu.memory_space<vmem>> -> memref<120x128xf32, #tpu.memory_space<vmem>>
      tpu.enqueue_dma source(%dma_start3A_35 : memref<120x128xf32, #tpu.memory_space<vmem>>) target(%dma_start3A_32 : memref<120x128xf32, #tpu.memory_space<vmem_shared>>) target_semaphore(%run_scoped3A : memref<!tpu.dma_semaphore, #tpu.memory_space<semaphore_mem>>)
      %dma_wait3A = arith.constant 0 : i32
      %dma_wait3A_36 = arith.constant 0 : i32
      %dma_wait3A_37 = tpu.memref_slice %arg13[%dma_wait3A, %dma_wait3A_36] : memref<128x128xf32, #tpu.memory_space<vmem>> -> memref<120x128xf32, #tpu.memory_space<vmem>>
      %dma_wait3A_38 = arith.constant 0 : i32
      %dma_wait3A_39 = tpu.memref_slice %arg14[%add3A_18, %dma_wait3A_38] : memref<10112x128xf32, #tpu.memory_space<vmem_shared>> -> memref<120x128xf32, #tpu.memory_space<vmem_shared>>
      %dma_wait3A_40 = arith.constant 0 : i32
      %dma_wait3A_41 = tpu.memref_slice %arg14[%add3A_18, %dma_wait3A_40] : memref<10112x128xf32, #tpu.memory_space<vmem_shared>> -> memref<120x128xf32, #tpu.memory_space<vmem_shared>>
      %dma_wait3A_42 = arith.constant 0 : i32
      %dma_wait3A_43 = arith.constant 0 : i32
      %dma_wait3A_44 = tpu.memref_slice %arg13[%dma_wait3A_42, %dma_wait3A_43] : memref<128x128xf32, #tpu.memory_space<vmem>> -> memref<120x128xf32, #tpu.memory_space<vmem>>
      tpu.wait_dma2 semaphore(%run_scoped3A : memref<!tpu.dma_semaphore, #tpu.memory_space<semaphore_mem>>) src(%dma_wait3A_44 : memref<120x128xf32, #tpu.memory_space<vmem>>) dst(%dma_wait3A_41 : memref<120x128xf32, #tpu.memory_space<vmem_shared>>)
      tpu.yield
    }) : () -> ()
    %barrier3A = arith.constant 0 : index
    tpu.barrier barrier_id(%barrier3A)
    "tpu.region"() ({
      %run_scoped3A = tpu.sem_alloc : memref<!tpu.dma_semaphore, #tpu.memory_space<semaphore_mem>>
      tpu.enqueue_dma source(%arg3 : memref<10000xf32, #tpu.memory_space<hbm>>) target(%arg8 : memref<10000xf32, #tpu.memory_space<vmem>>) target_semaphore(%run_scoped3A : memref<!tpu.dma_semaphore, #tpu.memory_space<semaphore_mem>>)
      tpu.wait_dma2 semaphore(%run_scoped3A : memref<!tpu.dma_semaphore, #tpu.memory_space<semaphore_mem>>) src(%arg3 : memref<10000xf32, #tpu.memory_space<hbm>>) dst(%arg8 : memref<10000xf32, #tpu.memory_space<vmem>>)
      tpu.yield
    }) : () -> ()
    "tpu.region"() ({
      %run_scoped3A = tpu.sem_alloc : memref<!tpu.dma_semaphore, #tpu.memory_space<semaphore_mem>>
      tpu.enqueue_dma source(%arg4 : memref<10000xf32, #tpu.memory_space<hbm>>) target(%arg9 : memref<10000xf32, #tpu.memory_space<vmem>>) target_semaphore(%run_scoped3A : memref<!tpu.dma_semaphore, #tpu.memory_space<semaphore_mem>>)
      tpu.wait_dma2 semaphore(%run_scoped3A : memref<!tpu.dma_semaphore, #tpu.memory_space<semaphore_mem>>) src(%arg4 : memref<10000xf32, #tpu.memory_space<hbm>>) dst(%arg9 : memref<10000xf32, #tpu.memory_space<vmem>>)
      tpu.yield
    }) : () -> ()
    %scan3A_19 = arith.constant 0 : i32
    %scan3A_20 = arith.constant 0 : i32
    %scan3A_21 = arith.constant 82 : i32
    %scan3A_22 = arith.addi %scan3A_20, %scan3A_21 : i32
    %scan3A_23 = arith.constant 1 : i32
    %scan3A_24 = scf.for %scan3A_27 = %scan3A_20 to %scan3A_22 step %scan3A_23 iter_args(%scan3A_28 = %scan3A_19) -> (i32)  : i32 {
      %mul3A_29 = arith.constant 82 : i32
      %mul3A_30 = arith.muli %add3A, %mul3A_29 : i32
      %add3A_31 = arith.addi %mul3A_30, %scan3A_27 : i32
      %mul3A_32 = arith.constant 128 : i32
      %mul3A_33 = arith.muli %add3A_31, %mul3A_32 : i32
      "tpu.region"() ({
        %run_scoped3A = tpu.sem_alloc : memref<!tpu.dma_semaphore, #tpu.memory_space<semaphore_mem>>
        %dma_start3A_171 = tpu.memref_slice %arg5[%mul3A_33] : memref<335872xi32, #tpu.memory_space<hbm>> -> memref<128xi32, #tpu.memory_space<hbm>>
        %dma_start3A_172 = tpu.memref_slice %arg5[%mul3A_33] : memref<335872xi32, #tpu.memory_space<hbm>> -> memref<128xi32, #tpu.memory_space<hbm>>
        tpu.enqueue_dma source(%dma_start3A_172 : memref<128xi32, #tpu.memory_space<hbm>>) target(%arg10 : memref<128xi32, #tpu.memory_space<vmem>>) target_semaphore(%run_scoped3A : memref<!tpu.dma_semaphore, #tpu.memory_space<semaphore_mem>>)
        %dma_wait3A_173 = tpu.memref_slice %arg5[%mul3A_33] : memref<335872xi32, #tpu.memory_space<hbm>> -> memref<128xi32, #tpu.memory_space<hbm>>
        %dma_wait3A_174 = tpu.memref_slice %arg5[%mul3A_33] : memref<335872xi32, #tpu.memory_space<hbm>> -> memref<128xi32, #tpu.memory_space<hbm>>
        tpu.wait_dma2 semaphore(%run_scoped3A : memref<!tpu.dma_semaphore, #tpu.memory_space<semaphore_mem>>) src(%dma_wait3A_174 : memref<128xi32, #tpu.memory_space<hbm>>) dst(%arg10 : memref<128xi32, #tpu.memory_space<vmem>>)
        tpu.yield
      }) : () -> ()
      "tpu.region"() ({
        %run_scoped3A = tpu.sem_alloc : memref<!tpu.dma_semaphore, #tpu.memory_space<semaphore_mem>>
        %dma_start3A_171 = tpu.memref_slice %arg6[%mul3A_33] : memref<335872xi32, #tpu.memory_space<hbm>> -> memref<128xi32, #tpu.memory_space<hbm>>
        %dma_start3A_172 = tpu.memref_slice %arg6[%mul3A_33] : memref<335872xi32, #tpu.memory_space<hbm>> -> memref<128xi32, #tpu.memory_space<hbm>>
        tpu.enqueue_dma source(%dma_start3A_172 : memref<128xi32, #tpu.memory_space<hbm>>) target(%arg11 : memref<128xi32, #tpu.memory_space<vmem>>) target_semaphore(%run_scoped3A : memref<!tpu.dma_semaphore, #tpu.memory_space<semaphore_mem>>)
        %dma_wait3A_173 = tpu.memref_slice %arg6[%mul3A_33] : memref<335872xi32, #tpu.memory_space<hbm>> -> memref<128xi32, #tpu.memory_space<hbm>>
        %dma_wait3A_174 = tpu.memref_slice %arg6[%mul3A_33] : memref<335872xi32, #tpu.memory_space<hbm>> -> memref<128xi32, #tpu.memory_space<hbm>>
        tpu.wait_dma2 semaphore(%run_scoped3A : memref<!tpu.dma_semaphore, #tpu.memory_space<semaphore_mem>>) src(%dma_wait3A_174 : memref<128xi32, #tpu.memory_space<hbm>>) dst(%arg11 : memref<128xi32, #tpu.memory_space<vmem>>)
        tpu.yield
      }) : () -> ()
      %dma_start3A = arith.constant 0 : i32
      %dma_start3A_34 = arith.constant 0 : i32
      %dma_start3A_35 = tpu.memref_slice %arg2[%dma_start3A, %dma_start3A_34] : memref<10000x128xf32, #tpu.memory_space<hbm>> -> memref<10000x128xf32, #tpu.memory_space<hbm>>
      tpu.enqueue_indirect_dma source(%dma_start3A_35 : memref<10000x128xf32, #tpu.memory_space<hbm>>) target(%arg13 : memref<128x128xf32, #tpu.memory_space<vmem>>) offsets(%arg10 : memref<128xi32, #tpu.memory_space<vmem>>) semaphore(%arg15 : memref<!tpu.dma_semaphore, #tpu.memory_space<semaphore_mem>>)
      %get3A = arith.constant 0 : index
      %get3A_36 = tpu.vector_load %arg10[%get3A] {strides = array<i32>} : memref<128xi32, #tpu.memory_space<vmem>>, vector<16xi32>,
      %get3A_37 = arith.constant 0 : index
      %get3A_38 = tpu.vector_load %arg11[%get3A_37] {strides = array<i32>} : memref<128xi32, #tpu.memory_space<vmem>>, vector<16xi32>,
      %gather3A = tpu.vector_load_idx %arg8[%get3A_36] : memref<10000xf32, #tpu.memory_space<vmem>>[vector<16xi32>], vector<16xf32>,
      %gather3A_39 = tpu.vector_load_idx %arg9[%get3A_38] : memref<10000xf32, #tpu.memory_space<vmem>>[vector<16xi32>], vector<16xf32>,
      %add3A_40 = arith.addf %gather3A, %gather3A_39 : vector<16xf32>
      %ge3A = arith.constant 0.000000e+00 : f32
      %ge3A_41 = vector.broadcast %ge3A : f32 to vector<16xf32>
      %ge3A_42 = arith.cmpf oge, %add3A_40, %ge3A_41 : vector<16xf32>
      %mul3A_43 = arith.constant 2.000000e-01 : f32
      %mul3A_44 = vector.broadcast %mul3A_43 : f32 to vector<16xf32>
      %mul3A_45 = arith.mulf %add3A_40, %mul3A_44 : vector<16xf32>
      %select_n3A = arith.select %ge3A_42, %add3A_40, %mul3A_45 : vector<16xi1>, vector<16xf32>
      %exp3A = math.exp %select_n3A : vector<16xf32>
      %swap3A = arith.constant 0 : index
      %swap3A_46 = tpu.vector_load %arg12[%swap3A] {strides = array<i32>} : memref<144xf32, #tpu.memory_space<vmem>>, vector<16xf32>,
      tpu.vector_store %arg12[%swap3A], %exp3A {strides = array<i32>} : memref<144xf32, #tpu.memory_space<vmem>>, vector<16xf32>,
      %get3A_47 = arith.constant 16 : index
      %get3A_48 = tpu.vector_load %arg10[%get3A_47] {strides = array<i32>} : memref<128xi32, #tpu.memory_space<vmem>>, vector<16xi32>,
      %get3A_49 = arith.constant 16 : index
      %get3A_50 = tpu.vector_load %arg11[%get3A_49] {strides = array<i32>} : memref<128xi32, #tpu.memory_space<vmem>>, vector<16xi32>,
      %gather3A_51 = tpu.vector_load_idx %arg8[%get3A_48] : memref<10000xf32, #tpu.memory_space<vmem>>[vector<16xi32>], vector<16xf32>,
      %gather3A_52 = tpu.vector_load_idx %arg9[%get3A_50] : memref<10000xf32, #tpu.memory_space<vmem>>[vector<16xi32>], vector<16xf32>,
      %add3A_53 = arith.addf %gather3A_51, %gather3A_52 : vector<16xf32>
      %ge3A_54 = arith.constant 0.000000e+00 : f32
      %ge3A_55 = vector.broadcast %ge3A_54 : f32 to vector<16xf32>
      %ge3A_56 = arith.cmpf oge, %add3A_53, %ge3A_55 : vector<16xf32>
      %mul3A_57 = arith.constant 2.000000e-01 : f32
      %mul3A_58 = vector.broadcast %mul3A_57 : f32 to vector<16xf32>
      %mul3A_59 = arith.mulf %add3A_53, %mul3A_58 : vector<16xf32>
      %select_n3A_60 = arith.select %ge3A_56, %add3A_53, %mul3A_59 : vector<16xi1>, vector<16xf32>
      %exp3A_61 = math.exp %select_n3A_60 : vector<16xf32>
      %swap3A_62 = arith.constant 16 : index
      %swap3A_63 = tpu.vector_load %arg12[%swap3A_62] {strides = array<i32>} : memref<144xf32, #tpu.memory_space<vmem>>, vector<16xf32>,
      tpu.vector_store %arg12[%swap3A_62], %exp3A_61 {strides = array<i32>} : memref<144xf32, #tpu.memory_space<vmem>>, vector<16xf32>,
      %get3A_64 = arith.constant 32 : index
      %get3A_65 = tpu.vector_load %arg10[%get3A_64] {strides = array<i32>} : memref<128xi32, #tpu.memory_space<vmem>>, vector<16xi32>,
      %get3A_66 = arith.constant 32 : index
      %get3A_67 = tpu.vector_load %arg11[%get3A_66] {strides = array<i32>} : memref<128xi32, #tpu.memory_space<vmem>>, vector<16xi32>,
      %gather3A_68 = tpu.vector_load_idx %arg8[%get3A_65] : memref<10000xf32, #tpu.memory_space<vmem>>[vector<16xi32>], vector<16xf32>,
      %gather3A_69 = tpu.vector_load_idx %arg9[%get3A_67] : memref<10000xf32, #tpu.memory_space<vmem>>[vector<16xi32>], vector<16xf32>,
      %add3A_70 = arith.addf %gather3A_68, %gather3A_69 : vector<16xf32>
      %ge3A_71 = arith.constant 0.000000e+00 : f32
      %ge3A_72 = vector.broadcast %ge3A_71 : f32 to vector<16xf32>
      %ge3A_73 = arith.cmpf oge, %add3A_70, %ge3A_72 : vector<16xf32>
      %mul3A_74 = arith.constant 2.000000e-01 : f32
      %mul3A_75 = vector.broadcast %mul3A_74 : f32 to vector<16xf32>
      %mul3A_76 = arith.mulf %add3A_70, %mul3A_75 : vector<16xf32>
      %select_n3A_77 = arith.select %ge3A_73, %add3A_70, %mul3A_76 : vector<16xi1>, vector<16xf32>
      %exp3A_78 = math.exp %select_n3A_77 : vector<16xf32>
      %swap3A_79 = arith.constant 32 : index
      %swap3A_80 = tpu.vector_load %arg12[%swap3A_79] {strides = array<i32>} : memref<144xf32, #tpu.memory_space<vmem>>, vector<16xf32>,
      tpu.vector_store %arg12[%swap3A_79], %exp3A_78 {strides = array<i32>} : memref<144xf32, #tpu.memory_space<vmem>>, vector<16xf32>,
      %get3A_81 = arith.constant 48 : index
      %get3A_82 = tpu.vector_load %arg10[%get3A_81] {strides = array<i32>} : memref<128xi32, #tpu.memory_space<vmem>>, vector<16xi32>,
      %get3A_83 = arith.constant 48 : index
      %get3A_84 = tpu.vector_load %arg11[%get3A_83] {strides = array<i32>} : memref<128xi32, #tpu.memory_space<vmem>>, vector<16xi32>,
      %gather3A_85 = tpu.vector_load_idx %arg8[%get3A_82] : memref<10000xf32, #tpu.memory_space<vmem>>[vector<16xi32>], vector<16xf32>,
      %gather3A_86 = tpu.vector_load_idx %arg9[%get3A_84] : memref<10000xf32, #tpu.memory_space<vmem>>[vector<16xi32>], vector<16xf32>,
      %add3A_87 = arith.addf %gather3A_85, %gather3A_86 : vector<16xf32>
      %ge3A_88 = arith.constant 0.000000e+00 : f32
      %ge3A_89 = vector.broadcast %ge3A_88 : f32 to vector<16xf32>
      %ge3A_90 = arith.cmpf oge, %add3A_87, %ge3A_89 : vector<16xf32>
      %mul3A_91 = arith.constant 2.000000e-01 : f32
      %mul3A_92 = vector.broadcast %mul3A_91 : f32 to vector<16xf32>
      %mul3A_93 = arith.mulf %add3A_87, %mul3A_92 : vector<16xf32>
      %select_n3A_94 = arith.select %ge3A_90, %add3A_87, %mul3A_93 : vector<16xi1>, vector<16xf32>
      %exp3A_95 = math.exp %select_n3A_94 : vector<16xf32>
      %swap3A_96 = arith.constant 48 : index
      %swap3A_97 = tpu.vector_load %arg12[%swap3A_96] {strides = array<i32>} : memref<144xf32, #tpu.memory_space<vmem>>, vector<16xf32>,
      tpu.vector_store %arg12[%swap3A_96], %exp3A_95 {strides = array<i32>} : memref<144xf32, #tpu.memory_space<vmem>>, vector<16xf32>,
      %get3A_98 = arith.constant 64 : index
      %get3A_99 = tpu.vector_load %arg10[%get3A_98] {strides = array<i32>} : memref<128xi32, #tpu.memory_space<vmem>>, vector<16xi32>,
      %get3A_100 = arith.constant 64 : index
      %get3A_101 = tpu.vector_load %arg11[%get3A_100] {strides = array<i32>} : memref<128xi32, #tpu.memory_space<vmem>>, vector<16xi32>,
      %gather3A_102 = tpu.vector_load_idx %arg8[%get3A_99] : memref<10000xf32, #tpu.memory_space<vmem>>[vector<16xi32>], vector<16xf32>,
      %gather3A_103 = tpu.vector_load_idx %arg9[%get3A_101] : memref<10000xf32, #tpu.memory_space<vmem>>[vector<16xi32>], vector<16xf32>,
      %add3A_104 = arith.addf %gather3A_102, %gather3A_103 : vector<16xf32>
      %ge3A_105 = arith.constant 0.000000e+00 : f32
      %ge3A_106 = vector.broadcast %ge3A_105 : f32 to vector<16xf32>
      %ge3A_107 = arith.cmpf oge, %add3A_104, %ge3A_106 : vector<16xf32>
      %mul3A_108 = arith.constant 2.000000e-01 : f32
      %mul3A_109 = vector.broadcast %mul3A_108 : f32 to vector<16xf32>
      %mul3A_110 = arith.mulf %add3A_104, %mul3A_109 : vector<16xf32>
      %select_n3A_111 = arith.select %ge3A_107, %add3A_104, %mul3A_110 : vector<16xi1>, vector<16xf32>
      %exp3A_112 = math.exp %select_n3A_111 : vector<16xf32>
      %swap3A_113 = arith.constant 64 : index
      %swap3A_114 = tpu.vector_load %arg12[%swap3A_113] {strides = array<i32>} : memref<144xf32, #tpu.memory_space<vmem>>, vector<16xf32>,
      tpu.vector_store %arg12[%swap3A_113], %exp3A_112 {strides = array<i32>} : memref<144xf32, #tpu.memory_space<vmem>>, vector<16xf32>,
      %get3A_115 = arith.constant 80 : index
      %get3A_116 = tpu.vector_load %arg10[%get3A_115] {strides = array<i32>} : memref<128xi32, #tpu.memory_space<vmem>>, vector<16xi32>,
      %get3A_117 = arith.constant 80 : index
      %get3A_118 = tpu.vector_load %arg11[%get3A_117] {strides = array<i32>} : memref<128xi32, #tpu.memory_space<vmem>>, vector<16xi32>,
      %gather3A_119 = tpu.vector_load_idx %arg8[%get3A_116] : memref<10000xf32, #tpu.memory_space<vmem>>[vector<16xi32>], vector<16xf32>,
      %gather3A_120 = tpu.vector_load_idx %arg9[%get3A_118] : memref<10000xf32, #tpu.memory_space<vmem>>[vector<16xi32>], vector<16xf32>,
      %add3A_121 = arith.addf %gather3A_119, %gather3A_120 : vector<16xf32>
      %ge3A_122 = arith.constant 0.000000e+00 : f32
      %ge3A_123 = vector.broadcast %ge3A_122 : f32 to vector<16xf32>
      %ge3A_124 = arith.cmpf oge, %add3A_121, %ge3A_123 : vector<16xf32>
      %mul3A_125 = arith.constant 2.000000e-01 : f32
      %mul3A_126 = vector.broadcast %mul3A_125 : f32 to vector<16xf32>
      %mul3A_127 = arith.mulf %add3A_121, %mul3A_126 : vector<16xf32>
      %select_n3A_128 = arith.select %ge3A_124, %add3A_121, %mul3A_127 : vector<16xi1>, vector<16xf32>
      %exp3A_129 = math.exp %select_n3A_128 : vector<16xf32>
      %swap3A_130 = arith.constant 80 : index
      %swap3A_131 = tpu.vector_load %arg12[%swap3A_130] {strides = array<i32>} : memref<144xf32, #tpu.memory_space<vmem>>, vector<16xf32>,
      tpu.vector_store %arg12[%swap3A_130], %exp3A_129 {strides = array<i32>} : memref<144xf32, #tpu.memory_space<vmem>>, vector<16xf32>,
      %get3A_132 = arith.constant 96 : index
      %get3A_133 = tpu.vector_load %arg10[%get3A_132] {strides = array<i32>} : memref<128xi32, #tpu.memory_space<vmem>>, vector<16xi32>,
      %get3A_134 = arith.constant 96 : index
      %get3A_135 = tpu.vector_load %arg11[%get3A_134] {strides = array<i32>} : memref<128xi32, #tpu.memory_space<vmem>>, vector<16xi32>,
      %gather3A_136 = tpu.vector_load_idx %arg8[%get3A_133] : memref<10000xf32, #tpu.memory_space<vmem>>[vector<16xi32>], vector<16xf32>,
      %gather3A_137 = tpu.vector_load_idx %arg9[%get3A_135] : memref<10000xf32, #tpu.memory_space<vmem>>[vector<16xi32>], vector<16xf32>,
      %add3A_138 = arith.addf %gather3A_136, %gather3A_137 : vector<16xf32>
      %ge3A_139 = arith.constant 0.000000e+00 : f32
      %ge3A_140 = vector.broadcast %ge3A_139 : f32 to vector<16xf32>
      %ge3A_141 = arith.cmpf oge, %add3A_138, %ge3A_140 : vector<16xf32>
      %mul3A_142 = arith.constant 2.000000e-01 : f32
      %mul3A_143 = vector.broadcast %mul3A_142 : f32 to vector<16xf32>
      %mul3A_144 = arith.mulf %add3A_138, %mul3A_143 : vector<16xf32>
      %select_n3A_145 = arith.select %ge3A_141, %add3A_138, %mul3A_144 : vector<16xi1>, vector<16xf32>
      %exp3A_146 = math.exp %select_n3A_145 : vector<16xf32>
      %swap3A_147 = arith.constant 96 : index
      %swap3A_148 = tpu.vector_load %arg12[%swap3A_147] {strides = array<i32>} : memref<144xf32, #tpu.memory_space<vmem>>, vector<16xf32>,
      tpu.vector_store %arg12[%swap3A_147], %exp3A_146 {strides = array<i32>} : memref<144xf32, #tpu.memory_space<vmem>>, vector<16xf32>,
      %get3A_149 = arith.constant 112 : index
      %get3A_150 = tpu.vector_load %arg10[%get3A_149] {strides = array<i32>} : memref<128xi32, #tpu.memory_space<vmem>>, vector<16xi32>,
      %get3A_151 = arith.constant 112 : index
      %get3A_152 = tpu.vector_load %arg11[%get3A_151] {strides = array<i32>} : memref<128xi32, #tpu.memory_space<vmem>>, vector<16xi32>,
      %gather3A_153 = tpu.vector_load_idx %arg8[%get3A_150] : memref<10000xf32, #tpu.memory_space<vmem>>[vector<16xi32>], vector<16xf32>,
      %gather3A_154 = tpu.vector_load_idx %arg9[%get3A_152] : memref<10000xf32, #tpu.memory_space<vmem>>[vector<16xi32>], vector<16xf32>,
      %add3A_155 = arith.addf %gather3A_153, %gather3A_154 : vector<16xf32>
      %ge3A_156 = arith.constant 0.000000e+00 : f32
      %ge3A_157 = vector.broadcast %ge3A_156 : f32 to vector<16xf32>
      %ge3A_158 = arith.cmpf oge, %add3A_155, %ge3A_157 : vector<16xf32>
      %mul3A_159 = arith.constant 2.000000e-01 : f32
      %mul3A_160 = vector.broadcast %mul3A_159 : f32 to vector<16xf32>
      %mul3A_161 = arith.mulf %add3A_155, %mul3A_160 : vector<16xf32>
      %select_n3A_162 = arith.select %ge3A_158, %add3A_155, %mul3A_161 : vector<16xi1>, vector<16xf32>
      %exp3A_163 = math.exp %select_n3A_162 : vector<16xf32>
      %swap3A_164 = arith.constant 112 : index
      %swap3A_165 = tpu.vector_load %arg12[%swap3A_164] {strides = array<i32>} : memref<144xf32, #tpu.memory_space<vmem>>, vector<16xf32>,
      tpu.vector_store %arg12[%swap3A_164], %exp3A_163 {strides = array<i32>} : memref<144xf32, #tpu.memory_space<vmem>>, vector<16xf32>,
      %dma_wait3A = arith.constant 0 : i32
      %dma_wait3A_166 = arith.constant 0 : i32
      %dma_wait3A_167 = tpu.memref_slice %arg2[%dma_wait3A, %dma_wait3A_166] : memref<10000x128xf32, #tpu.memory_space<hbm>> -> memref<10000x128xf32, #tpu.memory_space<hbm>>
      tpu.wait_indirect_dma semaphore(%arg15 : memref<!tpu.dma_semaphore, #tpu.memory_space<semaphore_mem>>) src(%dma_wait3A_167 : memref<10000x128xf32, #tpu.memory_space<hbm>>) dst(%arg13 : memref<128x128xf32, #tpu.memory_space<vmem>>)
      %parallel_loop3A = arith.constant 0 : i32
      %parallel_loop3A_168 = arith.constant 128 : i32
      %parallel_loop3A_169 = arith.constant 1 : i32
      scf.for %parallel_loop3A_171 = %parallel_loop3A to %parallel_loop3A_168 step %parallel_loop3A_169  : i32 {
        %parallel_loop3A_172 = arith.index_cast %parallel_loop3A_171 : i32 to index
        %parallel_loop3A_173 = tpu.vector_load %arg12[%parallel_loop3A_172] {strides = array<i32>} : memref<144xf32, #tpu.memory_space<vmem>>, vector<16xf32>,
        %parallel_loop3A_174 = vector.extract_strided_slice %parallel_loop3A_173 {offsets = [0], sizes = [1], strides = [1]} : vector<16xf32> to vector<1xf32>
        %parallel_loop3A_175 = vector.extract %parallel_loop3A_174[0] : f32 from vector<1xf32>
        %parallel_loop3A_176 = arith.index_cast %parallel_loop3A_171 : i32 to index
        %parallel_loop3A_177 = arith.constant 0 : index
        %parallel_loop3A_178 = tpu.vector_load %arg13[%parallel_loop3A_176, %parallel_loop3A_177] {strides = array<i32>} : memref<128x128xf32, #tpu.memory_space<vmem>>, vector<16xf32>,
        %parallel_loop3A_179 = vector.broadcast %parallel_loop3A_175 : f32 to vector<16xf32>
        %parallel_loop3A_180 = arith.mulf %parallel_loop3A_178, %parallel_loop3A_179 : vector<16xf32>
        %parallel_loop3A_181 = arith.index_cast %parallel_loop3A_171 : i32 to index
        %parallel_loop3A_182 = arith.constant 0 : index
        %parallel_loop3A_183 = tpu.vector_load %arg13[%parallel_loop3A_181, %parallel_loop3A_182] {strides = array<i32>} : memref<128x128xf32, #tpu.memory_space<vmem>>, vector<16xf32>,
        tpu.vector_store %arg13[%parallel_loop3A_181, %parallel_loop3A_182], %parallel_loop3A_180 {strides = array<i32>} : memref<128x128xf32, #tpu.memory_space<vmem>>, vector<16xf32>,
        %parallel_loop3A_184 = arith.index_cast %parallel_loop3A_171 : i32 to index
        %parallel_loop3A_185 = arith.constant 16 : index
        %parallel_loop3A_186 = tpu.vector_load %arg13[%parallel_loop3A_184, %parallel_loop3A_185] {strides = array<i32>} : memref<128x128xf32, #tpu.memory_space<vmem>>, vector<16xf32>,
        %parallel_loop3A_187 = vector.broadcast %parallel_loop3A_175 : f32 to vector<16xf32>
        %parallel_loop3A_188 = arith.mulf %parallel_loop3A_186, %parallel_loop3A_187 : vector<16xf32>
        %parallel_loop3A_189 = arith.index_cast %parallel_loop3A_171 : i32 to index
        %parallel_loop3A_190 = arith.constant 16 : index
        %parallel_loop3A_191 = tpu.vector_load %arg13[%parallel_loop3A_189, %parallel_loop3A_190] {strides = array<i32>} : memref<128x128xf32, #tpu.memory_space<vmem>>, vector<16xf32>,
        tpu.vector_store %arg13[%parallel_loop3A_189, %parallel_loop3A_190], %parallel_loop3A_188 {strides = array<i32>} : memref<128x128xf32, #tpu.memory_space<vmem>>, vector<16xf32>,
        %parallel_loop3A_192 = arith.index_cast %parallel_loop3A_171 : i32 to index
        %parallel_loop3A_193 = arith.constant 32 : index
        %parallel_loop3A_194 = tpu.vector_load %arg13[%parallel_loop3A_192, %parallel_loop3A_193] {strides = array<i32>} : memref<128x128xf32, #tpu.memory_space<vmem>>, vector<16xf32>,
        %parallel_loop3A_195 = vector.broadcast %parallel_loop3A_175 : f32 to vector<16xf32>
        %parallel_loop3A_196 = arith.mulf %parallel_loop3A_194, %parallel_loop3A_195 : vector<16xf32>
        %parallel_loop3A_197 = arith.index_cast %parallel_loop3A_171 : i32 to index
        %parallel_loop3A_198 = arith.constant 32 : index
        %parallel_loop3A_199 = tpu.vector_load %arg13[%parallel_loop3A_197, %parallel_loop3A_198] {strides = array<i32>} : memref<128x128xf32, #tpu.memory_space<vmem>>, vector<16xf32>,
        tpu.vector_store %arg13[%parallel_loop3A_197, %parallel_loop3A_198], %parallel_loop3A_196 {strides = array<i32>} : memref<128x128xf32, #tpu.memory_space<vmem>>, vector<16xf32>,
        %parallel_loop3A_200 = arith.index_cast %parallel_loop3A_171 : i32 to index
        %parallel_loop3A_201 = arith.constant 48 : index
        %parallel_loop3A_202 = tpu.vector_load %arg13[%parallel_loop3A_200, %parallel_loop3A_201] {strides = array<i32>} : memref<128x128xf32, #tpu.memory_space<vmem>>, vector<16xf32>,
        %parallel_loop3A_203 = vector.broadcast %parallel_loop3A_175 : f32 to vector<16xf32>
        %parallel_loop3A_204 = arith.mulf %parallel_loop3A_202, %parallel_loop3A_203 : vector<16xf32>
        %parallel_loop3A_205 = arith.index_cast %parallel_loop3A_171 : i32 to index
        %parallel_loop3A_206 = arith.constant 48 : index
        %parallel_loop3A_207 = tpu.vector_load %arg13[%parallel_loop3A_205, %parallel_loop3A_206] {strides = array<i32>} : memref<128x128xf32, #tpu.memory_space<vmem>>, vector<16xf32>,
        tpu.vector_store %arg13[%parallel_loop3A_205, %parallel_loop3A_206], %parallel_loop3A_204 {strides = array<i32>} : memref<128x128xf32, #tpu.memory_space<vmem>>, vector<16xf32>,
        %parallel_loop3A_208 = arith.index_cast %parallel_loop3A_171 : i32 to index
        %parallel_loop3A_209 = arith.constant 64 : index
        %parallel_loop3A_210 = tpu.vector_load %arg13[%parallel_loop3A_208, %parallel_loop3A_209] {strides = array<i32>} : memref<128x128xf32, #tpu.memory_space<vmem>>, vector<16xf32>,
        %parallel_loop3A_211 = vector.broadcast %parallel_loop3A_175 : f32 to vector<16xf32>
        %parallel_loop3A_212 = arith.mulf %parallel_loop3A_210, %parallel_loop3A_211 : vector<16xf32>
        %parallel_loop3A_213 = arith.index_cast %parallel_loop3A_171 : i32 to index
        %parallel_loop3A_214 = arith.constant 64 : index
        %parallel_loop3A_215 = tpu.vector_load %arg13[%parallel_loop3A_213, %parallel_loop3A_214] {strides = array<i32>} : memref<128x128xf32, #tpu.memory_space<vmem>>, vector<16xf32>,
        tpu.vector_store %arg13[%parallel_loop3A_213, %parallel_loop3A_214], %parallel_loop3A_212 {strides = array<i32>} : memref<128x128xf32, #tpu.memory_space<vmem>>, vector<16xf32>,
        %parallel_loop3A_216 = arith.index_cast %parallel_loop3A_171 : i32 to index
        %parallel_loop3A_217 = arith.constant 80 : index
        %parallel_loop3A_218 = tpu.vector_load %arg13[%parallel_loop3A_216, %parallel_loop3A_217] {strides = array<i32>} : memref<128x128xf32, #tpu.memory_space<vmem>>, vector<16xf32>,
        %parallel_loop3A_219 = vector.broadcast %parallel_loop3A_175 : f32 to vector<16xf32>
        %parallel_loop3A_220 = arith.mulf %parallel_loop3A_218, %parallel_loop3A_219 : vector<16xf32>
        %parallel_loop3A_221 = arith.index_cast %parallel_loop3A_171 : i32 to index
        %parallel_loop3A_222 = arith.constant 80 : index
        %parallel_loop3A_223 = tpu.vector_load %arg13[%parallel_loop3A_221, %parallel_loop3A_222] {strides = array<i32>} : memref<128x128xf32, #tpu.memory_space<vmem>>, vector<16xf32>,
        tpu.vector_store %arg13[%parallel_loop3A_221, %parallel_loop3A_222], %parallel_loop3A_220 {strides = array<i32>} : memref<128x128xf32, #tpu.memory_space<vmem>>, vector<16xf32>,
        %parallel_loop3A_224 = arith.index_cast %parallel_loop3A_171 : i32 to index
        %parallel_loop3A_225 = arith.constant 96 : index
        %parallel_loop3A_226 = tpu.vector_load %arg13[%parallel_loop3A_224, %parallel_loop3A_225] {strides = array<i32>} : memref<128x128xf32, #tpu.memory_space<vmem>>, vector<16xf32>,
        %parallel_loop3A_227 = vector.broadcast %parallel_loop3A_175 : f32 to vector<16xf32>
        %parallel_loop3A_228 = arith.mulf %parallel_loop3A_226, %parallel_loop3A_227 : vector<16xf32>
        %parallel_loop3A_229 = arith.index_cast %parallel_loop3A_171 : i32 to index
        %parallel_loop3A_230 = arith.constant 96 : index
        %parallel_loop3A_231 = tpu.vector_load %arg13[%parallel_loop3A_229, %parallel_loop3A_230] {strides = array<i32>} : memref<128x128xf32, #tpu.memory_space<vmem>>, vector<16xf32>,
        tpu.vector_store %arg13[%parallel_loop3A_229, %parallel_loop3A_230], %parallel_loop3A_228 {strides = array<i32>} : memref<128x128xf32, #tpu.memory_space<vmem>>, vector<16xf32>,
        %parallel_loop3A_232 = arith.index_cast %parallel_loop3A_171 : i32 to index
        %parallel_loop3A_233 = arith.constant 112 : index
        %parallel_loop3A_234 = tpu.vector_load %arg13[%parallel_loop3A_232, %parallel_loop3A_233] {strides = array<i32>} : memref<128x128xf32, #tpu.memory_space<vmem>>, vector<16xf32>,
        %parallel_loop3A_235 = vector.broadcast %parallel_loop3A_175 : f32 to vector<16xf32>
        %parallel_loop3A_236 = arith.mulf %parallel_loop3A_234, %parallel_loop3A_235 : vector<16xf32>
        %parallel_loop3A_237 = arith.index_cast %parallel_loop3A_171 : i32 to index
        %parallel_loop3A_238 = arith.constant 112 : index
        %parallel_loop3A_239 = tpu.vector_load %arg13[%parallel_loop3A_237, %parallel_loop3A_238] {strides = array<i32>} : memref<128x128xf32, #tpu.memory_space<vmem>>, vector<16xf32>,
        tpu.vector_store %arg13[%parallel_loop3A_237, %parallel_loop3A_238], %parallel_loop3A_236 {strides = array<i32>} : memref<128x128xf32, #tpu.memory_space<vmem>>, vector<16xf32>,
      } {sc.loop_unroll_factor = 2 : i64, sc.parallel_access}
      "tpu.region"() ({
        %run_scoped3A = tpu.sem_alloc : memref<!tpu.dma_semaphore, #tpu.memory_space<semaphore_mem>>
        %dma_start3A_171 = arith.constant 0 : i32
        %dma_start3A_172 = arith.constant 0 : i32
        %dma_start3A_173 = tpu.memref_slice %arg14[%dma_start3A_171, %dma_start3A_172] : memref<10112x128xf32, #tpu.memory_space<vmem_shared>> -> memref<10112x128xf32, #tpu.memory_space<vmem_shared>>
        tpu.enqueue_indirect_dma source(%arg13 : memref<128x128xf32, #tpu.memory_space<vmem>>) target(%dma_start3A_173 : memref<10112x128xf32, #tpu.memory_space<vmem_shared>>) offsets(%arg11 : memref<128xi32, #tpu.memory_space<vmem>>) semaphore(%run_scoped3A : memref<!tpu.dma_semaphore, #tpu.memory_space<semaphore_mem>>) {add = true}
        %dma_wait3A_174 = arith.constant 0 : i32
        %dma_wait3A_175 = arith.constant 0 : i32
        %dma_wait3A_176 = tpu.memref_slice %arg14[%dma_wait3A_174, %dma_wait3A_175] : memref<10112x128xf32, #tpu.memory_space<vmem_shared>> -> memref<10112x128xf32, #tpu.memory_space<vmem_shared>>
        tpu.wait_indirect_dma semaphore(%run_scoped3A : memref<!tpu.dma_semaphore, #tpu.memory_space<semaphore_mem>>) src(%arg13 : memref<128x128xf32, #tpu.memory_space<vmem>>) dst(%dma_wait3A_176 : memref<10112x128xf32, #tpu.memory_space<vmem_shared>>)
        tpu.yield
      }) : () -> ()
      %scan3A_170 = arith.constant 0 : i32
      scf.yield %scan3A_170 : i32
    }
    %scan3A_25 = arith.constant 82 : i32
    %barrier3A_26 = arith.constant 0 : index
    tpu.barrier barrier_id(%barrier3A_26)
    "tpu.region"() ({
      %run_scoped3A = tpu.sem_alloc : memref<!tpu.dma_semaphore, #tpu.memory_space<semaphore_mem>>
      %dma_start3A = arith.constant 0 : i32
      %dma_start3A_27 = tpu.memref_slice %arg7[%arg0, %mul3A_8, %dma_start3A] : memref<2x10112x128xf32, #tpu.memory_space<hbm>> -> memref<1x632x128xf32, #tpu.memory_space<hbm>>
      %dma_start3A_28 = tpu.memref_squeeze %dma_start3A_27 : memref<1x632x128xf32, #tpu.memory_space<hbm>> -> memref<632x128xf32, #tpu.memory_space<hbm>>
      %dma_start3A_29 = arith.constant 0 : i32
      %dma_start3A_30 = tpu.memref_slice %arg14[%mul3A_8, %dma_start3A_29] : memref<10112x128xf32, #tpu.memory_space<vmem_shared>> -> memref<632x128xf32, #tpu.memory_space<vmem_shared>>
      tpu.enqueue_dma source(%dma_start3A_30 : memref<632x128xf32, #tpu.memory_space<vmem_shared>>) target(%dma_start3A_28 : memref<632x128xf32, #tpu.memory_space<hbm>>) target_semaphore(%run_scoped3A : memref<!tpu.dma_semaphore, #tpu.memory_space<semaphore_mem>>)
      %dma_wait3A = arith.constant 0 : i32
      %dma_wait3A_31 = tpu.memref_slice %arg7[%arg0, %mul3A_8, %dma_wait3A] : memref<2x10112x128xf32, #tpu.memory_space<hbm>> -> memref<1x632x128xf32, #tpu.memory_space<hbm>>
      %dma_wait3A_32 = tpu.memref_squeeze %dma_wait3A_31 : memref<1x632x128xf32, #tpu.memory_space<hbm>> -> memref<632x128xf32, #tpu.memory_space<hbm>>
      %dma_wait3A_33 = arith.constant 0 : i32
      %dma_wait3A_34 = tpu.memref_slice %arg14[%mul3A_8, %dma_wait3A_33] : memref<10112x128xf32, #tpu.memory_space<vmem_shared>> -> memref<632x128xf32, #tpu.memory_space<vmem_shared>>
      tpu.wait_dma2 semaphore(%run_scoped3A : memref<!tpu.dma_semaphore, #tpu.memory_space<semaphore_mem>>) src(%dma_wait3A_34 : memref<632x128xf32, #tpu.memory_space<vmem_shared>>) dst(%dma_wait3A_32 : memref<632x128xf32, #tpu.memory_space<hbm>>)
      tpu.yield
    }) : () -> ()
    return
  }
}

module attributes {stable_mosaic.version = 14 : i64} {
  func.func @_dense1_body(%arg0: i32, %arg1: memref<2000x128xf32, #tpu.memory_space<vmem>>, %arg2: memref<128x128xf32, #tpu.memory_space<vmem>>, %arg3: memref<1x128xf32, #tpu.memory_space<vmem>>, %arg4: memref<2000x128xf32, #tpu.memory_space<vmem>>) attributes {dimension_semantics = [#tpu.dimension_semantics<arbitrary>], iteration_bounds = array<i64: 5>, scalar_prefetch = 0 : i64, scratch_operands = 0 : i64, tpu.core_type = #tpu.core_type<tc>, window_params = [{transform_indices = @transform_0, window_bounds = array<i64: 2000, 128>}, {pipeline_mode = #tpu.pipeline_mode<synchronous>, transform_indices = @transform_1, window_bounds = array<i64: 128, 128>}, {pipeline_mode = #tpu.pipeline_mode<synchronous>, transform_indices = @transform_2, window_bounds = array<i64: 1, 128>}, {transform_indices = @transform_3, window_bounds = array<i64: 2000, 128>}]} {
    %get3A = arith.constant 0 : index
    %get3A_0 = arith.constant 0 : index
    %get3A_1 = vector.load %arg1[%get3A, %get3A_0] : memref<2000x128xf32, #tpu.memory_space<vmem>>, vector<2000x128xf32>
    %get3A_2 = arith.constant 0 : index
    %get3A_3 = arith.constant 0 : index
    %get3A_4 = vector.load %arg2[%get3A_2, %get3A_3] : memref<128x128xf32, #tpu.memory_space<vmem>>, vector<128x128xf32>
    %dot_general3A = arith.constant dense<0.000000e+00> : vector<2000x128xf32>
    %dot_general3A_5 = tpu.matmul %get3A_1, %get3A_4, %dot_general3A {dimension_numbers = #tpu.dot_dimension_numbers<[1], [0], [0], [1], [0, 0, 1, 1], [], []>, transpose_lhs_hint = false} : vector<2000x128xf32>, vector<128x128xf32>, vector<2000x128xf32> -> vector<2000x128xf32>
    %get3A_6 = arith.constant 0 : index
    %get3A_7 = arith.constant 0 : index
    %get3A_8 = vector.load %arg3[%get3A_6, %get3A_7] : memref<1x128xf32, #tpu.memory_space<vmem>>, vector<1x128xf32>
    %add3A = vector.broadcast %get3A_8 : vector<1x128xf32> to vector<2000x128xf32>
    %add3A_9 = arith.addf %dot_general3A_5, %add3A : vector<2000x128xf32>
    %swap3A = arith.constant 0 : index
    %swap3A_10 = arith.constant 0 : index
    %swap3A_11 = vector.load %arg4[%swap3A, %swap3A_10] : memref<2000x128xf32, #tpu.memory_space<vmem>>, vector<2000x128xf32>
    tpu.vector_store %arg4[%swap3A, %swap3A_10], %add3A_9 {strides = array<i32>} : memref<2000x128xf32, #tpu.memory_space<vmem>>, vector<2000x128xf32>,
    return
  }
  func.func @transform_0(%arg0: i32) -> (i32, i32) {
    %c0_i32 = arith.constant 0 : i32
    %c0_i32_0 = arith.constant 0 : i32
    return %arg0, %c0_i32 : i32, i32
  }
  func.func @transform_1(%arg0: i32) -> (i32, i32) {
    %c0_i32 = arith.constant 0 : i32
    %c0_i32_0 = arith.constant 0 : i32
    %c0_i32_1 = arith.constant 0 : i32
    return %c0_i32, %c0_i32_0 : i32, i32
  }
  func.func @transform_2(%arg0: i32) -> (i32, i32) {
    %c0_i32 = arith.constant 0 : i32
    %c0_i32_0 = arith.constant 0 : i32
    %c0_i32_1 = arith.constant 0 : i32
    return %c0_i32, %c0_i32_0 : i32, i32
  }
  func.func @transform_3(%arg0: i32) -> (i32, i32) {
    %c0_i32 = arith.constant 0 : i32
    %c0_i32_0 = arith.constant 0 : i32
    return %arg0, %c0_i32 : i32, i32
  }
}

module attributes {stable_mosaic.version = 14 : i64} {
  func.func @_combine2_body(%arg0: i32, %arg1: memref<2x2000x128xf32, #tpu.memory_space<vmem>>, %arg2: memref<1x64xf32, #tpu.memory_space<vmem>>, %arg3: memref<64x128xf32, #tpu.memory_space<vmem>>, %arg4: memref<1x128xf32, #tpu.memory_space<vmem>>, %arg5: memref<2000x128xf32, #tpu.memory_space<vmem>>) attributes {dimension_semantics = [#tpu.dimension_semantics<arbitrary>], iteration_bounds = array<i64: 5>, scalar_prefetch = 0 : i64, scratch_operands = 0 : i64, tpu.core_type = #tpu.core_type<tc>, window_params = [{transform_indices = @transform_0, window_bounds = array<i64: 2, 2000, 128>}, {pipeline_mode = #tpu.pipeline_mode<synchronous>, transform_indices = @transform_1, window_bounds = array<i64: 1, 64>}, {pipeline_mode = #tpu.pipeline_mode<synchronous>, transform_indices = @transform_2, window_bounds = array<i64: 64, 128>}, {pipeline_mode = #tpu.pipeline_mode<synchronous>, transform_indices = @transform_3, window_bounds = array<i64: 1, 128>}, {transform_indices = @transform_4, window_bounds = array<i64: 2000, 128>}]} {
    %get3A = arith.constant 0 : index
    %get3A_0 = arith.constant 0 : index
    %get3A_1 = arith.constant 0 : index
    %get3A_2 = vector.load %arg1[%get3A, %get3A_0, %get3A_1] : memref<2x2000x128xf32, #tpu.memory_space<vmem>>, vector<1x2000x128xf32>
    %get3A_3 = vector.shape_cast %get3A_2 : vector<1x2000x128xf32> to vector<2000x128xf32>
    %get3A_4 = arith.constant 1 : index
    %get3A_5 = arith.constant 0 : index
    %get3A_6 = arith.constant 0 : index
    %get3A_7 = vector.load %arg1[%get3A_4, %get3A_5, %get3A_6] : memref<2x2000x128xf32, #tpu.memory_space<vmem>>, vector<1x2000x128xf32>
    %get3A_8 = vector.shape_cast %get3A_7 : vector<1x2000x128xf32> to vector<2000x128xf32>
    %add3A = arith.addf %get3A_3, %get3A_8 : vector<2000x128xf32>
    %slice3A = vector.extract_strided_slice %add3A {offsets = [0, 0], sizes = [2000, 64], strides = [1, 1]} : vector<2000x128xf32> to vector<2000x64xf32>
    %slice3A_9 = vector.extract_strided_slice %add3A {offsets = [0, 64], sizes = [2000, 1], strides = [1, 1]} : vector<2000x128xf32> to vector<2000x1xf32>
    %div3A = vector.broadcast %slice3A_9 : vector<2000x1xf32> to vector<2000x64xf32>
    %div3A_10 = arith.divf %slice3A, %div3A : vector<2000x64xf32>
    %get3A_11 = arith.constant 0 : index
    %get3A_12 = arith.constant 0 : index
    %get3A_13 = vector.load %arg3[%get3A_11, %get3A_12] : memref<64x128xf32, #tpu.memory_space<vmem>>, vector<64x128xf32>
    %dot_general3A = arith.constant dense<0.000000e+00> : vector<2000x128xf32>
    %dot_general3A_14 = tpu.matmul %div3A_10, %get3A_13, %dot_general3A {dimension_numbers = #tpu.dot_dimension_numbers<[1], [0], [0], [1], [0, 0, 1, 1], [], []>, transpose_lhs_hint = false} : vector<2000x64xf32>, vector<64x128xf32>, vector<2000x128xf32> -> vector<2000x128xf32>
    %get3A_15 = arith.constant 0 : index
    %get3A_16 = arith.constant 0 : index
    %get3A_17 = vector.load %arg2[%get3A_15, %get3A_16] : memref<1x64xf32, #tpu.memory_space<vmem>>, vector<1x64xf32>
    %get3A_18 = arith.constant 0 : index
    %get3A_19 = arith.constant 0 : index
    %get3A_20 = vector.load %arg3[%get3A_18, %get3A_19] : memref<64x128xf32, #tpu.memory_space<vmem>>, vector<64x128xf32>
    %dot_general3A_21 = arith.constant dense<0.000000e+00> : vector<1x128xf32>
    %dot_general3A_22 = tpu.matmul %get3A_17, %get3A_20, %dot_general3A_21 {dimension_numbers = #tpu.dot_dimension_numbers<[1], [0], [0], [1], [0, 0, 1, 1], [], []>, transpose_lhs_hint = false} : vector<1x64xf32>, vector<64x128xf32>, vector<1x128xf32> -> vector<1x128xf32>
    %add3A_23 = vector.broadcast %dot_general3A_22 : vector<1x128xf32> to vector<2000x128xf32>
    %add3A_24 = arith.addf %dot_general3A_14, %add3A_23 : vector<2000x128xf32>
    %get3A_25 = arith.constant 0 : index
    %get3A_26 = arith.constant 0 : index
    %get3A_27 = vector.load %arg4[%get3A_25, %get3A_26] : memref<1x128xf32, #tpu.memory_space<vmem>>, vector<1x128xf32>
    %add3A_28 = vector.broadcast %get3A_27 : vector<1x128xf32> to vector<2000x128xf32>
    %add3A_29 = arith.addf %add3A_24, %add3A_28 : vector<2000x128xf32>
    %swap3A = arith.constant 0 : index
    %swap3A_30 = arith.constant 0 : index
    %swap3A_31 = vector.load %arg5[%swap3A, %swap3A_30] : memref<2000x128xf32, #tpu.memory_space<vmem>>, vector<2000x128xf32>
    tpu.vector_store %arg5[%swap3A, %swap3A_30], %add3A_29 {strides = array<i32>} : memref<2000x128xf32, #tpu.memory_space<vmem>>, vector<2000x128xf32>,
    return
  }
  func.func @transform_0(%arg0: i32) -> (i32, i32, i32) {
    %c0_i32 = arith.constant 0 : i32
    %c0_i32_0 = arith.constant 0 : i32
    %c0_i32_1 = arith.constant 0 : i32
    return %c0_i32, %arg0, %c0_i32_0 : i32, i32, i32
  }
  func.func @transform_1(%arg0: i32) -> (i32, i32) {
    %c0_i32 = arith.constant 0 : i32
    %c0_i32_0 = arith.constant 0 : i32
    %c0_i32_1 = arith.constant 0 : i32
    return %c0_i32, %c0_i32_0 : i32, i32
  }
  func.func @transform_2(%arg0: i32) -> (i32, i32) {
    %c0_i32 = arith.constant 0 : i32
    %c0_i32_0 = arith.constant 0 : i32
    %c0_i32_1 = arith.constant 0 : i32
    return %c0_i32, %c0_i32_0 : i32, i32
  }
  func.func @transform_3(%arg0: i32) -> (i32, i32) {
    %c0_i32 = arith.constant 0 : i32
    %c0_i32_0 = arith.constant 0 : i32
    %c0_i32_1 = arith.constant 0 : i32
    return %c0_i32, %c0_i32_0 : i32, i32
  }
  func.func @transform_4(%arg0: i32) -> (i32, i32) {
    %c0_i32 = arith.constant 0 : i32
    %c0_i32_0 = arith.constant 0 : i32
    return %arg0, %c0_i32 : i32, i32
  }
}

module attributes {stable_mosaic.version = 14 : i64} {
  func.func @_mlp_body(%arg0: i32, %arg1: memref<2048x128xf32, #tpu.memory_space<vmem>>, %arg2: memref<2048x128xf32, #tpu.memory_space<vmem>>, %arg3: memref<1x128xf32, #tpu.memory_space<vmem>>, %arg4: memref<128x128xf32, #tpu.memory_space<vmem>>, %arg5: memref<1x128xf32, #tpu.memory_space<vmem>>, %arg6: memref<128x128xf32, #tpu.memory_space<vmem>>, %arg7: memref<1x128xf32, #tpu.memory_space<vmem>>, %arg8: memref<128x128xf32, #tpu.memory_space<vmem>>, %arg9: memref<1x128xf32, #tpu.memory_space<vmem>>, %arg10: memref<128x128xf32, #tpu.memory_space<vmem>>, %arg11: memref<1x128xf32, #tpu.memory_space<vmem>>, %arg12: memref<128x128xf32, #tpu.memory_space<vmem>>, %arg13: memref<1x128xf32, #tpu.memory_space<vmem>>, %arg14: memref<128x128xf32, #tpu.memory_space<vmem>>, %arg15: memref<1x128xf32, #tpu.memory_space<vmem>>, %arg16: memref<2048x128xf32, #tpu.memory_space<vmem>>) attributes {dimension_semantics = [#tpu.dimension_semantics<arbitrary>], iteration_bounds = array<i64: 2>, scalar_prefetch = 0 : i64, scratch_operands = 0 : i64, tpu.core_type = #tpu.core_type<tc>, window_params = [{transform_indices = @transform_0, window_bounds = array<i64: 2048, 128>}, {transform_indices = @transform_1, window_bounds = array<i64: 2048, 128>}, {pipeline_mode = #tpu.pipeline_mode<synchronous>, transform_indices = @transform_2, window_bounds = array<i64: 1, 128>}, {pipeline_mode = #tpu.pipeline_mode<synchronous>, transform_indices = @transform_3, window_bounds = array<i64: 128, 128>}, {pipeline_mode = #tpu.pipeline_mode<synchronous>, transform_indices = @transform_4, window_bounds = array<i64: 1, 128>}, {pipeline_mode = #tpu.pipeline_mode<synchronous>, transform_indices = @transform_5, window_bounds = array<i64: 128, 128>}, {pipeline_mode = #tpu.pipeline_mode<synchronous>, transform_indices = @transform_6, window_bounds = array<i64: 1, 128>}, {pipeline_mode = #tpu.pipeline_mode<synchronous>, transform_indices = @transform_7, window_bounds = array<i64: 128, 128>}, {pipeline_mode = #tpu.pipeline_mode<synchronous>, transform_indices = @transform_8, window_bounds = array<i64: 1, 128>}, {pipeline_mode = #tpu.pipeline_mode<synchronous>, transform_indices = @transform_9, window_bounds = array<i64: 128, 128>}, {pipeline_mode = #tpu.pipeline_mode<synchronous>, transform_indices = @transform_10, window_bounds = array<i64: 1, 128>}, {pipeline_mode = #tpu.pipeline_mode<synchronous>, transform_indices = @transform_11, window_bounds = array<i64: 128, 128>}, {pipeline_mode = #tpu.pipeline_mode<synchronous>, transform_indices = @transform_12, window_bounds = array<i64: 1, 128>}, {pipeline_mode = #tpu.pipeline_mode<synchronous>, transform_indices = @transform_13, window_bounds = array<i64: 128, 128>}, {pipeline_mode = #tpu.pipeline_mode<synchronous>, transform_indices = @transform_14, window_bounds = array<i64: 1, 128>}, {transform_indices = @transform_15, window_bounds = array<i64: 2048, 128>}]} {
    %get3A = arith.constant 0 : index
    %get3A_0 = arith.constant 0 : index
    %get3A_1 = vector.load %arg1[%get3A, %get3A_0] : memref<2048x128xf32, #tpu.memory_space<vmem>>, vector<2048x128xf32>
    %get3A_2 = arith.constant 0 : index
    %get3A_3 = arith.constant 0 : index
    %get3A_4 = vector.load %arg2[%get3A_2, %get3A_3] : memref<2048x128xf32, #tpu.memory_space<vmem>>, vector<2048x128xf32>
    %slice3A = vector.extract_strided_slice %get3A_1 {offsets = [0, 0], sizes = [2048, 64], strides = [1, 1]} : vector<2048x128xf32> to vector<2048x64xf32>
    %slice3A_5 = vector.extract_strided_slice %get3A_1 {offsets = [0, 64], sizes = [2048, 1], strides = [1, 1]} : vector<2048x128xf32> to vector<2048x1xf32>
    %div3A = vector.broadcast %slice3A_5 : vector<2048x1xf32> to vector<2048x64xf32>
    %div3A_6 = arith.divf %slice3A, %div3A : vector<2048x64xf32>
    %slice3A_7 = vector.extract_strided_slice %get3A_4 {offsets = [0, 0], sizes = [2048, 64], strides = [1, 1]} : vector<2048x128xf32> to vector<2048x64xf32>
    %slice3A_8 = vector.extract_strided_slice %get3A_4 {offsets = [0, 64], sizes = [2048, 1], strides = [1, 1]} : vector<2048x128xf32> to vector<2048x1xf32>
    %div3A_9 = vector.broadcast %slice3A_8 : vector<2048x1xf32> to vector<2048x64xf32>
    %div3A_10 = arith.divf %slice3A_7, %div3A_9 : vector<2048x64xf32>
    %concatenate3A = tpu.concatenate %div3A_6, %div3A_10 in 1 : vector<2048x64xf32>, vector<2048x64xf32> -> vector<2048x128xf32>
    %get3A_11 = arith.constant 0 : index
    %get3A_12 = arith.constant 0 : index
    %get3A_13 = vector.load %arg3[%get3A_11, %get3A_12] : memref<1x128xf32, #tpu.memory_space<vmem>>, vector<1x128xf32>
    %add3A = vector.broadcast %get3A_13 : vector<1x128xf32> to vector<2048x128xf32>
    %add3A_14 = arith.addf %concatenate3A, %add3A : vector<2048x128xf32>
    %get3A_15 = arith.constant 0 : index
    %get3A_16 = arith.constant 0 : index
    %get3A_17 = vector.load %arg4[%get3A_15, %get3A_16] : memref<128x128xf32, #tpu.memory_space<vmem>>, vector<128x128xf32>
    %dot_general3A = arith.constant dense<0.000000e+00> : vector<2048x128xf32>
    %dot_general3A_18 = tpu.matmul %add3A_14, %get3A_17, %dot_general3A {dimension_numbers = #tpu.dot_dimension_numbers<[1], [1], [0], [0], [0, 0, 1, 0], [], []>, transpose_lhs_hint = false} : vector<2048x128xf32>, vector<128x128xf32>, vector<2048x128xf32> -> vector<2048x128xf32>
    %get3A_19 = arith.constant 0 : index
    %get3A_20 = arith.constant 0 : index
    %get3A_21 = vector.load %arg5[%get3A_19, %get3A_20] : memref<1x128xf32, #tpu.memory_space<vmem>>, vector<1x128xf32>
    %add3A_22 = vector.broadcast %get3A_21 : vector<1x128xf32> to vector<2048x128xf32>
    %add3A_23 = arith.addf %dot_general3A_18, %add3A_22 : vector<2048x128xf32>
    %max3A = arith.constant 0.000000e+00 : f32
    %max3A_24 = vector.broadcast %max3A : f32 to vector<2048x128xf32>
    %max3A_25 = arith.maximumf %add3A_23, %max3A_24 : vector<2048x128xf32>
    %get3A_26 = arith.constant 0 : index
    %get3A_27 = arith.constant 0 : index
    %get3A_28 = vector.load %arg6[%get3A_26, %get3A_27] : memref<128x128xf32, #tpu.memory_space<vmem>>, vector<128x128xf32>
    %dot_general3A_29 = arith.constant dense<0.000000e+00> : vector<2048x128xf32>
    %dot_general3A_30 = tpu.matmul %max3A_25, %get3A_28, %dot_general3A_29 {dimension_numbers = #tpu.dot_dimension_numbers<[1], [1], [0], [0], [0, 0, 1, 0], [], []>, transpose_lhs_hint = false} : vector<2048x128xf32>, vector<128x128xf32>, vector<2048x128xf32> -> vector<2048x128xf32>
    %get3A_31 = arith.constant 0 : index
    %get3A_32 = arith.constant 0 : index
    %get3A_33 = vector.load %arg7[%get3A_31, %get3A_32] : memref<1x128xf32, #tpu.memory_space<vmem>>, vector<1x128xf32>
    %add3A_34 = vector.broadcast %get3A_33 : vector<1x128xf32> to vector<2048x128xf32>
    %add3A_35 = arith.addf %dot_general3A_30, %add3A_34 : vector<2048x128xf32>
    %max3A_36 = arith.constant 0.000000e+00 : f32
    %max3A_37 = vector.broadcast %max3A_36 : f32 to vector<2048x128xf32>
    %max3A_38 = arith.maximumf %add3A_35, %max3A_37 : vector<2048x128xf32>
    %get3A_39 = arith.constant 0 : index
    %get3A_40 = arith.constant 0 : index
    %get3A_41 = vector.load %arg8[%get3A_39, %get3A_40] : memref<128x128xf32, #tpu.memory_space<vmem>>, vector<128x128xf32>
    %dot_general3A_42 = arith.constant dense<0.000000e+00> : vector<2048x128xf32>
    %dot_general3A_43 = tpu.matmul %max3A_38, %get3A_41, %dot_general3A_42 {dimension_numbers = #tpu.dot_dimension_numbers<[1], [1], [0], [0], [0, 0, 1, 0], [], []>, transpose_lhs_hint = false} : vector<2048x128xf32>, vector<128x128xf32>, vector<2048x128xf32> -> vector<2048x128xf32>
    %get3A_44 = arith.constant 0 : index
    %get3A_45 = arith.constant 0 : index
    %get3A_46 = vector.load %arg9[%get3A_44, %get3A_45] : memref<1x128xf32, #tpu.memory_space<vmem>>, vector<1x128xf32>
    %add3A_47 = vector.broadcast %get3A_46 : vector<1x128xf32> to vector<2048x128xf32>
    %add3A_48 = arith.addf %dot_general3A_43, %add3A_47 : vector<2048x128xf32>
    %max3A_49 = arith.constant 0.000000e+00 : f32
    %max3A_50 = vector.broadcast %max3A_49 : f32 to vector<2048x128xf32>
    %max3A_51 = arith.maximumf %add3A_48, %max3A_50 : vector<2048x128xf32>
    %get3A_52 = arith.constant 0 : index
    %get3A_53 = arith.constant 0 : index
    %get3A_54 = vector.load %arg10[%get3A_52, %get3A_53] : memref<128x128xf32, #tpu.memory_space<vmem>>, vector<128x128xf32>
    %dot_general3A_55 = arith.constant dense<0.000000e+00> : vector<2048x128xf32>
    %dot_general3A_56 = tpu.matmul %max3A_51, %get3A_54, %dot_general3A_55 {dimension_numbers = #tpu.dot_dimension_numbers<[1], [1], [0], [0], [0, 0, 1, 0], [], []>, transpose_lhs_hint = false} : vector<2048x128xf32>, vector<128x128xf32>, vector<2048x128xf32> -> vector<2048x128xf32>
    %get3A_57 = arith.constant 0 : index
    %get3A_58 = arith.constant 0 : index
    %get3A_59 = vector.load %arg11[%get3A_57, %get3A_58] : memref<1x128xf32, #tpu.memory_space<vmem>>, vector<1x128xf32>
    %add3A_60 = vector.broadcast %get3A_59 : vector<1x128xf32> to vector<2048x128xf32>
    %add3A_61 = arith.addf %dot_general3A_56, %add3A_60 : vector<2048x128xf32>
    %max3A_62 = arith.constant 0.000000e+00 : f32
    %max3A_63 = vector.broadcast %max3A_62 : f32 to vector<2048x128xf32>
    %max3A_64 = arith.maximumf %add3A_61, %max3A_63 : vector<2048x128xf32>
    %get3A_65 = arith.constant 0 : index
    %get3A_66 = arith.constant 0 : index
    %get3A_67 = vector.load %arg12[%get3A_65, %get3A_66] : memref<128x128xf32, #tpu.memory_space<vmem>>, vector<128x128xf32>
    %dot_general3A_68 = arith.constant dense<0.000000e+00> : vector<2048x128xf32>
    %dot_general3A_69 = tpu.matmul %max3A_64, %get3A_67, %dot_general3A_68 {dimension_numbers = #tpu.dot_dimension_numbers<[1], [1], [0], [0], [0, 0, 1, 0], [], []>, transpose_lhs_hint = false} : vector<2048x128xf32>, vector<128x128xf32>, vector<2048x128xf32> -> vector<2048x128xf32>
    %get3A_70 = arith.constant 0 : index
    %get3A_71 = arith.constant 0 : index
    %get3A_72 = vector.load %arg13[%get3A_70, %get3A_71] : memref<1x128xf32, #tpu.memory_space<vmem>>, vector<1x128xf32>
    %add3A_73 = vector.broadcast %get3A_72 : vector<1x128xf32> to vector<2048x128xf32>
    %add3A_74 = arith.addf %dot_general3A_69, %add3A_73 : vector<2048x128xf32>
    %max3A_75 = arith.constant 0.000000e+00 : f32
    %max3A_76 = vector.broadcast %max3A_75 : f32 to vector<2048x128xf32>
    %max3A_77 = arith.maximumf %add3A_74, %max3A_76 : vector<2048x128xf32>
    %get3A_78 = arith.constant 0 : index
    %get3A_79 = arith.constant 0 : index
    %get3A_80 = vector.load %arg14[%get3A_78, %get3A_79] : memref<128x128xf32, #tpu.memory_space<vmem>>, vector<128x128xf32>
    %dot_general3A_81 = arith.constant dense<0.000000e+00> : vector<2048x128xf32>
    %dot_general3A_82 = tpu.matmul %max3A_77, %get3A_80, %dot_general3A_81 {dimension_numbers = #tpu.dot_dimension_numbers<[1], [1], [0], [0], [0, 0, 1, 0], [], []>, transpose_lhs_hint = false} : vector<2048x128xf32>, vector<128x128xf32>, vector<2048x128xf32> -> vector<2048x128xf32>
    %get3A_83 = arith.constant 0 : index
    %get3A_84 = arith.constant 0 : index
    %get3A_85 = vector.load %arg15[%get3A_83, %get3A_84] : memref<1x128xf32, #tpu.memory_space<vmem>>, vector<1x128xf32>
    %add3A_86 = vector.broadcast %get3A_85 : vector<1x128xf32> to vector<2048x128xf32>
    %add3A_87 = arith.addf %dot_general3A_82, %add3A_86 : vector<2048x128xf32>
    %logistic3A = arith.negf %add3A_87 : vector<2048x128xf32>
    %logistic3A_88 = math.exp %logistic3A : vector<2048x128xf32>
    %logistic3A_89 = arith.constant 1.000000e+00 : f32
    %logistic3A_90 = vector.broadcast %logistic3A_89 : f32 to vector<2048x128xf32>
    %logistic3A_91 = arith.addf %logistic3A_90, %logistic3A_88 : vector<2048x128xf32>
    %logistic3A_92 = arith.divf %logistic3A_90, %logistic3A_91 : vector<2048x128xf32>
    %swap3A = arith.constant 0 : index
    %swap3A_93 = arith.constant 0 : index
    %swap3A_94 = vector.load %arg16[%swap3A, %swap3A_93] : memref<2048x128xf32, #tpu.memory_space<vmem>>, vector<2048x128xf32>
    tpu.vector_store %arg16[%swap3A, %swap3A_93], %logistic3A_92 {strides = array<i32>} : memref<2048x128xf32, #tpu.memory_space<vmem>>, vector<2048x128xf32>,
    return
  }
  func.func @transform_0(%arg0: i32) -> (i32, i32) {
    %c0_i32 = arith.constant 0 : i32
    %c0_i32_0 = arith.constant 0 : i32
    return %arg0, %c0_i32 : i32, i32
  }
  func.func @transform_1(%arg0: i32) -> (i32, i32) {
    %c0_i32 = arith.constant 0 : i32
    %c0_i32_0 = arith.constant 0 : i32
    return %arg0, %c0_i32 : i32, i32
  }
  func.func @transform_2(%arg0: i32) -> (i32, i32) {
    %c0_i32 = arith.constant 0 : i32
    %c0_i32_0 = arith.constant 0 : i32
    %c0_i32_1 = arith.constant 0 : i32
    return %c0_i32, %c0_i32_0 : i32, i32
  }
  func.func @transform_3(%arg0: i32) -> (i32, i32) {
    %c0_i32 = arith.constant 0 : i32
    %c0_i32_0 = arith.constant 0 : i32
    %c0_i32_1 = arith.constant 0 : i32
    return %c0_i32, %c0_i32_0 : i32, i32
  }
  func.func @transform_4(%arg0: i32) -> (i32, i32) {
    %c0_i32 = arith.constant 0 : i32
    %c0_i32_0 = arith.constant 0 : i32
    %c0_i32_1 = arith.constant 0 : i32
    return %c0_i32, %c0_i32_0 : i32, i32
  }
  func.func @transform_5(%arg0: i32) -> (i32, i32) {
    %c0_i32 = arith.constant 0 : i32
    %c0_i32_0 = arith.constant 0 : i32
    %c0_i32_1 = arith.constant 0 : i32
    return %c0_i32, %c0_i32_0 : i32, i32
  }
  func.func @transform_6(%arg0: i32) -> (i32, i32) {
    %c0_i32 = arith.constant 0 : i32
    %c0_i32_0 = arith.constant 0 : i32
    %c0_i32_1 = arith.constant 0 : i32
    return %c0_i32, %c0_i32_0 : i32, i32
  }
  func.func @transform_7(%arg0: i32) -> (i32, i32) {
    %c0_i32 = arith.constant 0 : i32
    %c0_i32_0 = arith.constant 0 : i32
    %c0_i32_1 = arith.constant 0 : i32
    return %c0_i32, %c0_i32_0 : i32, i32
  }
  func.func @transform_8(%arg0: i32) -> (i32, i32) {
    %c0_i32 = arith.constant 0 : i32
    %c0_i32_0 = arith.constant 0 : i32
    %c0_i32_1 = arith.constant 0 : i32
    return %c0_i32, %c0_i32_0 : i32, i32
  }
  func.func @transform_9(%arg0: i32) -> (i32, i32) {
    %c0_i32 = arith.constant 0 : i32
    %c0_i32_0 = arith.constant 0 : i32
    %c0_i32_1 = arith.constant 0 : i32
    return %c0_i32, %c0_i32_0 : i32, i32
  }
  func.func @transform_10(%arg0: i32) -> (i32, i32) {
    %c0_i32 = arith.constant 0 : i32
    %c0_i32_0 = arith.constant 0 : i32
    %c0_i32_1 = arith.constant 0 : i32
    return %c0_i32, %c0_i32_0 : i32, i32
  }
  func.func @transform_11(%arg0: i32) -> (i32, i32) {
    %c0_i32 = arith.constant 0 : i32
    %c0_i32_0 = arith.constant 0 : i32
    %c0_i32_1 = arith.constant 0 : i32
    return %c0_i32, %c0_i32_0 : i32, i32
  }
  func.func @transform_12(%arg0: i32) -> (i32, i32) {
    %c0_i32 = arith.constant 0 : i32
    %c0_i32_0 = arith.constant 0 : i32
    %c0_i32_1 = arith.constant 0 : i32
    return %c0_i32, %c0_i32_0 : i32, i32
  }
  func.func @transform_13(%arg0: i32) -> (i32, i32) {
    %c0_i32 = arith.constant 0 : i32
    %c0_i32_0 = arith.constant 0 : i32
    %c0_i32_1 = arith.constant 0 : i32
    return %c0_i32, %c0_i32_0 : i32, i32
  }
  func.func @transform_14(%arg0: i32) -> (i32, i32) {
    %c0_i32 = arith.constant 0 : i32
    %c0_i32_0 = arith.constant 0 : i32
    %c0_i32_1 = arith.constant 0 : i32
    return %c0_i32, %c0_i32_0 : i32, i32
  }
  func.func @transform_15(%arg0: i32) -> (i32, i32) {
    %c0_i32 = arith.constant 0 : i32
    %c0_i32_0 = arith.constant 0 : i32
    return %arg0, %c0_i32 : i32, i32
  }
}

</mosaic_0001>

<sc_bundles>
// kernel: kernel.11.cloned.1.call-start
scs
__scs_entry_jumppad:
0x0: {  	(pc) =	sbr.rel $0x88, $3  }
0x1: {  	(tag) =	ssettag $0x0;
	lr =	simm.s32 $0x1  }
0x2: {  	[smem:$0x3F8A] =	sst lr;
	_ =	strace $0xD0000000  }
0x3: {  	_ = 	snop  }
0x4: {  	_ = 	snop  }
0x5: {  	_ = 	snop  }
0x6: {  	_ = 	snop  }
0x7: {  	_ = 	snop  }
__scs_overlays_trampoline_lowered:
0x8: {  	[smem:$0x3F99] =	sst s0  }
0x9: {  	[smem:$0x3F9A] =	sst s1  }
0xa: {  	[smem:$0x3F9B] =	sst s2  }
0xb: {  	[smem:$0x3F9C] =	sst s3  }
0xc: {  	[smem:$0x3F9D] =	sst s4  }
0xd: {  	[smem:$0x3F9E] =	sst s5  }
0xe: {  	[smem:$0x3F9F] =	sst s6  }
0xf: {  	[smem:$0x3FA0] =	sst s7  }
0x10: {  	[smem:$0x3FA1] =	sst s8  }
0x11: {  	[smem:$0x3FA2] =	sst s9;
	s0 =	simm.s32 @!p0 $0x0  }
0x12: {  	s1 =	sld [smem:$0x3F88];
	s0 =	simm.s32 @p0 $0x1  }
0x13: {  	[smem:$0x3FA3] =	sst s0;
	s0 =	simm.s32 @!p1 $0x0  }
0x14: {  	s2 =	sld [smem:$0x3F87];
	s0 =	simm.s32 @p1 $0x1  }
0x15: {  	[smem:$0x3FA4] =	sst s0;
	s0 =	simm.s32 @!p2 $0x0  }
0x16: {  	s3 =	sld [smem:$0x3FDB];
	s0 =	simm.s32 @p2 $0x1  }
0x17: {  	s4 =	simm.s32 $0x1BF5;
	[smem:$0x3FA6] =	sst s0  }
0x18: {  	s0 =	sld [smem:$0x3F89];
	_ =	swait.ge [sflag:s4], $0x0  }
0x19: {  	s7 =	sld [smem:$0x3F8A]  }
0x1a: {  	s8 =	sadd.s32 $0xFFFFE003, lr  }
0x1b: {  	s9 =	sadd.s32 $0xFFFFFEF7, lr;
	s5 =	simm.s32 $0xFFFFFFFF;
	p2 =	slt.u32 s8, $0xFFFFF086  }
0x1c: {  	p1 =	slt.u32 s9, $0xF7A;
	s5 =	simm.s32 @!p2 $0x0  }
0x1d: {  	s5 =	simm.s32 @p1 $0x1;
	p0 =	seq.s32 s7, s2  }
0x1e: {  	s7 =	smul.u32 @!p0 $0xF7A, s2;
	p2 =	seq.s32 @!p0 s5, $0x0  }
0x1f: {  	s9 =	smul.u32 $0xF7A, s1;
	s8 =	simm.s32 @!p0 $0x1BF5;
	p2 =	por !p2, p0  }
0x20: {  	[sflag:s8] =	ssyncset.s32 @!p0 $0xFFFFF086;
	s6 =	sadd.s32 @!p0 s3, s7;
	s7 =	simm.s32 @!p0 $0x108  }
0x21: {  	s3 =	sadd.s32 s3, s9;
	s6 =	sadd.s32 @!p0 $0x88, s6;
	s7 =	simm.s32 @p2 $0x1082  }
0x22: {  	[simem:s7], [sflag:s8] =	dma.local @!p0 [hbm:s6], $0xF7A  }
0x23: {  	s9 =	sor.u32 $0xD0000000, s2;
	s6 =	simm.s32 $0x108;
	_ =	swait.ge @!p0 [sflag:s8], $0x0  }
0x24: {  	s3 =	sadd.s32 $0x88, s3;
	s6 =	simm.s32 @!p1 $0x1082;
	[sflag:s4] =	ssyncset.s32 $0xFFFFF086  }
0x25: {  	[simem:s6], [sflag:s4] =	dma.local [hbm:s3], $0xF7A  }
0x26: {  	[smem:$0x3F8A] =	sst s1;
	(tag) =	ssettag s2;
	_ =	strace s9  }
0x27: {  	s1 =	sld [smem:$0x3F9A]  }
0x28: {  	s2 =	sld [smem:$0x3F9B]  }
0x29: {  	s4 =	sld [smem:$0x3F9D]  }
0x2a: {  	p0 =	seq.s32 s5, $0x0;
	s5 =	sld [smem:$0x3F9E]  }
0x2b: {  	s6 =	sld [smem:$0x3F9F]  }
0x2c: {  	s7 =	sld [smem:$0x3FA0]  }
0x2d: {  	s3 =	simm.s32 $0x108;
	s8 =	sld [smem:$0x3FA1]  }
0x2e: {  	s3 =	simm.s32 @!p0 $0x1082;
	s9 =	sld [smem:$0x3FA2]  }
0x2f: {  	lr =	sadd.s32 s0, s3;
	s0 =	sld [smem:$0x3F99]  }
0x30: {  	s3 =	sld [smem:$0x3F9C]  }
0x31: {  	[smem:$0x3FA5] =	sst s10  }
0x32: {  	s10 =	sld [smem:$0x3FA3];
	_ =	sdelay $0x3  }
0x33: {  	p0 =	seq.s32 s10, $0x1;
	s10 =	sld [smem:$0x3FA5];
	_ =	sdelay $0x3  }
0x34: {  	[smem:$0x3FA5] =	sst s10  }
0x35: {  	s10 =	sld [smem:$0x3FA4];
	_ =	sdelay $0x3  }
0x36: {  	p1 =	seq.s32 s10, $0x1;
	s10 =	sld [smem:$0x3FA5];
	_ =	sdelay $0x3  }
0x37: {  	[smem:$0x3FA5] =	sst s10  }
0x38: {  	s10 =	sld [smem:$0x3FA6]  }
0x39: {  	_ = 	snop;
	(pc) =	sbr.ind lr, $3  }
0x3a: {  	_ = 	snop  }
0x3b: {  	_ = 	snop  }
0x3c: {  	p2 =	seq.s32 s10, $0x1;
	s10 =	sld [smem:$0x3FA5]  }
0x3d: {  	_ =	shalt  }
0x3e: {  	_ =	shalt  }
0x3f: {  	_ =	shalt  }
0x40: {  	_ =	shalt  }
0x41: {  	_ =	shalt  }
0x42: {  	_ =	shalt  }
0x43: {  	_ =	shalt  }
0x44: {  	_ =	shalt  }
0x45: {  	_ =	shalt  }
0x46: {  	_ =	shalt  }
0x47: {  	_ =	shalt  }
0x48: {  	_ =	shalt  }
0x49: {  	_ =	shalt  }
0x4a: {  	_ =	shalt  }
0x4b: {  	_ =	shalt  }
0x4c: {  	_ =	shalt  }
0x4d: {  	_ =	shalt  }
0x4e: {  	_ =	shalt  }
0x4f: {  	_ =	shalt  }
0x50: {  	_ =	shalt  }
0x51: {  	_ =	shalt  }
0x52: {  	_ =	shalt  }
0x53: {  	_ =	shalt  }
0x54: {  	_ =	shalt  }
0x55: {  	_ =	shalt  }
0x56: {  	_ =	shalt  }
0x57: {  	_ =	shalt  }
0x58: {  	_ =	shalt  }
0x59: {  	_ =	shalt  }
0x5a: {  	_ =	shalt  }
0x5b: {  	_ =	shalt  }
0x5c: {  	_ =	shalt  }
0x5d: {  	_ =	shalt  }
0x5e: {  	_ =	shalt  }
0x5f: {  	_ =	shalt  }
0x60: {  	_ =	shalt  }
0x61: {  	_ =	shalt  }
0x62: {  	_ =	shalt  }
0x63: {  	_ =	shalt  }
0x64: {  	_ =	shalt  }
0x65: {  	_ =	shalt  }
0x66: {  	_ =	shalt  }
0x67: {  	_ =	shalt  }
0x68: {  	_ =	shalt  }
0x69: {  	_ =	shalt  }
0x6a: {  	_ =	shalt  }
0x6b: {  	_ =	shalt  }
0x6c: {  	_ =	shalt  }
0x6d: {  	_ =	shalt  }
0x6e: {  	_ =	shalt  }
0x6f: {  	_ =	shalt  }
0x70: {  	_ =	shalt  }
0x71: {  	_ =	shalt  }
0x72: {  	_ =	shalt  }
0x73: {  	_ =	shalt  }
0x74: {  	_ =	shalt  }
0x75: {  	_ =	shalt  }
0x76: {  	_ =	shalt  }
0x77: {  	_ =	shalt  }
0x78: {  	_ =	shalt  }
0x79: {  	_ =	shalt  }
0x7a: {  	_ =	shalt  }
0x7b: {  	_ =	shalt  }
0x7c: {  	_ =	shalt  }
0x7d: {  	_ =	shalt  }
0x7e: {  	_ =	shalt  }
0x7f: {  	_ =	shalt  }
0x80: {  	_ =	shalt  }
0x81: {  	_ =	shalt  }
0x82: {  	_ =	shalt  }
0x83: {  	_ =	shalt  }
0x84: {  	_ =	shalt  }
0x85: {  	_ =	shalt  }
0x86: {  	_ =	shalt  }
0x87: {  	_ =	shalt  }
.Lfunc_end0:
.L_simem_size_0:
called_computation.1_lowered:
.L_overlay_start_0:
0x88: {  	s2 =	sld [smem:$0x3FD9]  }
0x89: {  	s3 =	sld [smem:$0x3FFE];
	_ =	sdelay $0x1  }
0x8a: {  	s1 =	srdreg.scid  }
0x8b: {  	s0 =	sand.u32 $0x1, s1  }
0x8c: {  	s16 =	sshll.u32 s0, $0xA;
	s2 =	sadd.s32 s3, s2  }
0x8d: {  	s2 =	sadd.s32 s2, s16  }
0x8e: {  	[smem:$0x3FB1] =	sst s2  }
0x8f: {  	_ = 	snop  }
0x90: {  	(tm) =	ssettm $0x1  }
0x91: {  	s17 =	sld [smem:$0x3FFB];
	_ =	sdelay $0x3  }
0x92: {  	_ =	strace s17  }
0x93: {  	s2 =	sld [smem:$0x3FFC];
	_ =	sdelay $0x3  }
0x94: {  	_ =	strace s2  }
0x95: {  	s2 =	sld [smem:$0x3FFD];
	_ =	sdelay $0x3  }
0x96: {  	_ =	strace s2  }
0x97: {  	_ =	strace $0x8FFFFFFF  }
0x98: {  	s18 =	sld [smem:$0x3FDB];
	_ =	sdelay $0x1  }
0x99: {  	s19 =	simm.s32 $_scs_section_size  }
0x9a: {  	s4 =	simm.s32 $_size__tile_overlayer_lowered;
	s5 =	simm.s32 $_tile_overlayer_lowered  }
0x9b: {  	s22 =	simm.s32 $0x1BFF;
	s21 =	sshll.u32 s5, $0x1;
	s2 =	sadd.s32 s19, s18  }
0x9c: {  	s6 =	simm.s32 $0x0;
	s20 =	sshll.u32 s4, $0x1;
	s4 =	sadd.s32 s21, s2  }
0x9d: {  	[timem:s6], [sflag:s22] =	dma.local [hbm:s4], s20  }
0x9e: {  	_ =	swait.ge [sflag:s22], s20  }
0x9f: {  	s3 =	ssub.s32 $0x0, s20;
	[sflag:s22] =	ssyncset.done $0x0  }
0xa0: {  	[sflag:s22] =	ssyncadd.s32 s3;
	_ =	sdelay $0x1  }
0xa1: {  	s23 =	simm.s32 $0x1B8B  }
0xa2: {  	_ =	swait.ge [sflag:s23], $0x1  }
0xa3: {  	[sflag:s23] =	ssyncset.done $0x0  }
0xa4: {  	s25 =	simm.s32 $0x1B8E;
	s24 =	sld [smem:$0x3FFE];
	[sflag:s23] =	ssyncadd.s32 $0xFFFFFFFF  }
0xa5: {  	s26 =	simm.s32 $execute0_lowered;
	[smem:$0x3FD2] =	sst s25  }
0xa6: {  	s4 =	sshll.u32 s26, $0x1;
	_ =	strace $0x80000049;
	[dreg:$0x1] =	wrdreg $0xFFFFFFFF  }
0xa7: {  	s28 =	simm.s32 $_size_execute0_lowered;
	s2 =	sadd.s32 s2, s4;
	[dreg:$0x0] =	wrdreg $0x0  }
0xa8: {  	s4 =	sshll.u32 s28, $0x1;
	[dreg:$0x2] =	wrdreg s2  }
0xa9: {  	[dreg:$0x3] =	wrdreg s4  }
0xaa: {  	[dreg:$0x4] =	wrdreg $0xC0  }
0xab: {  	_ =	task [dreg:s6], $0x5FFFF  }
0xac: {  	[dreg:$0x1] =	wrdreg $0xFFFFFFFF  }
0xad: {  	[dreg:$0x0] =	wrdreg $0x60  }
0xae: {  	[dreg:$0x2] =	wrdreg s24  }
0xaf: {  	[dreg:$0x3] =	wrdreg $0x91000  }
0xb0: {  	[dreg:$0x4] =	wrdreg $0x9  }
0xb1: {  	_ =	task.clear_ibuf [dreg:s6], $0x5FFFF;
	_ =	strace $0x90000049  }
0xb2: {  	s29 =	simm.s32 $0x9;
	_ =	strace $0x8000004B  }
0xb3: {  	_ =	swait.ge [sflag:s29], $0x1  }
0xb4: {  	[sflag:s29] =	ssyncadd.s32 $0xFFFFFFFF  }
0xb5: {  	_ =	strace $0x9000004B  }
0xb6: {  	_ =	sfence  }
0xb7: {  	s30 =	sld [smem:$0x0];
	_ =	sdelay $0x2  }
0xb8: {  	s31 =	sshll.u32 s1, $0xD;
	s1 =	sshrl.u32 s1, $0x2  }
0xb9: {  	s3 =	sand.u32 $0x4000, s31;
	s1 =	sadd.s32 s1, s30  }
0xba: {  	s0 =	sor.u32 s3, s0;
	s1 =	sshll.u32 s1, $0x11  }
0xbb: {  	s0 =	sor.u32 s1, s0  }
0xbc: {  	s0 =	sadd.s32 $0x8F2B, s0  }
0xbd: {  	[sflag:s0] =	ssyncadd.remote.s32 $0x1  }
0xbe: {  	_ =	sfence.sel $0xFFFF  }
0xbf: {  	[dreg:$0x0] =	wrdreg $0xFFFFFFFF;
	(pc) =	sbr.abs _section_cstart, $3  }
0xc0: {  	[dreg:$0x1] =	wrdreg $0xFFFFFFFF  }
0xc1: {  	_ =	task.clear_ibuf [dreg:s6], $0x2FFFF;
	_ =	strace $0x9FFFFFFF  }
0xc2: {  	(tm) =	ssettm $0x7FFFFFFF  }
0xc3: {  	_ =	shalt  }
tec
execute0_lowered:
.L_overlay_start_1:
0x0: {  	(tag) =	ssettag $0x1  }
0x1: {  	s9 =	rddreg [dreg:$0x0]  }
0x2: {  	s1 =	rddreg [dreg:$0x1];
	s2 =	srdreg.scid  }
0x3: {  	s0 =	rddreg [dreg:$0x2];
	s3 =	simm.s32 $0x0;
	s17 =	simm.s32 $0x5100  }
0x4: {  	s18 =	simm.s32 $0x2;
	s19 =	simm.s32 $0x2780;
	s20 =	simm.s32 $0x4F00  }
0x5: {  	s21 =	simm.s32 $0x4F80;
	s22 =	simm.s32 $0x80;
	s23 =	simm.s32 $0x1  }
0x6: {  	s24 =	simm.s32 $0x0;
	s10 =	sand.u32 $0x1, s2;
	s2 =	stileid.u32  }
0x7: {  	[smem:$0x7FF] =	sst s3;
	s4 =	sadd.s32 $0x2400, s9;
	s7 =	smul.u32 $0x13C000, s10  }
0x8: {  	s5 =	sadd.s32 $0x29C00, s9;
	s6 =	sadd.s32 $0x29600, s9;
	s8 =	smul.u32 $0x13C00, s2  }
0x9: {  	s12 =	smul.u32 $0x4F000, s2;
	s30 =	ssub.s32 $0x2, s10;
	s13 =	sshll.u32 s2, $0x1  }
0xa: {  	_ =	strace $0x8000004A;
	s31 =	sshrl.u32 s30, $0x1;
	s14 =	sor.u32 s10, s13  }
0xb: {  	s8 =	sadd.s32 s8, s7;
	s7 =	sadd.s32 $0x2A200, s9;
	s12 =	sshrl.u32 s12, $0x2  }
0xc: {  	s16 =	ssub.s32 s30, s31;
	s14 =	smul.u32 $0x52, s14;
	s11 =	sshrl.u32 s8, $0x3  }
0xd: {  	s8 =	sadd.s32 $0x34600, s9;
	s15 =	sadd.s32 s11, s9;
	s9 =	sadd.s32 s12, s1  }
0xe: {  	s16 =	smax.u32 s16, $0x1;
	s10 =	sadd.s32 $0x4000, s9;
	s11 =	sadd.s32 $0x8000, s9  }
0xf: {  	v0 =	vimm.f32 $0.0e+00;
	s12 =	sadd.s32 $0xC000, s9;
	s13 =	sadd.s32 $0x10000, s9;
	s15 =	sadd.s32 $0x3EA00, s15  }
.LBB2_1:
0x10: {  	s25 =	simm.s32 $0x0;
	s26 =	simm.s32 $0x200  }
.LBB2_2:
0x11: {  	p0 =	sne.s32 s26, $0xFE00;
	[tilespmem:s25+$0x5170] =	vst v0  }
0x12: {  	[tilespmem:s25+$0x5100] =	vst v0  }
0x13: {  	[tilespmem:s25+$0x5110] =	vst v0  }
.Ltmp0:
0x14: {  	[tilespmem:s25+$0x5120] =	vst v0;
	(pc) =	sbr.rel @p0 .LBB2_2-.Ltmp0, $4  }
0x15: {  	[tilespmem:s25+$0x5130] =	vst v0  }
0x16: {  	[tilespmem:s25+$0x5140] =	vst v0  }
0x17: {  	[tilespmem:s25+$0x5150] =	vst v0  }
0x18: {  	[tilespmem:s25+$0x5160] =	vst v0;
	s25 =	sshra.s32 s26, $0x2;
	s26 =	sadd.s32 $0x200, s26  }
0x19: {  	[tilespmem:s25+$0x5170] =	vst v0  }
0x1a: {  	[tilespmem:s25+$0x5100] =	vst v0  }
0x1b: {  	[tilespmem:s25+$0x5110] =	vst v0  }
0x1c: {  	[tilespmem:s25+$0x5120] =	vst v0  }
0x1d: {  	[tilespmem:s25+$0x5130] =	vst v0  }
0x1e: {  	[tilespmem:s25+$0x5140] =	vst v0  }
0x1f: {  	[tilespmem:s25+$0x5150] =	vst v0  }
0x20: {  	[tilespmem:s25+$0x5160] =	vst v0  }
0x21: {  	[spmem:s9] =	stream.linear.scatter [tilespmem:s17], [sflag:$0x2], $0x4000, $0x38;
	[tilespmem:$0x1CD00] =	vst v63  }
0x22: {  	_ =	swait.ge [sflag:s18], $0x4000  }
0x23: {  	[sflag:s18] =	ssyncset.done $0x0  }
0x24: {  	[sflag:s18] =	ssyncadd.s32 $0xFFFFC000  }
0x25: {  	[spmem:s10] =	stream.linear.scatter [tilespmem:s17], [sflag:$0x2], $0x4000, $0x38;
	[tilespmem:$0x1CD00] =	vst v63  }
0x26: {  	_ =	swait.ge [sflag:s18], $0x4000  }
0x27: {  	[sflag:s18] =	ssyncset.done $0x0  }
0x28: {  	[sflag:s18] =	ssyncadd.s32 $0xFFFFC000  }
0x29: {  	[spmem:s11] =	stream.linear.scatter [tilespmem:s17], [sflag:$0x2], $0x4000, $0x38;
	[tilespmem:$0x1CD00] =	vst v63  }
0x2a: {  	_ =	swait.ge [sflag:s18], $0x4000  }
0x2b: {  	[sflag:s18] =	ssyncset.done $0x0  }
0x2c: {  	[sflag:s18] =	ssyncadd.s32 $0xFFFFC000  }
0x2d: {  	[spmem:s12] =	stream.linear.scatter [tilespmem:s17], [sflag:$0x2], $0x4000, $0x38;
	[tilespmem:$0x1CD00] =	vst v63  }
0x2e: {  	_ =	swait.ge [sflag:s18], $0x4000  }
0x2f: {  	[sflag:s18] =	ssyncset.done $0x0  }
0x30: {  	[sflag:s18] =	ssyncadd.s32 $0xFFFFC000  }
0x31: {  	[spmem:s13] =	stream.linear.scatter [tilespmem:s17], [sflag:$0x2], $0x3C00, $0x38;
	[tilespmem:$0x1CD00] =	vst v63  }
0x32: {  	_ =	swait.ge [sflag:s18], $0x3C00  }
0x33: {  	[sflag:s18] =	ssyncset.done $0x0  }
0x34: {  	[sflag:s18] =	ssyncadd.s32 $0xFFFFC400  }
0x35: {  	s25 =	simm.s32 $0x0;
	[bflag:$0x0] =	sbarrier.arrive $0xFFFF  }
0x36: {  	[tilespmem:s25], [sflag:$0x2] =	stream.linear.gather [hbm4b:s5+s25], $0x2780, $0x38;
	[tilespmem:$0x1CD00] =	vst v63  }
0x37: {  	_ =	swait.ge [sflag:s18], $0x2780  }
0x38: {  	[sflag:s18] =	ssyncset.done $0x0  }
0x39: {  	[sflag:s18] =	ssyncadd.s32 $0xFFFFD880  }
0x3a: {  	[tilespmem:s19], [sflag:$0x2] =	stream.linear.gather [hbm4b:s6+s25], $0x2780, $0x38;
	[tilespmem:$0x1CD00] =	vst v63  }
0x3b: {  	_ =	swait.ge [sflag:s18], $0x2780  }
0x3c: {  	[sflag:s18] =	ssyncset.done $0x0  }
0x3d: {  	[sflag:s18] =	ssyncadd.s32 $0xFFFFD880  }
.LBB2_4:
0x3e: {  	s26 =	sadd.s32 s14, s25  }
0x3f: {  	s26 =	sshll.u32 s26, $0x4  }
0x40: {  	s28 =	sadd.s32 s7, s26  }
0x41: {  	[tilespmem:s20], [sflag:$0x2] =	stream.linear.gather [hbm4b:s28+s3], $0x80, $0x38;
	[tilespmem:$0x1CD00] =	vst v63  }
0x42: {  	_ =	swait.ge [sflag:s18], $0x80  }
0x43: {  	[sflag:s18] =	ssyncset.done $0x0  }
0x44: {  	s26 =	sadd.s32 s8, s26;
	[sflag:s18] =	ssyncadd.s32 $0xFFFFFF80  }
0x45: {  	[tilespmem:s21], [sflag:$0x2] =	stream.linear.gather [hbm4b:s26+s3], $0x80, $0x38;
	[tilespmem:$0x1CD00] =	vst v63  }
0x46: {  	_ =	swait.ge [sflag:s18], $0x80  }
0x47: {  	[sflag:s18] =	ssyncset.done $0x0  }
0x48: {  	[sflag:s18] =	ssyncadd.s32 $0xFFFFFF80  }
0x49: {  	[tilespmem:s17], [sflag:$0x1] =	stream.indirect.gather [hbm4b:s4+s22], $0x80, s20, s22, $0xb8;
	[tilespmem:$0x1CD00] =	vst v63  }
0x4a: {  	v1 =	vld [tilespmem:$0x4F00]  }
0x4b: {  	v2 =	vld [tilespmem:$0x4F80];
	_ =	sdelay $0x6  }
0x4c: {  	v1 =	vld.idx.msk [tilespmem:v1+s3+$0x0], $0xffff  }
0x4d: {  	v2 =	vld.idx.msk [tilespmem:v2+s19+$0x0], $0xffff;
	_ =	sdelay $0x4  }
0x4e: {  	v1 =	vadd.f32 v2, v1;
	_ =	sdelay $0x1  }
0x4f: {  	v2 =	vmul.f32 $2.000000030e-01, v1  }
0x50: {  	vm0 =	vge.f32 v1, $0.0e+00  }
0x51: {  	v1 =	vsel vm0, v1, v2  }
0x52: {  	v1 =	vmul.f32 $1.442695020e+00, v1;
	_ =	sdelay $0x1  }
0x53: {  	(erf) = vpow2.f32 v1;
	_ =	sdelay $0x2  }
0x54: {  	v1 =	vld [tilespmem:$0x4F10]  }
0x55: {  	v2 =	vld [tilespmem:$0x4F90];
	_ =	sdelay $0x4  }
0x56: {  	v3 =	vpop (erf)  }
0x57: {  	[tilespmem:$0x5000] =	vst v3  }
0x58: {  	v1 =	vld.idx.msk [tilespmem:v1+s3+$0x0], $0xffff  }
0x59: {  	v2 =	vld.idx.msk [tilespmem:v2+s19+$0x0], $0xffff;
	_ =	sdelay $0x4  }
0x5a: {  	v1 =	vadd.f32 v2, v1;
	_ =	sdelay $0x1  }
0x5b: {  	v2 =	vmul.f32 $2.000000030e-01, v1  }
0x5c: {  	vm9 =	vge.f32 v1, $0.0e+00  }
0x5d: {  	v1 =	vsel vm9, v1, v2  }
0x5e: {  	v1 =	vmul.f32 $1.442695020e+00, v1;
	_ =	sdelay $0x1  }
0x5f: {  	(erf) = vpow2.f32 v1;
	_ =	sdelay $0x2  }
0x60: {  	v1 =	vld [tilespmem:$0x4F20]  }
0x61: {  	v2 =	vld [tilespmem:$0x4FA0];
	_ =	sdelay $0x4  }
0x62: {  	v3 =	vpop (erf)  }
0x63: {  	[tilespmem:$0x5010] =	vst v3  }
0x64: {  	v1 =	vld.idx.msk [tilespmem:v1+s3+$0x0], $0xffff  }
0x65: {  	v2 =	vld.idx.msk [tilespmem:v2+s19+$0x0], $0xffff;
	_ =	sdelay $0x4  }
0x66: {  	v1 =	vadd.f32 v2, v1;
	_ =	sdelay $0x1  }
0x67: {  	v2 =	vmul.f32 $2.000000030e-01, v1  }
0x68: {  	vm10 =	vge.f32 v1, $0.0e+00  }
0x69: {  	v1 =	vsel vm10, v1, v2  }
0x6a: {  	v1 =	vmul.f32 $1.442695020e+00, v1;
	_ =	sdelay $0x1  }
0x6b: {  	(erf) = vpow2.f32 v1;
	_ =	sdelay $0x2  }
0x6c: {  	v1 =	vld [tilespmem:$0x4F30]  }
0x6d: {  	v2 =	vld [tilespmem:$0x4FB0];
	_ =	sdelay $0x4  }
0x6e: {  	v3 =	vpop (erf)  }
0x6f: {  	[tilespmem:$0x5020] =	vst v3  }
0x70: {  	v1 =	vld.idx.msk [tilespmem:v1+s3+$0x0], $0xffff  }
0x71: {  	v2 =	vld.idx.msk [tilespmem:v2+s19+$0x0], $0xffff;
	_ =	sdelay $0x4  }
0x72: {  	v1 =	vadd.f32 v2, v1;
	_ =	sdelay $0x1  }
0x73: {  	v2 =	vmul.f32 $2.000000030e-01, v1  }
0x74: {  	vm11 =	vge.f32 v1, $0.0e+00  }
0x75: {  	v1 =	vsel vm11, v1, v2  }
0x76: {  	v1 =	vmul.f32 $1.442695020e+00, v1;
	_ =	sdelay $0x1  }
0x77: {  	(erf) = vpow2.f32 v1;
	_ =	sdelay $0x2  }
0x78: {  	v1 =	vld [tilespmem:$0x4F40]  }
0x79: {  	v2 =	vld [tilespmem:$0x4FC0];
	_ =	sdelay $0x4  }
0x7a: {  	v3 =	vpop (erf)  }
0x7b: {  	[tilespmem:$0x5030] =	vst v3  }
0x7c: {  	v1 =	vld.idx.msk [tilespmem:v1+s3+$0x0], $0xffff  }
0x7d: {  	v2 =	vld.idx.msk [tilespmem:v2+s19+$0x0], $0xffff;
	_ =	sdelay $0x4  }
0x7e: {  	v1 =	vadd.f32 v2, v1;
	_ =	sdelay $0x1  }
0x7f: {  	v2 =	vmul.f32 $2.000000030e-01, v1  }
0x80: {  	vm12 =	vge.f32 v1, $0.0e+00  }
0x81: {  	v1 =	vsel vm12, v1, v2  }
0x82: {  	v1 =	vmul.f32 $1.442695020e+00, v1;
	_ =	sdelay $0x1  }
0x83: {  	(erf) = vpow2.f32 v1;
	_ =	sdelay $0x2  }
0x84: {  	v1 =	vld [tilespmem:$0x4F50]  }
0x85: {  	v2 =	vld [tilespmem:$0x4FD0];
	_ =	sdelay $0x4  }
0x86: {  	v3 =	vpop (erf)  }
0x87: {  	[tilespmem:$0x5040] =	vst v3  }
0x88: {  	v1 =	vld.idx.msk [tilespmem:v1+s3+$0x0], $0xffff  }
0x89: {  	v2 =	vld.idx.msk [tilespmem:v2+s19+$0x0], $0xffff;
	_ =	sdelay $0x4  }
0x8a: {  	v1 =	vadd.f32 v2, v1;
	_ =	sdelay $0x1  }
0x8b: {  	v2 =	vmul.f32 $2.000000030e-01, v1  }
0x8c: {  	vm13 =	vge.f32 v1, $0.0e+00  }
0x8d: {  	v1 =	vsel vm13, v1, v2  }
0x8e: {  	v1 =	vmul.f32 $1.442695020e+00, v1;
	_ =	sdelay $0x1  }
0x8f: {  	(erf) = vpow2.f32 v1;
	_ =	sdelay $0x2  }
0x90: {  	v1 =	vld [tilespmem:$0x4F60]  }
0x91: {  	v2 =	vld [tilespmem:$0x4FE0];
	_ =	sdelay $0x4  }
0x92: {  	v3 =	vpop (erf)  }
0x93: {  	[tilespmem:$0x5050] =	vst v3  }
0x94: {  	v1 =	vld.idx.msk [tilespmem:v1+s3+$0x0], $0xffff  }
0x95: {  	v2 =	vld.idx.msk [tilespmem:v2+s19+$0x0], $0xffff;
	_ =	sdelay $0x4  }
0x96: {  	v1 =	vadd.f32 v2, v1;
	_ =	sdelay $0x1  }
0x97: {  	v2 =	vmul.f32 $2.000000030e-01, v1  }
0x98: {  	vm14 =	vge.f32 v1, $0.0e+00  }
0x99: {  	v1 =	vsel vm14, v1, v2  }
0x9a: {  	v1 =	vmul.f32 $1.442695020e+00, v1;
	_ =	sdelay $0x1  }
0x9b: {  	(erf) = vpow2.f32 v1;
	_ =	sdelay $0x2  }
0x9c: {  	v1 =	vld [tilespmem:$0x4F70]  }
0x9d: {  	v2 =	vld [tilespmem:$0x4FF0];
	_ =	sdelay $0x4  }
0x9e: {  	v3 =	vpop (erf)  }
0x9f: {  	[tilespmem:$0x5060] =	vst v3  }
0xa0: {  	v1 =	vld.idx.msk [tilespmem:v1+s3+$0x0], $0xffff  }
0xa1: {  	v2 =	vld.idx.msk [tilespmem:v2+s19+$0x0], $0xffff;
	_ =	sdelay $0x4  }
0xa2: {  	v1 =	vadd.f32 v2, v1;
	_ =	sdelay $0x1  }
0xa3: {  	v2 =	vmul.f32 $2.000000030e-01, v1  }
0xa4: {  	vm15 =	vge.f32 v1, $0.0e+00  }
0xa5: {  	v1 =	vsel vm15, v1, v2  }
0xa6: {  	v1 =	vmul.f32 $1.442695020e+00, v1;
	_ =	sdelay $0x1  }
0xa7: {  	(erf) = vpow2.f32 v1;
	_ =	sdelay $0x8  }
0xa8: {  	v1 =	vpop (erf)  }
0xa9: {  	[tilespmem:$0x5070] =	vst v1  }
0xaa: {  	_ =	swait.ge [sflag:s23], $0x4000  }
0xab: {  	[sflag:s23] =	ssyncset.done $0x0  }
0xac: {  	s28 =	simm.s32 $0x5001;
	[sflag:s23] =	ssyncadd.s32 $0xFFFFC000  }
0xad: {  	s26 =	simm.s32 $0x5180;
	v1 =	vld.msk [tilespmem:s28+$0x0 ss:$0x0], $0xffff  }
0xae: {  	v3 =	vld [tilespmem:s26+$0x70]  }
0xaf: {  	v2 =	vld.msk [tilespmem:s28+$0xFFFFFFFF ss:$0x0], $0xffff  }
0xb0: {  	v4 =	vld [tilespmem:s26+$0xFFFFFF90]  }
0xb1: {  	v5 =	vld [tilespmem:s26+$0xFFFFFFA0]  }
0xb2: {  	v6 =	vld [tilespmem:s26+$0xFFFFFFB0]  }
0xb3: {  	v8 =	vld [tilespmem:s26+$0xFFFFFFD0]  }
0xb4: {  	v7 =	vld [tilespmem:s26+$0xFFFFFFC0]  }
0xb5: {  	v3 =	vmul.f32 v3, v1  }
0xb6: {  	v9 =	vld [tilespmem:s26+$0xFFFFFFE0];
	v4 =	vmul.f32 v4, v2  }
0xb7: {  	[tilespmem:s26+$0x70] =	vst v3;
	v3 =	vmul.f32 v5, v2;
	v5 =	vld [tilespmem:s26+$0xFFFFFFF0]  }
0xb8: {  	v8 =	vmul.f32 v8, v2;
	[tilespmem:s26+$0xFFFFFF90] =	vst v4;
	v4 =	vmul.f32 v6, v2;
	v6 =	vld [tilespmem:s26+$0x0]  }
0xb9: {  	[tilespmem:s26+$0xFFFFFFA0] =	vst v3;
	v3 =	vmul.f32 v7, v2;
	v7 =	vld [tilespmem:s26+$0x10]  }
0xba: {  	v10 =	vld [tilespmem:s26+$0x20];
	[tilespmem:s26+$0xFFFFFFD0] =	vst v8  }
0xbb: {  	v9 =	vmul.f32 v9, v2;
	[tilespmem:s26+$0xFFFFFFB0] =	vst v4;
	v4 =	vld [tilespmem:s26+$0x30]  }
0xbc: {  	[tilespmem:s26+$0xFFFFFFC0] =	vst v3;
	v3 =	vld [tilespmem:s26+$0x40];
	v8 =	vmul.f32 v5, v2  }
0xbd: {  	[tilespmem:s26+$0xFFFFFFE0] =	vst v9;
	v9 =	vmul.f32 v1, v6;
	v5 =	vld [tilespmem:s26+$0x50]  }
0xbe: {  	v6 =	vld [tilespmem:s26+$0x60];
	[tilespmem:s26+$0xFFFFFFF0] =	vst v8;
	v8 =	vmul.f32 v7, v1  }
0xbf: {  	s29 =	simm.s32 $0x5003;
	s30 =	simm.s32 $0x5180;
	s28 =	simm.s32 $0x0;
	v7 =	vld [tilespmem:s26+$0xFFFFFF80];
	[tilespmem:s26+$0x0] =	vst v9;
	v9 =	vmul.f32 v10, v1  }
.LBB2_5:
0xc0: {  	v10 =	vld.msk [tilespmem:s29+$0x0 ss:$0x0], $0xffff;
	s28 =	sadd.s32 $0x2, s28;
	[tilespmem:s26+$0x10] =	vst v8;
	v4 =	vmul.f32 v4, v1;
	s30 =	sadd.s32 $0x100, s30  }
0xc1: {  	v8 =	vld [tilespmem:s30+$0x70];
	p0 =	slt.u32 s28, $0x7E;
	[tilespmem:s26+$0x20] =	vst v9;
	v3 =	vmul.f32 v3, v1  }
0xc2: {  	v9 =	vld.msk [tilespmem:s29+$0xFFFFFFFF ss:$0x0], $0xffff;
	[tilespmem:s26+$0x30] =	vst v4;
	v4 =	vmul.f32 v5, v1  }
0xc3: {  	v5 =	vld [tilespmem:s30+$0xFFFFFF90];
	[tilespmem:s26+$0x40] =	vst v3;
	v11 =	vmul.f32 v6, v1  }
0xc4: {  	v3 =	vld [tilespmem:s30+$0xFFFFFFA0];
	v2 =	vmul.f32 v2, v7;
	[tilespmem:s26+$0x50] =	vst v4  }
0xc5: {  	v4 =	vld [tilespmem:s30+$0xFFFFFFB0];
	[tilespmem:s26+$0x60] =	vst v11  }
0xc6: {  	v1 =	vmov v10;
	v6 =	vld [tilespmem:s30+$0xFFFFFFC0];
	v7 =	vmul.f32 v8, v10;
	[tilespmem:s26+$0xFFFFFF80] =	vst v2;
	s26 =	smov.u32 s30  }
0xc7: {  	v8 =	vld [tilespmem:s30+$0xFFFFFFD0]  }
0xc8: {  	v5 =	vmul.f32 v5, v9;
	v10 =	vld [tilespmem:s30+$0xFFFFFFE0];
	[tilespmem:s30+$0x70] =	vst v7;
	v2 =	vmov v9  }
0xc9: {  	v3 =	vmul.f32 v3, v2;
	v7 =	vld [tilespmem:s30+$0xFFFFFFF0]  }
0xca: {  	[tilespmem:s30+$0xFFFFFF90] =	vst v5;
	v4 =	vmul.f32 v4, v2;
	v5 =	vld [tilespmem:s30+$0x0]  }
0xcb: {  	[tilespmem:s30+$0xFFFFFFA0] =	vst v3;
	v3 =	vmul.f32 v6, v2;
	v6 =	vld [tilespmem:s30+$0x10]  }
0xcc: {  	[tilespmem:s30+$0xFFFFFFB0] =	vst v4;
	v8 =	vmul.f32 v8, v2;
	v9 =	vld [tilespmem:s30+$0x20]  }
.Ltmp1:
0xcd: {  	[tilespmem:s30+$0xFFFFFFC0] =	vst v3;
	v10 =	vmul.f32 v10, v2;
	v4 =	vld [tilespmem:s30+$0x30];
	(pc) =	sbr.rel @p0 .LBB2_5-.Ltmp1, $4  }
0xce: {  	[tilespmem:s30+$0xFFFFFFD0] =	vst v8;
	v7 =	vmul.f32 v7, v2;
	v3 =	vld [tilespmem:s30+$0x40]  }
0xcf: {  	[tilespmem:s30+$0xFFFFFFE0] =	vst v10;
	v10 =	vmul.f32 v1, v5;
	v5 =	vld [tilespmem:s30+$0x50]  }
0xd0: {  	[tilespmem:s30+$0xFFFFFFF0] =	vst v7;
	v8 =	vmul.f32 v6, v1;
	v6 =	vld [tilespmem:s30+$0x60]  }
0xd1: {  	s29 =	sadd.s32 $0x2, s29;
	v7 =	vld [tilespmem:s30+$0xFFFFFF80];
	[tilespmem:s30+$0x0] =	vst v10;
	v9 =	vmul.f32 v9, v1  }
0xd2: {  	[tilespmem:s26+$0x10] =	vst v8;
	v4 =	vmul.f32 v4, v1  }
0xd3: {  	[tilespmem:s26+$0x20] =	vst v9;
	v3 =	vmul.f32 v3, v1  }
0xd4: {  	[tilespmem:s26+$0x30] =	vst v4;
	v63 =	vmul.f32 v5, v1  }
0xd5: {  	[tilespmem:s26+$0x40] =	vst v3;
	v1 =	vmul.f32 v6, v1  }
0xd6: {  	s25 =	sadd.s32 $0x1, s25;
	v2 =	vmul.f32 v2, v7;
	[tilespmem:s26+$0x50] =	vst v63  }
0xd7: {  	p0 =	sne.s32 s25, $0x52;
	[tilespmem:s26+$0x60] =	vst v1  }
.Ltmp2:
0xd8: {  	[tilespmem:s26+$0xFFFFFF80] =	vst v2;
	(pc) =	sbr.rel @p0 .LBB2_4-.Ltmp2, $4  }
0xd9: {  	[spmem:s1] =	stream.indirect.scatter.add.f32 [tilespmem:s17], [sflag:$0x2], $0x80, s21, s22, $0xb8;
	[tilespmem:$0x1CD00] =	vst v63  }
0xda: {  	_ =	swait.ge [sflag:s18], $0x4000  }
0xdb: {  	[sflag:s18] =	ssyncset.done $0x0  }
0xdc: {  	[sflag:s18] =	ssyncadd.s32 $0xFFFFC000  }
0xdd: {  	s24 =	sadd.s32 $0x1, s24  }
0xde: {  	s25 =	sshll.u32 s2, $0x6;
	[bflag:$0x0] =	sbarrier.arrive $0xFFFF;
	p0 =	sne.s32 s24, s16  }
.Ltmp3:
0xdf: {  	s26 =	sshrl.u32 s9, $0x3;
	s25 =	sor.u32 $0x1C02, s25;
	(pc) =	sbr.rel @p0 .LBB2_1-.Ltmp3, $4  }
0xe0: {  	[hbm:s15], [sflag:s25] =	dma.local [spmem:s26], $0x2780  }
0xe1: {  	_ =	swait.ge [sflag:s18], $0x2780  }
0xe2: {  	[sflag:s18] =	ssyncset.done $0x0  }
0xe3: {  	[sflag:s18] =	ssyncadd.s32 $0xFFFFD880  }
0xe4: {  	_ =	sfence.sel $0x180000  }
0xe5: {  	[bflag:$0x0] =	sbarrier.arrive $0xFFFF  }
0xe6: {  	p0 =	sne.s32 s2, $0x0;
	_ =	strace $0x9000004A  }
0xe7: {  	s0 =	sadd.s32 @!p0 $0x100000, s0;
	[bflag:$0x2] =	sbarrier.arrive $0xFFFF  }
0xe8: {  	[sflag:s0] =	ssyncadd.tile.s32 @!p0 $0x1;
	_ =	shalt  }
.Lfunc_end2:
_tile_overlayer_lowered:
.L_overlay_start_2:
0xe9: {  	(tag) =	ssettag $0x2  }
0xea: {  	s0 =	rddreg [dreg:$0x0];
	s2 =	stileid.u32  }
0xeb: {  	s1 =	rddreg [dreg:$0x1];
	p0 =	sne.s32 s2, $0x0  }
0xec: {  	s3 =	rddreg [dreg:$0x2];
	[bflag:$0x3] =	sbarrier.arrive $0xFFFF;
	s2 =	simm.s32 @!p0 $0x1C02  }
0xed: {  	[timem:s3], [sflag:s2] =	dma.local @!p0 [hbm:s0], s1  }
0xee: {  	s0 =	simm.s32 @!p0 $0x2  }
0xef: {  	_ =	swait.ge @!p0 [sflag:s0], s1  }
0xf0: {  	s1 =	ssub.s32 @!p0 $0x0, s1;
	[sflag:s0] =	ssyncset.done @!p0 $0x0  }
0xf1: {  	[sflag:s0] =	ssyncadd.s32 @!p0 s1  }
0xf2: {  	[bflag:$0x3] =	sbarrier.arrive $0xFFFF  }
0xf3: {  	_ =	shalt  }

// kernel: kernel.14.cloned.1.call-start
scs
__scs_entry_jumppad:
0x0: {  	(pc) =	sbr.rel $0x88, $3  }
0x1: {  	(tag) =	ssettag $0x0;
	lr =	simm.s32 $0x1  }
0x2: {  	[smem:$0x3F8A] =	sst lr;
	_ =	strace $0xD0000000  }
0x3: {  	_ = 	snop  }
0x4: {  	_ = 	snop  }
0x5: {  	_ = 	snop  }
0x6: {  	_ = 	snop  }
0x7: {  	_ = 	snop  }
__scs_overlays_trampoline_lowered:
0x8: {  	[smem:$0x3F99] =	sst s0  }
0x9: {  	[smem:$0x3F9A] =	sst s1  }
0xa: {  	[smem:$0x3F9B] =	sst s2  }
0xb: {  	[smem:$0x3F9C] =	sst s3  }
0xc: {  	[smem:$0x3F9D] =	sst s4  }
0xd: {  	[smem:$0x3F9E] =	sst s5  }
0xe: {  	[smem:$0x3F9F] =	sst s6  }
0xf: {  	[smem:$0x3FA0] =	sst s7  }
0x10: {  	[smem:$0x3FA1] =	sst s8  }
0x11: {  	[smem:$0x3FA2] =	sst s9;
	s0 =	simm.s32 @!p0 $0x0  }
0x12: {  	s1 =	sld [smem:$0x3F88];
	s0 =	simm.s32 @p0 $0x1  }
0x13: {  	[smem:$0x3FA3] =	sst s0;
	s0 =	simm.s32 @!p1 $0x0  }
0x14: {  	s2 =	sld [smem:$0x3F87];
	s0 =	simm.s32 @p1 $0x1  }
0x15: {  	[smem:$0x3FA4] =	sst s0;
	s0 =	simm.s32 @!p2 $0x0  }
0x16: {  	s3 =	sld [smem:$0x3FDB];
	s0 =	simm.s32 @p2 $0x1  }
0x17: {  	s4 =	simm.s32 $0x1BF5;
	[smem:$0x3FA6] =	sst s0  }
0x18: {  	s0 =	sld [smem:$0x3F89];
	_ =	swait.ge [sflag:s4], $0x0  }
0x19: {  	s7 =	sld [smem:$0x3F8A]  }
0x1a: {  	s8 =	sadd.s32 $0xFFFFE003, lr  }
0x1b: {  	s9 =	sadd.s32 $0xFFFFFEF7, lr;
	s5 =	simm.s32 $0xFFFFFFFF;
	p2 =	slt.u32 s8, $0xFFFFF086  }
0x1c: {  	p1 =	slt.u32 s9, $0xF7A;
	s5 =	simm.s32 @!p2 $0x0  }
0x1d: {  	s5 =	simm.s32 @p1 $0x1;
	p0 =	seq.s32 s7, s2  }
0x1e: {  	s7 =	smul.u32 @!p0 $0xF7A, s2;
	p2 =	seq.s32 @!p0 s5, $0x0  }
0x1f: {  	s9 =	smul.u32 $0xF7A, s1;
	s8 =	simm.s32 @!p0 $0x1BF5;
	p2 =	por !p2, p0  }
0x20: {  	[sflag:s8] =	ssyncset.s32 @!p0 $0xFFFFF086;
	s6 =	sadd.s32 @!p0 s3, s7;
	s7 =	simm.s32 @!p0 $0x108  }
0x21: {  	s3 =	sadd.s32 s3, s9;
	s6 =	sadd.s32 @!p0 $0x88, s6;
	s7 =	simm.s32 @p2 $0x1082  }
0x22: {  	[simem:s7], [sflag:s8] =	dma.local @!p0 [hbm:s6], $0xF7A  }
0x23: {  	s9 =	sor.u32 $0xD0000000, s2;
	s6 =	simm.s32 $0x108;
	_ =	swait.ge @!p0 [sflag:s8], $0x0  }
0x24: {  	s3 =	sadd.s32 $0x88, s3;
	s6 =	simm.s32 @!p1 $0x1082;
	[sflag:s4] =	ssyncset.s32 $0xFFFFF086  }
0x25: {  	[simem:s6], [sflag:s4] =	dma.local [hbm:s3], $0xF7A  }
0x26: {  	[smem:$0x3F8A] =	sst s1;
	(tag) =	ssettag s2;
	_ =	strace s9  }
0x27: {  	s1 =	sld [smem:$0x3F9A]  }
0x28: {  	s2 =	sld [smem:$0x3F9B]  }
0x29: {  	s4 =	sld [smem:$0x3F9D]  }
0x2a: {  	p0 =	seq.s32 s5, $0x0;
	s5 =	sld [smem:$0x3F9E]  }
0x2b: {  	s6 =	sld [smem:$0x3F9F]  }
0x2c: {  	s7 =	sld [smem:$0x3FA0]  }
0x2d: {  	s3 =	simm.s32 $0x108;
	s8 =	sld [smem:$0x3FA1]  }
0x2e: {  	s3 =	simm.s32 @!p0 $0x1082;
	s9 =	sld [smem:$0x3FA2]  }
0x2f: {  	lr =	sadd.s32 s0, s3;
	s0 =	sld [smem:$0x3F99]  }
0x30: {  	s3 =	sld [smem:$0x3F9C]  }
0x31: {  	[smem:$0x3FA5] =	sst s10  }
0x32: {  	s10 =	sld [smem:$0x3FA3];
	_ =	sdelay $0x3  }
0x33: {  	p0 =	seq.s32 s10, $0x1;
	s10 =	sld [smem:$0x3FA5];
	_ =	sdelay $0x3  }
0x34: {  	[smem:$0x3FA5] =	sst s10  }
0x35: {  	s10 =	sld [smem:$0x3FA4];
	_ =	sdelay $0x3  }
0x36: {  	p1 =	seq.s32 s10, $0x1;
	s10 =	sld [smem:$0x3FA5];
	_ =	sdelay $0x3  }
0x37: {  	[smem:$0x3FA5] =	sst s10  }
0x38: {  	s10 =	sld [smem:$0x3FA6]  }
0x39: {  	_ = 	snop;
	(pc) =	sbr.ind lr, $3  }
0x3a: {  	_ = 	snop  }
0x3b: {  	_ = 	snop  }
0x3c: {  	p2 =	seq.s32 s10, $0x1;
	s10 =	sld [smem:$0x3FA5]  }
0x3d: {  	_ =	shalt  }
0x3e: {  	_ =	shalt  }
0x3f: {  	_ =	shalt  }
0x40: {  	_ =	shalt  }
0x41: {  	_ =	shalt  }
0x42: {  	_ =	shalt  }
0x43: {  	_ =	shalt  }
0x44: {  	_ =	shalt  }
0x45: {  	_ =	shalt  }
0x46: {  	_ =	shalt  }
0x47: {  	_ =	shalt  }
0x48: {  	_ =	shalt  }
0x49: {  	_ =	shalt  }
0x4a: {  	_ =	shalt  }
0x4b: {  	_ =	shalt  }
0x4c: {  	_ =	shalt  }
0x4d: {  	_ =	shalt  }
0x4e: {  	_ =	shalt  }
0x4f: {  	_ =	shalt  }
0x50: {  	_ =	shalt  }
0x51: {  	_ =	shalt  }
0x52: {  	_ =	shalt  }
0x53: {  	_ =	shalt  }
0x54: {  	_ =	shalt  }
0x55: {  	_ =	shalt  }
0x56: {  	_ =	shalt  }
0x57: {  	_ =	shalt  }
0x58: {  	_ =	shalt  }
0x59: {  	_ =	shalt  }
0x5a: {  	_ =	shalt  }
0x5b: {  	_ =	shalt  }
0x5c: {  	_ =	shalt  }
0x5d: {  	_ =	shalt  }
0x5e: {  	_ =	shalt  }
0x5f: {  	_ =	shalt  }
0x60: {  	_ =	shalt  }
0x61: {  	_ =	shalt  }
0x62: {  	_ =	shalt  }
0x63: {  	_ =	shalt  }
0x64: {  	_ =	shalt  }
0x65: {  	_ =	shalt  }
0x66: {  	_ =	shalt  }
0x67: {  	_ =	shalt  }
0x68: {  	_ =	shalt  }
0x69: {  	_ =	shalt  }
0x6a: {  	_ =	shalt  }
0x6b: {  	_ =	shalt  }
0x6c: {  	_ =	shalt  }
0x6d: {  	_ =	shalt  }
0x6e: {  	_ =	shalt  }
0x6f: {  	_ =	shalt  }
0x70: {  	_ =	shalt  }
0x71: {  	_ =	shalt  }
0x72: {  	_ =	shalt  }
0x73: {  	_ =	shalt  }
0x74: {  	_ =	shalt  }
0x75: {  	_ =	shalt  }
0x76: {  	_ =	shalt  }
0x77: {  	_ =	shalt  }
0x78: {  	_ =	shalt  }
0x79: {  	_ =	shalt  }
0x7a: {  	_ =	shalt  }
0x7b: {  	_ =	shalt  }
0x7c: {  	_ =	shalt  }
0x7d: {  	_ =	shalt  }
0x7e: {  	_ =	shalt  }
0x7f: {  	_ =	shalt  }
0x80: {  	_ =	shalt  }
0x81: {  	_ =	shalt  }
0x82: {  	_ =	shalt  }
0x83: {  	_ =	shalt  }
0x84: {  	_ =	shalt  }
0x85: {  	_ =	shalt  }
0x86: {  	_ =	shalt  }
0x87: {  	_ =	shalt  }
.Lfunc_end0:
.L_simem_size_0:
called_computation.2_lowered:
.L_overlay_start_0:
0x88: {  	s2 =	sld [smem:$0x3FD9]  }
0x89: {  	s3 =	sld [smem:$0x3FFE];
	_ =	sdelay $0x1  }
0x8a: {  	s1 =	srdreg.scid  }
0x8b: {  	s0 =	sand.u32 $0x1, s1  }
0x8c: {  	s17 =	sshll.u32 s0, $0xA;
	s2 =	sadd.s32 s3, s2  }
0x8d: {  	s2 =	sadd.s32 s2, s17  }
0x8e: {  	[smem:$0x3FB1] =	sst s2  }
0x8f: {  	_ = 	snop  }
0x90: {  	s2 =	sld [smem:$0x3FD0];
	(tm) =	ssettm $0x1  }
0x91: {  	s18 =	sld [smem:$0x3FFB];
	_ =	sdelay $0x3  }
0x92: {  	_ =	strace s18  }
0x93: {  	s3 =	sld [smem:$0x3FFC];
	_ =	sdelay $0x3  }
0x94: {  	_ =	strace s3  }
0x95: {  	s3 =	sld [smem:$0x3FFD];
	_ =	sdelay $0x3  }
0x96: {  	_ =	strace s3  }
0x97: {  	_ =	strace $0x8FFFFFFF  }
0x98: {  	s19 =	sld [smem:$0x3FDB];
	_ =	sdelay $0x1  }
0x99: {  	s4 =	simm.s32 $_scs_section_size  }
0x9a: {  	s5 =	simm.s32 $_size__tile_overlayer_lowered;
	s6 =	simm.s32 $_tile_overlayer_lowered  }
0x9b: {  	s22 =	simm.s32 $0x1BFF;
	s21 =	sshll.u32 s6, $0x1;
	s3 =	sadd.s32 s4, s19  }
0x9c: {  	s7 =	simm.s32 $0x0;
	s20 =	sshll.u32 s5, $0x1;
	s5 =	sadd.s32 s21, s3  }
0x9d: {  	[timem:s7], [sflag:s22] =	dma.local [hbm:s5], s20  }
0x9e: {  	_ =	swait.ge [sflag:s22], s20  }
0x9f: {  	s4 =	ssub.s32 $0x0, s20;
	[sflag:s22] =	ssyncset.done $0x0  }
0xa0: {  	[sflag:s22] =	ssyncadd.s32 s4;
	_ =	sdelay $0x1  }
0xa1: {  	s23 =	simm.s32 $0x1B8B  }
0xa2: {  	_ =	swait.ge [sflag:s23], $0x1  }
0xa3: {  	[sflag:s23] =	ssyncset.done $0x0  }
0xa4: {  	s25 =	simm.s32 $0x1B8E;
	s24 =	sld [smem:$0x3FFE];
	[sflag:s23] =	ssyncadd.s32 $0xFFFFFFFF  }
0xa5: {  	s26 =	simm.s32 $execute0_lowered;
	[smem:$0x3FD2] =	sst s25  }
0xa6: {  	s5 =	sshll.u32 s26, $0x1;
	_ =	strace $0x8000004C;
	[dreg:$0x1] =	wrdreg $0xFFFFFFFF  }
0xa7: {  	s28 =	simm.s32 $_size_execute0_lowered;
	s3 =	sadd.s32 s3, s5;
	[dreg:$0x0] =	wrdreg $0x0  }
0xa8: {  	s5 =	sshll.u32 s28, $0x1;
	[dreg:$0x2] =	wrdreg s3  }
0xa9: {  	[dreg:$0x3] =	wrdreg s5  }
0xaa: {  	[dreg:$0x4] =	wrdreg $0xC0  }
0xab: {  	_ =	task [dreg:s7], $0x5FFFF  }
0xac: {  	[dreg:$0x1] =	wrdreg $0xFFFFFFFF  }
0xad: {  	[dreg:$0x0] =	wrdreg $0x60  }
0xae: {  	[dreg:$0x2] =	wrdreg s24  }
0xaf: {  	[dreg:$0x3] =	wrdreg s2  }
0xb0: {  	[dreg:$0x4] =	wrdreg $0x9  }
0xb1: {  	_ =	task.clear_ibuf [dreg:s7], $0x5FFFF;
	_ =	strace $0x9000004C  }
0xb2: {  	s29 =	simm.s32 $0x9;
	_ =	strace $0x8000004E  }
0xb3: {  	_ =	swait.ge [sflag:s29], $0x1  }
0xb4: {  	[sflag:s29] =	ssyncadd.s32 $0xFFFFFFFF  }
0xb5: {  	_ =	strace $0x9000004E  }
0xb6: {  	_ =	sfence  }
0xb7: {  	s30 =	sld [smem:$0x0];
	_ =	sdelay $0x2  }
0xb8: {  	s31 =	sshll.u32 s1, $0xD;
	s1 =	sshrl.u32 s1, $0x2  }
0xb9: {  	s3 =	sand.u32 $0x4000, s31;
	s1 =	sadd.s32 s1, s30  }
0xba: {  	s0 =	sor.u32 s3, s0;
	s1 =	sshll.u32 s1, $0x11  }
0xbb: {  	s0 =	sor.u32 s1, s0  }
0xbc: {  	s0 =	sadd.s32 $0x8F2B, s0  }
0xbd: {  	[sflag:s0] =	ssyncadd.remote.s32 $0x1  }
0xbe: {  	_ =	sfence.sel $0xFFFF  }
0xbf: {  	[dreg:$0x0] =	wrdreg $0xFFFFFFFF;
	(pc) =	sbr.abs _section_cstart, $3  }
0xc0: {  	[dreg:$0x1] =	wrdreg $0xFFFFFFFF  }
0xc1: {  	_ =	task.clear_ibuf [dreg:s7], $0x2FFFF;
	_ =	strace $0x9FFFFFFF  }
0xc2: {  	(tm) =	ssettm $0x7FFFFFFF  }
0xc3: {  	_ =	shalt  }
tec
execute0_lowered:
.L_overlay_start_1:
0x0: {  	(tag) =	ssettag $0x1  }
0x1: {  	s5 =	rddreg [dreg:$0x0]  }
0x2: {  	s7 =	rddreg [dreg:$0x1]  }
0x3: {  	s0 =	rddreg [dreg:$0x2]  }
0x4: {  	s2 =	simm.s32 $0x0;
	s3 =	srdreg.scid;
	s1 =	stileid.u32  }
0x5: {  	s12 =	simm.s32 $0x1;
	s13 =	simm.s32 $0x4080;
	s14 =	simm.s32 $0x2  }
0x6: {  	s15 =	simm.s32 $0x8080;
	s16 =	simm.s32 $0x0;
	[smem:$0x7FF] =	sst s2  }
0x7: {  	s6 =	sand.u32 $0x1, s3;
	s3 =	sadd.s32 $0x8DC00, s5;
	s8 =	sshll.u32 s1, $0x8  }
0x8: {  	s4 =	sadd.s32 $0x2400, s5;
	s9 =	sshll.u32 s6, $0x7;
	s6 =	ssub.s32 $0x2, s6  }
0x9: {  	_ =	strace $0x8000004D;
	s8 =	sor.u32 s9, s8;
	s10 =	sshrl.u32 s6, $0x1  }
0xa: {  	s9 =	sshrl.u32 s8, $0x3;
	s8 =	sshll.u32 s8, $0x4;
	s10 =	ssub.s32 s6, s10  }
0xb: {  	s11 =	sadd.s32 s9, s5;
	s8 =	sadd.s32 s8, s5;
	s7 =	sadd.s32 s7, s9  }
0xc: {  	s9 =	smax.u32 s10, $0x1;
	s10 =	simm.s32 $0x3;
	s5 =	sadd.s32 $0x8DA00, s11  }
0xd: {  	s6 =	sadd.s32 $0x29C00, s8;
	s8 =	sadd.s32 $0x39C00, s8;
	s11 =	simm.s32 $0x80  }
.LBB2_1:
0xe: {  	[tilespmem:s2], [sflag:$0x3] =	stream.linear.gather [hbm4b:s5+s2], $0x80, $0x38;
	[tilespmem:$0xC080] =	vst v63  }
0xf: {  	_ =	swait.ge [sflag:s10], $0x80  }
0x10: {  	[sflag:s10] =	ssyncset.done $0x0  }
0x11: {  	[sflag:s10] =	ssyncadd.s32 $0xFFFFFF80  }
0x12: {  	[tilespmem:s11], [sflag:$0x1] =	stream.indirect.gather [hbm4b:s3+s11], $0x80, s2, s11, $0xb8;
	[tilespmem:$0xC080] =	vst v63  }
0x13: {  	_ =	swait.ge [sflag:s12], $0x4000  }
0x14: {  	[sflag:s12] =	ssyncset.done $0x0  }
0x15: {  	[sflag:s12] =	ssyncadd.s32 $0xFFFFC000  }
0x16: {  	[tilespmem:s13], [sflag:$0x2] =	stream.indirect.gather [hbm4b:s4+s11], $0x80, s2, s11, $0xb8;
	[tilespmem:$0xC080] =	vst v63  }
0x17: {  	_ =	swait.ge [sflag:s14], $0x4000  }
0x18: {  	[sflag:s14] =	ssyncset.done $0x0  }
0x19: {  	s17 =	simm.s32 $0x0;
	[sflag:s14] =	ssyncadd.s32 $0xFFFFC000  }
0x1a: {  	v0 =	vld [tilespmem:s17+$0xF0]  }
0x1b: {  	v1 =	vld [tilespmem:s17+$0x40F0]  }
0x1c: {  	v2 =	vld [tilespmem:s17+$0x80]  }
0x1d: {  	v3 =	vld [tilespmem:s17+$0x4080]  }
0x1e: {  	v4 =	vld [tilespmem:s17+$0x90]  }
0x1f: {  	v5 =	vld [tilespmem:s17+$0x4090]  }
0x20: {  	v6 =	vld [tilespmem:s17+$0xA0]  }
0x21: {  	v7 =	vld [tilespmem:s17+$0xB0]  }
0x22: {  	v0 =	vadd.f32 v1, v0;
	v1 =	vld [tilespmem:s17+$0x40A0]  }
0x23: {  	v8 =	vld [tilespmem:s17+$0x40B0]  }
0x24: {  	v9 =	vld [tilespmem:s17+$0x40C0];
	v2 =	vadd.f32 v3, v2  }
0x25: {  	[tilespmem:s17+$0x80F0] =	vst v0;
	v0 =	vadd.f32 v5, v4;
	v5 =	vld [tilespmem:s17+$0xC0]  }
0x26: {  	v3 =	vld [tilespmem:s17+$0x40D0];
	[tilespmem:s17+$0x8080] =	vst v2  }
0x27: {  	v2 =	vld [tilespmem:s17+$0xD0];
	[tilespmem:s17+$0x8090] =	vst v0;
	v0 =	vadd.f32 v1, v6  }
0x28: {  	v4 =	vld [tilespmem:s17+$0x40E0];
	v6 =	vadd.f32 v8, v7  }
0x29: {  	s18 =	simm.s32 $0x80;
	[tilespmem:s17+$0x80A0] =	vst v0;
	v0 =	vld [tilespmem:s17+$0xE0]  }
0x2a: {  	s19 =	simm.s32 $0x400;
	v5 =	vadd.f32 v9, v5;
	v1 =	vld [tilespmem:s18+$0xF0];
	[tilespmem:s17+$0x80B0] =	vst v6  }
.LBB2_2:
0x2b: {  	p0 =	sne.s32 s19, $0xFE00;
	v6 =	vld [tilespmem:s18+$0x40F0]  }
0x2c: {  	v7 =	vld [tilespmem:s18+$0x80];
	[tilespmem:s17+$0x80C0] =	vst v5;
	v2 =	vadd.f32 v3, v2  }
0x2d: {  	v3 =	vld [tilespmem:s18+$0x4080]  }
0x2e: {  	v5 =	vld [tilespmem:s18+$0x90];
	[tilespmem:s17+$0x80D0] =	vst v2;
	v0 =	vadd.f32 v4, v0  }
0x2f: {  	v2 =	vld [tilespmem:s18+$0x4090]  }
0x30: {  	v4 =	vld [tilespmem:s18+$0xA0];
	v1 =	vadd.f32 v6, v1;
	[tilespmem:s17+$0x80E0] =	vst v0;
	s17 =	smov.u32 s18  }
0x31: {  	v0 =	vld [tilespmem:s17+$0x40A0]  }
0x32: {  	v3 =	vadd.f32 v3, v7;
	v6 =	vld [tilespmem:s17+$0xB0];
	[tilespmem:s17+$0x80F0] =	vst v1  }
0x33: {  	v1 =	vld [tilespmem:s17+$0x40B0]  }
0x34: {  	[tilespmem:s17+$0x8080] =	vst v3;
	v2 =	vadd.f32 v2, v5;
	v5 =	vld [tilespmem:s17+$0xC0]  }
0x35: {  	v7 =	vld [tilespmem:s17+$0x40C0]  }
.Ltmp0:
0x36: {  	[tilespmem:s17+$0x8090] =	vst v2;
	v0 =	vadd.f32 v0, v4;
	v2 =	vld [tilespmem:s17+$0xD0];
	(pc) =	sbr.rel @p0 .LBB2_2-.Ltmp0, $4  }
0x37: {  	v3 =	vld [tilespmem:s17+$0x40D0]  }
0x38: {  	[tilespmem:s17+$0x80A0] =	vst v0;
	v6 =	vadd.f32 v1, v6;
	v0 =	vld [tilespmem:s17+$0xE0]  }
0x39: {  	s18 =	sshra.s32 s19, $0x2;
	v4 =	vld [tilespmem:s17+$0x40E0]  }
0x3a: {  	s19 =	sadd.s32 $0x200, s19;
	v1 =	vld [tilespmem:s18+$0xF0];
	[tilespmem:s17+$0x80B0] =	vst v6;
	v5 =	vadd.f32 v7, v5  }
0x3b: {  	v6 =	vld [tilespmem:s18+$0x40F0]  }
0x3c: {  	v7 =	vld [tilespmem:s18+$0x80];
	[tilespmem:s17+$0x80C0] =	vst v5;
	v2 =	vadd.f32 v3, v2  }
0x3d: {  	v3 =	vld [tilespmem:s18+$0x4080]  }
0x3e: {  	v5 =	vld [tilespmem:s18+$0x90];
	[tilespmem:s17+$0x80D0] =	vst v2;
	v0 =	vadd.f32 v4, v0  }
0x3f: {  	v2 =	vld [tilespmem:s18+$0x4090]  }
0x40: {  	v4 =	vld [tilespmem:s18+$0xA0];
	[tilespmem:s17+$0x80E0] =	vst v0  }
0x41: {  	v0 =	vadd.f32 v6, v1;
	v1 =	vld [tilespmem:s18+$0x40A0]  }
0x42: {  	v6 =	vld [tilespmem:s18+$0xB0]  }
0x43: {  	v3 =	vadd.f32 v3, v7;
	[tilespmem:s18+$0x80F0] =	vst v0;
	v0 =	vld [tilespmem:s18+$0x40B0]  }
0x44: {  	v7 =	vld [tilespmem:s18+$0x40E0]  }
0x45: {  	[tilespmem:s18+$0x8080] =	vst v3;
	v2 =	vadd.f32 v2, v5;
	v3 =	vld [tilespmem:s18+$0xC0]  }
0x46: {  	v5 =	vld [tilespmem:s18+$0x40C0]  }
0x47: {  	[tilespmem:s18+$0x8090] =	vst v2;
	v1 =	vadd.f32 v1, v4;
	v2 =	vld [tilespmem:s18+$0xD0]  }
0x48: {  	v4 =	vld [tilespmem:s18+$0x40D0]  }
0x49: {  	[tilespmem:s18+$0x80A0] =	vst v1;
	v1 =	vld [tilespmem:s18+$0xE0];
	_ =	sdelay $0x1  }
0x4a: {  	v0 =	vadd.f32 v0, v6  }
0x4b: {  	v3 =	vadd.f32 v5, v3  }
0x4c: {  	[tilespmem:s18+$0x80B0] =	vst v0;
	v0 =	vadd.f32 v4, v2  }
0x4d: {  	[tilespmem:s18+$0x80C0] =	vst v3;
	v1 =	vadd.f32 v7, v1  }
0x4e: {  	[tilespmem:s18+$0x80D0] =	vst v0  }
0x4f: {  	s31 =	simm.s32 $0x0;
	[tilespmem:s18+$0x80E0] =	vst v1  }
0x50: {  	[hbm4b:s6+s31] =	stream.linear.scatter [tilespmem:s15], [sflag:$0x3], $0x4000, $0x38;
	[tilespmem:$0xC080] =	vst v63  }
0x51: {  	_ =	swait.ge [sflag:s10], $0x4000  }
0x52: {  	[sflag:s10] =	ssyncset.done $0x0  }
0x53: {  	[sflag:s10] =	ssyncadd.s32 $0xFFFFC000  }
0x54: {  	[tilespmem:s31], [sflag:$0x3] =	stream.linear.gather [hbm4b:s7+s31], $0x80, $0x38;
	[tilespmem:$0xC080] =	vst v63  }
0x55: {  	_ =	swait.ge [sflag:s10], $0x80  }
0x56: {  	[sflag:s10] =	ssyncset.done $0x0  }
0x57: {  	[sflag:s10] =	ssyncadd.s32 $0xFFFFFF80  }
0x58: {  	[tilespmem:s11], [sflag:$0x1] =	stream.indirect.gather [hbm4b:s3+s11], $0x80, s31, s11, $0xb8;
	[tilespmem:$0xC080] =	vst v63  }
0x59: {  	_ =	swait.ge [sflag:s12], $0x4000  }
0x5a: {  	[sflag:s12] =	ssyncset.done $0x0  }
0x5b: {  	[sflag:s12] =	ssyncadd.s32 $0xFFFFC000  }
0x5c: {  	[tilespmem:s13], [sflag:$0x2] =	stream.indirect.gather [hbm4b:s4+s11], $0x80, s31, s11, $0xb8;
	[tilespmem:$0xC080] =	vst v63  }
0x5d: {  	_ =	swait.ge [sflag:s14], $0x4000  }
0x5e: {  	[sflag:s14] =	ssyncset.done $0x0  }
0x5f: {  	s17 =	simm.s32 $0x0;
	[sflag:s14] =	ssyncadd.s32 $0xFFFFC000  }
0x60: {  	v0 =	vld [tilespmem:s17+$0xF0]  }
0x61: {  	v1 =	vld [tilespmem:s17+$0x40F0]  }
0x62: {  	v2 =	vld [tilespmem:s17+$0x80]  }
0x63: {  	v3 =	vld [tilespmem:s17+$0x4080]  }
0x64: {  	v4 =	vld [tilespmem:s17+$0x90]  }
0x65: {  	v5 =	vld [tilespmem:s17+$0x4090]  }
0x66: {  	v6 =	vld [tilespmem:s17+$0xA0]  }
0x67: {  	v7 =	vld [tilespmem:s17+$0xB0]  }
0x68: {  	v0 =	vadd.f32 v1, v0;
	v1 =	vld [tilespmem:s17+$0x40A0]  }
0x69: {  	v8 =	vld [tilespmem:s17+$0x40B0]  }
0x6a: {  	v9 =	vld [tilespmem:s17+$0x40C0];
	v2 =	vadd.f32 v3, v2  }
0x6b: {  	[tilespmem:s17+$0x80F0] =	vst v0;
	v0 =	vadd.f32 v5, v4;
	v5 =	vld [tilespmem:s17+$0xC0]  }
0x6c: {  	v3 =	vld [tilespmem:s17+$0x40D0];
	[tilespmem:s17+$0x8080] =	vst v2  }
0x6d: {  	v2 =	vld [tilespmem:s17+$0xD0];
	[tilespmem:s17+$0x8090] =	vst v0;
	v0 =	vadd.f32 v1, v6  }
0x6e: {  	v4 =	vld [tilespmem:s17+$0x40E0];
	v6 =	vadd.f32 v8, v7  }
0x6f: {  	s18 =	simm.s32 $0x80;
	[tilespmem:s17+$0x80A0] =	vst v0;
	v0 =	vld [tilespmem:s17+$0xE0]  }
0x70: {  	s19 =	simm.s32 $0x400;
	v5 =	vadd.f32 v9, v5;
	v1 =	vld [tilespmem:s18+$0xF0];
	[tilespmem:s17+$0x80B0] =	vst v6  }
.LBB2_4:
0x71: {  	p0 =	sne.s32 s19, $0xFE00;
	v6 =	vld [tilespmem:s18+$0x40F0]  }
0x72: {  	v7 =	vld [tilespmem:s18+$0x80];
	[tilespmem:s17+$0x80C0] =	vst v5;
	v2 =	vadd.f32 v3, v2  }
0x73: {  	v3 =	vld [tilespmem:s18+$0x4080]  }
0x74: {  	v5 =	vld [tilespmem:s18+$0x90];
	[tilespmem:s17+$0x80D0] =	vst v2;
	v0 =	vadd.f32 v4, v0  }
0x75: {  	v2 =	vld [tilespmem:s18+$0x4090]  }
0x76: {  	v4 =	vld [tilespmem:s18+$0xA0];
	v1 =	vadd.f32 v6, v1;
	[tilespmem:s17+$0x80E0] =	vst v0;
	s17 =	smov.u32 s18  }
0x77: {  	v0 =	vld [tilespmem:s17+$0x40A0]  }
0x78: {  	v3 =	vadd.f32 v3, v7;
	v6 =	vld [tilespmem:s17+$0xB0];
	[tilespmem:s17+$0x80F0] =	vst v1  }
0x79: {  	v1 =	vld [tilespmem:s17+$0x40B0]  }
0x7a: {  	[tilespmem:s17+$0x8080] =	vst v3;
	v2 =	vadd.f32 v2, v5;
	v5 =	vld [tilespmem:s17+$0xC0]  }
0x7b: {  	v7 =	vld [tilespmem:s17+$0x40C0]  }
.Ltmp1:
0x7c: {  	[tilespmem:s17+$0x8090] =	vst v2;
	v0 =	vadd.f32 v0, v4;
	v2 =	vld [tilespmem:s17+$0xD0];
	(pc) =	sbr.rel @p0 .LBB2_4-.Ltmp1, $4  }
0x7d: {  	v3 =	vld [tilespmem:s17+$0x40D0]  }
0x7e: {  	[tilespmem:s17+$0x80A0] =	vst v0;
	v6 =	vadd.f32 v1, v6;
	v0 =	vld [tilespmem:s17+$0xE0]  }
0x7f: {  	s18 =	sshra.s32 s19, $0x2;
	v4 =	vld [tilespmem:s17+$0x40E0]  }
0x80: {  	s19 =	sadd.s32 $0x200, s19;
	v1 =	vld [tilespmem:s18+$0xF0];
	[tilespmem:s17+$0x80B0] =	vst v6;
	v5 =	vadd.f32 v7, v5  }
0x81: {  	v6 =	vld [tilespmem:s18+$0x40F0]  }
0x82: {  	v7 =	vld [tilespmem:s18+$0x80];
	[tilespmem:s17+$0x80C0] =	vst v5;
	v2 =	vadd.f32 v3, v2  }
0x83: {  	v51 =	vld [tilespmem:s18+$0x4080]  }
0x84: {  	v5 =	vld [tilespmem:s18+$0x90];
	[tilespmem:s17+$0x80D0] =	vst v2;
	v0 =	vadd.f32 v4, v0  }
0x85: {  	v2 =	vld [tilespmem:s18+$0x4090]  }
0x86: {  	v52 =	vld [tilespmem:s18+$0xA0];
	[tilespmem:s17+$0x80E0] =	vst v0  }
0x87: {  	v54 =	vld [tilespmem:s18+$0x40A0]  }
0x88: {  	v55 =	vld [tilespmem:s18+$0xB0]  }
0x89: {  	v56 =	vld [tilespmem:s18+$0x40B0]  }
0x8a: {  	v57 =	vld [tilespmem:s18+$0xC0]  }
0x8b: {  	v58 =	vld [tilespmem:s18+$0x40C0]  }
0x8c: {  	v59 =	vld [tilespmem:s18+$0xD0]  }
0x8d: {  	v53 =	vadd.f32 v6, v1;
	v60 =	vld [tilespmem:s18+$0x40D0]  }
0x8e: {  	v61 =	vld [tilespmem:s18+$0xE0];
	v3 =	vadd.f32 v51, v7  }
0x8f: {  	v62 =	vld [tilespmem:s18+$0x40E0];
	[tilespmem:s18+$0x80F0] =	vst v53;
	v2 =	vadd.f32 v2, v5  }
0x90: {  	[tilespmem:s18+$0x8080] =	vst v3;
	v1 =	vadd.f32 v54, v52  }
0x91: {  	[tilespmem:s18+$0x8090] =	vst v2;
	v0 =	vadd.f32 v56, v55  }
0x92: {  	v3 =	vadd.f32 v58, v57;
	[tilespmem:s18+$0x80A0] =	vst v1  }
0x93: {  	v63 =	vadd.f32 v60, v59;
	[tilespmem:s18+$0x80B0] =	vst v0  }
0x94: {  	s16 =	sadd.s32 $0x1, s16;
	[tilespmem:s18+$0x80C0] =	vst v3;
	v1 =	vadd.f32 v62, v61  }
0x95: {  	p0 =	sne.s32 s16, s9;
	[tilespmem:s18+$0x80D0] =	vst v63  }
.Ltmp2:
0x96: {  	[tilespmem:s18+$0x80E0] =	vst v1;
	(pc) =	sbr.rel @p0 .LBB2_1-.Ltmp2, $4  }
0x97: {  	[hbm4b:s8+s2] =	stream.linear.scatter [tilespmem:s15], [sflag:$0x3], $0x4000, $0x38;
	[tilespmem:$0xC080] =	vst v63  }
0x98: {  	_ =	swait.ge [sflag:s10], $0x4000  }
0x99: {  	[sflag:s10] =	ssyncset.done $0x0  }
0x9a: {  	[sflag:s10] =	ssyncadd.s32 $0xFFFFC000  }
0x9b: {  	_ =	sfence.sel $0x180000  }
0x9c: {  	[bflag:$0x0] =	sbarrier.arrive $0xFFFF  }
0x9d: {  	p0 =	sne.s32 s1, $0x0;
	_ =	strace $0x9000004D  }
0x9e: {  	s0 =	sadd.s32 @!p0 $0x100000, s0;
	[bflag:$0x2] =	sbarrier.arrive $0xFFFF  }
0x9f: {  	[sflag:s0] =	ssyncadd.tile.s32 @!p0 $0x1;
	_ =	shalt  }
.Lfunc_end2:
_tile_overlayer_lowered:
.L_overlay_start_2:
0xa0: {  	(tag) =	ssettag $0x2  }
0xa1: {  	s0 =	rddreg [dreg:$0x0];
	s2 =	stileid.u32  }
0xa2: {  	s1 =	rddreg [dreg:$0x1];
	p0 =	sne.s32 s2, $0x0  }
0xa3: {  	s3 =	rddreg [dreg:$0x2];
	[bflag:$0x3] =	sbarrier.arrive $0xFFFF;
	s2 =	simm.s32 @!p0 $0x1C03  }
0xa4: {  	[timem:s3], [sflag:s2] =	dma.local @!p0 [hbm:s0], s1  }
0xa5: {  	s0 =	simm.s32 @!p0 $0x3  }
0xa6: {  	_ =	swait.ge @!p0 [sflag:s0], s1  }
0xa7: {  	s1 =	ssub.s32 @!p0 $0x0, s1;
	[sflag:s0] =	ssyncset.done @!p0 $0x0  }
0xa8: {  	[sflag:s0] =	ssyncadd.s32 @!p0 s1  }
0xa9: {  	[bflag:$0x3] =	sbarrier.arrive $0xFFFF  }
0xaa: {  	_ =	shalt  }

// kernel: kernel.8.cloned.1.call-start
scs
__scs_entry_jumppad:
0x0: {  	(pc) =	sbr.rel $0x88, $3  }
0x1: {  	(tag) =	ssettag $0x0;
	lr =	simm.s32 $0x1  }
0x2: {  	[smem:$0x3F8A] =	sst lr;
	_ =	strace $0xD0000000  }
0x3: {  	_ = 	snop  }
0x4: {  	_ = 	snop  }
0x5: {  	_ = 	snop  }
0x6: {  	_ = 	snop  }
0x7: {  	_ = 	snop  }
__scs_overlays_trampoline_lowered:
0x8: {  	[smem:$0x3F99] =	sst s0  }
0x9: {  	[smem:$0x3F9A] =	sst s1  }
0xa: {  	[smem:$0x3F9B] =	sst s2  }
0xb: {  	[smem:$0x3F9C] =	sst s3  }
0xc: {  	[smem:$0x3F9D] =	sst s4  }
0xd: {  	[smem:$0x3F9E] =	sst s5  }
0xe: {  	[smem:$0x3F9F] =	sst s6  }
0xf: {  	[smem:$0x3FA0] =	sst s7  }
0x10: {  	[smem:$0x3FA1] =	sst s8  }
0x11: {  	[smem:$0x3FA2] =	sst s9;
	s0 =	simm.s32 @!p0 $0x0  }
0x12: {  	s1 =	sld [smem:$0x3F88];
	s0 =	simm.s32 @p0 $0x1  }
0x13: {  	[smem:$0x3FA3] =	sst s0;
	s0 =	simm.s32 @!p1 $0x0  }
0x14: {  	s2 =	sld [smem:$0x3F87];
	s0 =	simm.s32 @p1 $0x1  }
0x15: {  	[smem:$0x3FA4] =	sst s0;
	s0 =	simm.s32 @!p2 $0x0  }
0x16: {  	s3 =	sld [smem:$0x3FDB];
	s0 =	simm.s32 @p2 $0x1  }
0x17: {  	s4 =	simm.s32 $0x1BF5;
	[smem:$0x3FA6] =	sst s0  }
0x18: {  	s0 =	sld [smem:$0x3F89];
	_ =	swait.ge [sflag:s4], $0x0  }
0x19: {  	s7 =	sld [smem:$0x3F8A]  }
0x1a: {  	s8 =	sadd.s32 $0xFFFFE003, lr  }
0x1b: {  	s9 =	sadd.s32 $0xFFFFFEF7, lr;
	s5 =	simm.s32 $0xFFFFFFFF;
	p2 =	slt.u32 s8, $0xFFFFF086  }
0x1c: {  	p1 =	slt.u32 s9, $0xF7A;
	s5 =	simm.s32 @!p2 $0x0  }
0x1d: {  	s5 =	simm.s32 @p1 $0x1;
	p0 =	seq.s32 s7, s2  }
0x1e: {  	s7 =	smul.u32 @!p0 $0xF7A, s2;
	p2 =	seq.s32 @!p0 s5, $0x0  }
0x1f: {  	s9 =	smul.u32 $0xF7A, s1;
	s8 =	simm.s32 @!p0 $0x1BF5;
	p2 =	por !p2, p0  }
0x20: {  	[sflag:s8] =	ssyncset.s32 @!p0 $0xFFFFF086;
	s6 =	sadd.s32 @!p0 s3, s7;
	s7 =	simm.s32 @!p0 $0x108  }
0x21: {  	s3 =	sadd.s32 s3, s9;
	s6 =	sadd.s32 @!p0 $0x88, s6;
	s7 =	simm.s32 @p2 $0x1082  }
0x22: {  	[simem:s7], [sflag:s8] =	dma.local @!p0 [hbm:s6], $0xF7A  }
0x23: {  	s9 =	sor.u32 $0xD0000000, s2;
	s6 =	simm.s32 $0x108;
	_ =	swait.ge @!p0 [sflag:s8], $0x0  }
0x24: {  	s3 =	sadd.s32 $0x88, s3;
	s6 =	simm.s32 @!p1 $0x1082;
	[sflag:s4] =	ssyncset.s32 $0xFFFFF086  }
0x25: {  	[simem:s6], [sflag:s4] =	dma.local [hbm:s3], $0xF7A  }
0x26: {  	[smem:$0x3F8A] =	sst s1;
	(tag) =	ssettag s2;
	_ =	strace s9  }
0x27: {  	s1 =	sld [smem:$0x3F9A]  }
0x28: {  	s2 =	sld [smem:$0x3F9B]  }
0x29: {  	s4 =	sld [smem:$0x3F9D]  }
0x2a: {  	p0 =	seq.s32 s5, $0x0;
	s5 =	sld [smem:$0x3F9E]  }
0x2b: {  	s6 =	sld [smem:$0x3F9F]  }
0x2c: {  	s7 =	sld [smem:$0x3FA0]  }
0x2d: {  	s3 =	simm.s32 $0x108;
	s8 =	sld [smem:$0x3FA1]  }
0x2e: {  	s3 =	simm.s32 @!p0 $0x1082;
	s9 =	sld [smem:$0x3FA2]  }
0x2f: {  	lr =	sadd.s32 s0, s3;
	s0 =	sld [smem:$0x3F99]  }
0x30: {  	s3 =	sld [smem:$0x3F9C]  }
0x31: {  	[smem:$0x3FA5] =	sst s10  }
0x32: {  	s10 =	sld [smem:$0x3FA3];
	_ =	sdelay $0x3  }
0x33: {  	p0 =	seq.s32 s10, $0x1;
	s10 =	sld [smem:$0x3FA5];
	_ =	sdelay $0x3  }
0x34: {  	[smem:$0x3FA5] =	sst s10  }
0x35: {  	s10 =	sld [smem:$0x3FA4];
	_ =	sdelay $0x3  }
0x36: {  	p1 =	seq.s32 s10, $0x1;
	s10 =	sld [smem:$0x3FA5];
	_ =	sdelay $0x3  }
0x37: {  	[smem:$0x3FA5] =	sst s10  }
0x38: {  	s10 =	sld [smem:$0x3FA6]  }
0x39: {  	_ = 	snop;
	(pc) =	sbr.ind lr, $3  }
0x3a: {  	_ = 	snop  }
0x3b: {  	_ = 	snop  }
0x3c: {  	p2 =	seq.s32 s10, $0x1;
	s10 =	sld [smem:$0x3FA5]  }
0x3d: {  	_ =	shalt  }
0x3e: {  	_ =	shalt  }
0x3f: {  	_ =	shalt  }
0x40: {  	_ =	shalt  }
0x41: {  	_ =	shalt  }
0x42: {  	_ =	shalt  }
0x43: {  	_ =	shalt  }
0x44: {  	_ =	shalt  }
0x45: {  	_ =	shalt  }
0x46: {  	_ =	shalt  }
0x47: {  	_ =	shalt  }
0x48: {  	_ =	shalt  }
0x49: {  	_ =	shalt  }
0x4a: {  	_ =	shalt  }
0x4b: {  	_ =	shalt  }
0x4c: {  	_ =	shalt  }
0x4d: {  	_ =	shalt  }
0x4e: {  	_ =	shalt  }
0x4f: {  	_ =	shalt  }
0x50: {  	_ =	shalt  }
0x51: {  	_ =	shalt  }
0x52: {  	_ =	shalt  }
0x53: {  	_ =	shalt  }
0x54: {  	_ =	shalt  }
0x55: {  	_ =	shalt  }
0x56: {  	_ =	shalt  }
0x57: {  	_ =	shalt  }
0x58: {  	_ =	shalt  }
0x59: {  	_ =	shalt  }
0x5a: {  	_ =	shalt  }
0x5b: {  	_ =	shalt  }
0x5c: {  	_ =	shalt  }
0x5d: {  	_ =	shalt  }
0x5e: {  	_ =	shalt  }
0x5f: {  	_ =	shalt  }
0x60: {  	_ =	shalt  }
0x61: {  	_ =	shalt  }
0x62: {  	_ =	shalt  }
0x63: {  	_ =	shalt  }
0x64: {  	_ =	shalt  }
0x65: {  	_ =	shalt  }
0x66: {  	_ =	shalt  }
0x67: {  	_ =	shalt  }
0x68: {  	_ =	shalt  }
0x69: {  	_ =	shalt  }
0x6a: {  	_ =	shalt  }
0x6b: {  	_ =	shalt  }
0x6c: {  	_ =	shalt  }
0x6d: {  	_ =	shalt  }
0x6e: {  	_ =	shalt  }
0x6f: {  	_ =	shalt  }
0x70: {  	_ =	shalt  }
0x71: {  	_ =	shalt  }
0x72: {  	_ =	shalt  }
0x73: {  	_ =	shalt  }
0x74: {  	_ =	shalt  }
0x75: {  	_ =	shalt  }
0x76: {  	_ =	shalt  }
0x77: {  	_ =	shalt  }
0x78: {  	_ =	shalt  }
0x79: {  	_ =	shalt  }
0x7a: {  	_ =	shalt  }
0x7b: {  	_ =	shalt  }
0x7c: {  	_ =	shalt  }
0x7d: {  	_ =	shalt  }
0x7e: {  	_ =	shalt  }
0x7f: {  	_ =	shalt  }
0x80: {  	_ =	shalt  }
0x81: {  	_ =	shalt  }
0x82: {  	_ =	shalt  }
0x83: {  	_ =	shalt  }
0x84: {  	_ =	shalt  }
0x85: {  	_ =	shalt  }
0x86: {  	_ =	shalt  }
0x87: {  	_ =	shalt  }
.Lfunc_end0:
.L_simem_size_0:
called_computation_lowered:
.L_overlay_start_0:
0x88: {  	s2 =	sld [smem:$0x3FD9]  }
0x89: {  	s3 =	sld [smem:$0x3FFE];
	_ =	sdelay $0x1  }
0x8a: {  	s1 =	srdreg.scid  }
0x8b: {  	s0 =	sand.u32 $0x1, s1  }
0x8c: {  	s16 =	sshll.u32 s0, $0xA;
	s2 =	sadd.s32 s3, s2  }
0x8d: {  	s2 =	sadd.s32 s2, s16  }
0x8e: {  	[smem:$0x3FB1] =	sst s2  }
0x8f: {  	_ = 	snop  }
0x90: {  	(tm) =	ssettm $0x1  }
0x91: {  	s17 =	sld [smem:$0x3FFB];
	_ =	sdelay $0x3  }
0x92: {  	_ =	strace s17  }
0x93: {  	s2 =	sld [smem:$0x3FFC];
	_ =	sdelay $0x3  }
0x94: {  	_ =	strace s2  }
0x95: {  	s2 =	sld [smem:$0x3FFD];
	_ =	sdelay $0x3  }
0x96: {  	_ =	strace s2  }
0x97: {  	_ =	strace $0x8FFFFFFF  }
0x98: {  	s18 =	sld [smem:$0x3FDB];
	_ =	sdelay $0x1  }
0x99: {  	s19 =	simm.s32 $_scs_section_size  }
0x9a: {  	s4 =	simm.s32 $_size__tile_overlayer_lowered;
	s5 =	simm.s32 $_tile_overlayer_lowered  }
0x9b: {  	s22 =	simm.s32 $0x1BFF;
	s21 =	sshll.u32 s5, $0x1;
	s2 =	sadd.s32 s19, s18  }
0x9c: {  	s6 =	simm.s32 $0x0;
	s20 =	sshll.u32 s4, $0x1;
	s4 =	sadd.s32 s21, s2  }
0x9d: {  	[timem:s6], [sflag:s22] =	dma.local [hbm:s4], s20  }
0x9e: {  	_ =	swait.ge [sflag:s22], s20  }
0x9f: {  	s3 =	ssub.s32 $0x0, s20;
	[sflag:s22] =	ssyncset.done $0x0  }
0xa0: {  	[sflag:s22] =	ssyncadd.s32 s3;
	_ =	sdelay $0x1  }
0xa1: {  	s23 =	simm.s32 $0x1B8B  }
0xa2: {  	_ =	swait.ge [sflag:s23], $0x1  }
0xa3: {  	[sflag:s23] =	ssyncset.done $0x0  }
0xa4: {  	s25 =	simm.s32 $0x1B8E;
	s24 =	sld [smem:$0x3FFE];
	[sflag:s23] =	ssyncadd.s32 $0xFFFFFFFF  }
0xa5: {  	s26 =	simm.s32 $execute0_lowered;
	[smem:$0x3FD2] =	sst s25  }
0xa6: {  	s4 =	sshll.u32 s26, $0x1;
	_ =	strace $0x80000046;
	[dreg:$0x1] =	wrdreg $0xFFFFFFFF  }
0xa7: {  	s28 =	simm.s32 $_size_execute0_lowered;
	s2 =	sadd.s32 s2, s4;
	[dreg:$0x0] =	wrdreg $0x0  }
0xa8: {  	s4 =	sshll.u32 s28, $0x1;
	[dreg:$0x2] =	wrdreg s2  }
0xa9: {  	[dreg:$0x3] =	wrdreg s4  }
0xaa: {  	[dreg:$0x4] =	wrdreg $0xC0  }
0xab: {  	_ =	task [dreg:s6], $0x5FFFF  }
0xac: {  	[dreg:$0x1] =	wrdreg $0xFFFFFFFF  }
0xad: {  	[dreg:$0x0] =	wrdreg $0x60  }
0xae: {  	[dreg:$0x2] =	wrdreg s24  }
0xaf: {  	[dreg:$0x3] =	wrdreg $0x91000  }
0xb0: {  	[dreg:$0x4] =	wrdreg $0x9  }
0xb1: {  	_ =	task.clear_ibuf [dreg:s6], $0x5FFFF;
	_ =	strace $0x90000046  }
0xb2: {  	s29 =	simm.s32 $0x9;
	_ =	strace $0x80000048  }
0xb3: {  	_ =	swait.ge [sflag:s29], $0x1  }
0xb4: {  	[sflag:s29] =	ssyncadd.s32 $0xFFFFFFFF  }
0xb5: {  	_ =	strace $0x90000048  }
0xb6: {  	_ =	sfence  }
0xb7: {  	s30 =	sld [smem:$0x0];
	_ =	sdelay $0x2  }
0xb8: {  	s31 =	sshll.u32 s1, $0xD;
	s1 =	sshrl.u32 s1, $0x2  }
0xb9: {  	s3 =	sand.u32 $0x4000, s31;
	s1 =	sadd.s32 s1, s30  }
0xba: {  	s0 =	sor.u32 s3, s0;
	s1 =	sshll.u32 s1, $0x11  }
0xbb: {  	s0 =	sor.u32 s1, s0  }
0xbc: {  	s0 =	sadd.s32 $0x8F2B, s0  }
0xbd: {  	[sflag:s0] =	ssyncadd.remote.s32 $0x1  }
0xbe: {  	_ =	sfence.sel $0xFFFF  }
0xbf: {  	[dreg:$0x0] =	wrdreg $0xFFFFFFFF;
	(pc) =	sbr.abs _section_cstart, $3  }
0xc0: {  	[dreg:$0x1] =	wrdreg $0xFFFFFFFF  }
0xc1: {  	_ =	task.clear_ibuf [dreg:s6], $0x2FFFF;
	_ =	strace $0x9FFFFFFF  }
0xc2: {  	(tm) =	ssettm $0x7FFFFFFF  }
0xc3: {  	_ =	shalt  }
tec
execute0_lowered:
.L_overlay_start_1:
0x0: {  	(tag) =	ssettag $0x1  }
0x1: {  	s9 =	rddreg [dreg:$0x0]  }
0x2: {  	s1 =	rddreg [dreg:$0x1];
	s2 =	srdreg.scid  }
0x3: {  	s0 =	rddreg [dreg:$0x2];
	s3 =	simm.s32 $0x0;
	s17 =	simm.s32 $0x5100  }
0x4: {  	s18 =	simm.s32 $0x2;
	s19 =	simm.s32 $0x2780;
	s20 =	simm.s32 $0x4F00  }
0x5: {  	s21 =	simm.s32 $0x4F80;
	s22 =	simm.s32 $0x80;
	s23 =	simm.s32 $0x1  }
0x6: {  	s24 =	simm.s32 $0x0;
	s10 =	sand.u32 $0x1, s2;
	s2 =	stileid.u32  }
0x7: {  	[smem:$0x7FF] =	sst s3;
	s4 =	sadd.s32 $0x2400, s9;
	s7 =	smul.u32 $0x13C000, s10  }
0x8: {  	s5 =	sadd.s32 $0x29C00, s9;
	s6 =	sadd.s32 $0x29600, s9;
	s8 =	smul.u32 $0x13C00, s2  }
0x9: {  	s12 =	smul.u32 $0x4F000, s2;
	s30 =	ssub.s32 $0x2, s10;
	s13 =	sshll.u32 s2, $0x1  }
0xa: {  	_ =	strace $0x80000047;
	s31 =	sshrl.u32 s30, $0x1;
	s14 =	sor.u32 s10, s13  }
0xb: {  	s8 =	sadd.s32 s8, s7;
	s7 =	sadd.s32 $0x2A200, s9;
	s12 =	sshrl.u32 s12, $0x2  }
0xc: {  	s16 =	ssub.s32 s30, s31;
	s14 =	smul.u32 $0x52, s14;
	s11 =	sshrl.u32 s8, $0x3  }
0xd: {  	s8 =	sadd.s32 $0x34600, s9;
	s15 =	sadd.s32 s11, s9;
	s9 =	sadd.s32 s12, s1  }
0xe: {  	s16 =	smax.u32 s16, $0x1;
	s10 =	sadd.s32 $0x4000, s9;
	s11 =	sadd.s32 $0x8000, s9  }
0xf: {  	v0 =	vimm.f32 $0.0e+00;
	s12 =	sadd.s32 $0xC000, s9;
	s13 =	sadd.s32 $0x10000, s9;
	s15 =	sadd.s32 $0x3EA00, s15  }
.LBB2_1:
0x10: {  	s25 =	simm.s32 $0x0;
	s26 =	simm.s32 $0x200  }
.LBB2_2:
0x11: {  	p0 =	sne.s32 s26, $0xFE00;
	[tilespmem:s25+$0x5170] =	vst v0  }
0x12: {  	[tilespmem:s25+$0x5100] =	vst v0  }
0x13: {  	[tilespmem:s25+$0x5110] =	vst v0  }
.Ltmp0:
0x14: {  	[tilespmem:s25+$0x5120] =	vst v0;
	(pc) =	sbr.rel @p0 .LBB2_2-.Ltmp0, $4  }
0x15: {  	[tilespmem:s25+$0x5130] =	vst v0  }
0x16: {  	[tilespmem:s25+$0x5140] =	vst v0  }
0x17: {  	[tilespmem:s25+$0x5150] =	vst v0  }
0x18: {  	[tilespmem:s25+$0x5160] =	vst v0;
	s25 =	sshra.s32 s26, $0x2;
	s26 =	sadd.s32 $0x200, s26  }
0x19: {  	[tilespmem:s25+$0x5170] =	vst v0  }
0x1a: {  	[tilespmem:s25+$0x5100] =	vst v0  }
0x1b: {  	[tilespmem:s25+$0x5110] =	vst v0  }
0x1c: {  	[tilespmem:s25+$0x5120] =	vst v0  }
0x1d: {  	[tilespmem:s25+$0x5130] =	vst v0  }
0x1e: {  	[tilespmem:s25+$0x5140] =	vst v0  }
0x1f: {  	[tilespmem:s25+$0x5150] =	vst v0  }
0x20: {  	[tilespmem:s25+$0x5160] =	vst v0  }
0x21: {  	[spmem:s9] =	stream.linear.scatter [tilespmem:s17], [sflag:$0x2], $0x4000, $0x38;
	[tilespmem:$0x1CD00] =	vst v63  }
0x22: {  	_ =	swait.ge [sflag:s18], $0x4000  }
0x23: {  	[sflag:s18] =	ssyncset.done $0x0  }
0x24: {  	[sflag:s18] =	ssyncadd.s32 $0xFFFFC000  }
0x25: {  	[spmem:s10] =	stream.linear.scatter [tilespmem:s17], [sflag:$0x2], $0x4000, $0x38;
	[tilespmem:$0x1CD00] =	vst v63  }
0x26: {  	_ =	swait.ge [sflag:s18], $0x4000  }
0x27: {  	[sflag:s18] =	ssyncset.done $0x0  }
0x28: {  	[sflag:s18] =	ssyncadd.s32 $0xFFFFC000  }
0x29: {  	[spmem:s11] =	stream.linear.scatter [tilespmem:s17], [sflag:$0x2], $0x4000, $0x38;
	[tilespmem:$0x1CD00] =	vst v63  }
0x2a: {  	_ =	swait.ge [sflag:s18], $0x4000  }
0x2b: {  	[sflag:s18] =	ssyncset.done $0x0  }
0x2c: {  	[sflag:s18] =	ssyncadd.s32 $0xFFFFC000  }
0x2d: {  	[spmem:s12] =	stream.linear.scatter [tilespmem:s17], [sflag:$0x2], $0x4000, $0x38;
	[tilespmem:$0x1CD00] =	vst v63  }
0x2e: {  	_ =	swait.ge [sflag:s18], $0x4000  }
0x2f: {  	[sflag:s18] =	ssyncset.done $0x0  }
0x30: {  	[sflag:s18] =	ssyncadd.s32 $0xFFFFC000  }
0x31: {  	[spmem:s13] =	stream.linear.scatter [tilespmem:s17], [sflag:$0x2], $0x3C00, $0x38;
	[tilespmem:$0x1CD00] =	vst v63  }
0x32: {  	_ =	swait.ge [sflag:s18], $0x3C00  }
0x33: {  	[sflag:s18] =	ssyncset.done $0x0  }
0x34: {  	[sflag:s18] =	ssyncadd.s32 $0xFFFFC400  }
0x35: {  	s25 =	simm.s32 $0x0;
	[bflag:$0x0] =	sbarrier.arrive $0xFFFF  }
0x36: {  	[tilespmem:s25], [sflag:$0x2] =	stream.linear.gather [hbm4b:s5+s25], $0x2780, $0x38;
	[tilespmem:$0x1CD00] =	vst v63  }
0x37: {  	_ =	swait.ge [sflag:s18], $0x2780  }
0x38: {  	[sflag:s18] =	ssyncset.done $0x0  }
0x39: {  	[sflag:s18] =	ssyncadd.s32 $0xFFFFD880  }
0x3a: {  	[tilespmem:s19], [sflag:$0x2] =	stream.linear.gather [hbm4b:s6+s25], $0x2780, $0x38;
	[tilespmem:$0x1CD00] =	vst v63  }
0x3b: {  	_ =	swait.ge [sflag:s18], $0x2780  }
0x3c: {  	[sflag:s18] =	ssyncset.done $0x0  }
0x3d: {  	[sflag:s18] =	ssyncadd.s32 $0xFFFFD880  }
.LBB2_4:
0x3e: {  	s26 =	sadd.s32 s14, s25  }
0x3f: {  	s26 =	sshll.u32 s26, $0x4  }
0x40: {  	s28 =	sadd.s32 s7, s26  }
0x41: {  	[tilespmem:s20], [sflag:$0x2] =	stream.linear.gather [hbm4b:s28+s3], $0x80, $0x38;
	[tilespmem:$0x1CD00] =	vst v63  }
0x42: {  	_ =	swait.ge [sflag:s18], $0x80  }
0x43: {  	[sflag:s18] =	ssyncset.done $0x0  }
0x44: {  	s26 =	sadd.s32 s8, s26;
	[sflag:s18] =	ssyncadd.s32 $0xFFFFFF80  }
0x45: {  	[tilespmem:s21], [sflag:$0x2] =	stream.linear.gather [hbm4b:s26+s3], $0x80, $0x38;
	[tilespmem:$0x1CD00] =	vst v63  }
0x46: {  	_ =	swait.ge [sflag:s18], $0x80  }
0x47: {  	[sflag:s18] =	ssyncset.done $0x0  }
0x48: {  	[sflag:s18] =	ssyncadd.s32 $0xFFFFFF80  }
0x49: {  	[tilespmem:s17], [sflag:$0x1] =	stream.indirect.gather [hbm4b:s4+s22], $0x80, s20, s22, $0xb8;
	[tilespmem:$0x1CD00] =	vst v63  }
0x4a: {  	v1 =	vld [tilespmem:$0x4F00]  }
0x4b: {  	v2 =	vld [tilespmem:$0x4F80];
	_ =	sdelay $0x6  }
0x4c: {  	v1 =	vld.idx.msk [tilespmem:v1+s3+$0x0], $0xffff  }
0x4d: {  	v2 =	vld.idx.msk [tilespmem:v2+s19+$0x0], $0xffff;
	_ =	sdelay $0x4  }
0x4e: {  	v1 =	vadd.f32 v2, v1;
	_ =	sdelay $0x1  }
0x4f: {  	v2 =	vmul.f32 $2.000000030e-01, v1  }
0x50: {  	vm0 =	vge.f32 v1, $0.0e+00  }
0x51: {  	v1 =	vsel vm0, v1, v2  }
0x52: {  	v1 =	vmul.f32 $1.442695020e+00, v1;
	_ =	sdelay $0x1  }
0x53: {  	(erf) = vpow2.f32 v1;
	_ =	sdelay $0x2  }
0x54: {  	v1 =	vld [tilespmem:$0x4F10]  }
0x55: {  	v2 =	vld [tilespmem:$0x4F90];
	_ =	sdelay $0x4  }
0x56: {  	v3 =	vpop (erf)  }
0x57: {  	[tilespmem:$0x5000] =	vst v3  }
0x58: {  	v1 =	vld.idx.msk [tilespmem:v1+s3+$0x0], $0xffff  }
0x59: {  	v2 =	vld.idx.msk [tilespmem:v2+s19+$0x0], $0xffff;
	_ =	sdelay $0x4  }
0x5a: {  	v1 =	vadd.f32 v2, v1;
	_ =	sdelay $0x1  }
0x5b: {  	v2 =	vmul.f32 $2.000000030e-01, v1  }
0x5c: {  	vm9 =	vge.f32 v1, $0.0e+00  }
0x5d: {  	v1 =	vsel vm9, v1, v2  }
0x5e: {  	v1 =	vmul.f32 $1.442695020e+00, v1;
	_ =	sdelay $0x1  }
0x5f: {  	(erf) = vpow2.f32 v1;
	_ =	sdelay $0x2  }
0x60: {  	v1 =	vld [tilespmem:$0x4F20]  }
0x61: {  	v2 =	vld [tilespmem:$0x4FA0];
	_ =	sdelay $0x4  }
0x62: {  	v3 =	vpop (erf)  }
0x63: {  	[tilespmem:$0x5010] =	vst v3  }
0x64: {  	v1 =	vld.idx.msk [tilespmem:v1+s3+$0x0], $0xffff  }
0x65: {  	v2 =	vld.idx.msk [tilespmem:v2+s19+$0x0], $0xffff;
	_ =	sdelay $0x4  }
0x66: {  	v1 =	vadd.f32 v2, v1;
	_ =	sdelay $0x1  }
0x67: {  	v2 =	vmul.f32 $2.000000030e-01, v1  }
0x68: {  	vm10 =	vge.f32 v1, $0.0e+00  }
0x69: {  	v1 =	vsel vm10, v1, v2  }
0x6a: {  	v1 =	vmul.f32 $1.442695020e+00, v1;
	_ =	sdelay $0x1  }
0x6b: {  	(erf) = vpow2.f32 v1;
	_ =	sdelay $0x2  }
0x6c: {  	v1 =	vld [tilespmem:$0x4F30]  }
0x6d: {  	v2 =	vld [tilespmem:$0x4FB0];
	_ =	sdelay $0x4  }
0x6e: {  	v3 =	vpop (erf)  }
0x6f: {  	[tilespmem:$0x5020] =	vst v3  }
0x70: {  	v1 =	vld.idx.msk [tilespmem:v1+s3+$0x0], $0xffff  }
0x71: {  	v2 =	vld.idx.msk [tilespmem:v2+s19+$0x0], $0xffff;
	_ =	sdelay $0x4  }
0x72: {  	v1 =	vadd.f32 v2, v1;
	_ =	sdelay $0x1  }
0x73: {  	v2 =	vmul.f32 $2.000000030e-01, v1  }
0x74: {  	vm11 =	vge.f32 v1, $0.0e+00  }
0x75: {  	v1 =	vsel vm11, v1, v2  }
0x76: {  	v1 =	vmul.f32 $1.442695020e+00, v1;
	_ =	sdelay $0x1  }
0x77: {  	(erf) = vpow2.f32 v1;
	_ =	sdelay $0x2  }
0x78: {  	v1 =	vld [tilespmem:$0x4F40]  }
0x79: {  	v2 =	vld [tilespmem:$0x4FC0];
	_ =	sdelay $0x4  }
0x7a: {  	v3 =	vpop (erf)  }
0x7b: {  	[tilespmem:$0x5030] =	vst v3  }
0x7c: {  	v1 =	vld.idx.msk [tilespmem:v1+s3+$0x0], $0xffff  }
0x7d: {  	v2 =	vld.idx.msk [tilespmem:v2+s19+$0x0], $0xffff;
	_ =	sdelay $0x4  }
0x7e: {  	v1 =	vadd.f32 v2, v1;
	_ =	sdelay $0x1  }
0x7f: {  	v2 =	vmul.f32 $2.000000030e-01, v1  }
0x80: {  	vm12 =	vge.f32 v1, $0.0e+00  }
0x81: {  	v1 =	vsel vm12, v1, v2  }
0x82: {  	v1 =	vmul.f32 $1.442695020e+00, v1;
	_ =	sdelay $0x1  }
0x83: {  	(erf) = vpow2.f32 v1;
	_ =	sdelay $0x2  }
0x84: {  	v1 =	vld [tilespmem:$0x4F50]  }
0x85: {  	v2 =	vld [tilespmem:$0x4FD0];
	_ =	sdelay $0x4  }
0x86: {  	v3 =	vpop (erf)  }
0x87: {  	[tilespmem:$0x5040] =	vst v3  }
0x88: {  	v1 =	vld.idx.msk [tilespmem:v1+s3+$0x0], $0xffff  }
0x89: {  	v2 =	vld.idx.msk [tilespmem:v2+s19+$0x0], $0xffff;
	_ =	sdelay $0x4  }
0x8a: {  	v1 =	vadd.f32 v2, v1;
	_ =	sdelay $0x1  }
0x8b: {  	v2 =	vmul.f32 $2.000000030e-01, v1  }
0x8c: {  	vm13 =	vge.f32 v1, $0.0e+00  }
0x8d: {  	v1 =	vsel vm13, v1, v2  }
0x8e: {  	v1 =	vmul.f32 $1.442695020e+00, v1;
	_ =	sdelay $0x1  }
0x8f: {  	(erf) = vpow2.f32 v1;
	_ =	sdelay $0x2  }
0x90: {  	v1 =	vld [tilespmem:$0x4F60]  }
0x91: {  	v2 =	vld [tilespmem:$0x4FE0];
	_ =	sdelay $0x4  }
0x92: {  	v3 =	vpop (erf)  }
0x93: {  	[tilespmem:$0x5050] =	vst v3  }
0x94: {  	v1 =	vld.idx.msk [tilespmem:v1+s3+$0x0], $0xffff  }
0x95: {  	v2 =	vld.idx.msk [tilespmem:v2+s19+$0x0], $0xffff;
	_ =	sdelay $0x4  }
0x96: {  	v1 =	vadd.f32 v2, v1;
	_ =	sdelay $0x1  }
0x97: {  	v2 =	vmul.f32 $2.000000030e-01, v1  }
0x98: {  	vm14 =	vge.f32 v1, $0.0e+00  }
0x99: {  	v1 =	vsel vm14, v1, v2  }
0x9a: {  	v1 =	vmul.f32 $1.442695020e+00, v1;
	_ =	sdelay $0x1  }
0x9b: {  	(erf) = vpow2.f32 v1;
	_ =	sdelay $0x2  }
0x9c: {  	v1 =	vld [tilespmem:$0x4F70]  }
0x9d: {  	v2 =	vld [tilespmem:$0x4FF0];
	_ =	sdelay $0x4  }
0x9e: {  	v3 =	vpop (erf)  }
0x9f: {  	[tilespmem:$0x5060] =	vst v3  }
0xa0: {  	v1 =	vld.idx.msk [tilespmem:v1+s3+$0x0], $0xffff  }
0xa1: {  	v2 =	vld.idx.msk [tilespmem:v2+s19+$0x0], $0xffff;
	_ =	sdelay $0x4  }
0xa2: {  	v1 =	vadd.f32 v2, v1;
	_ =	sdelay $0x1  }
0xa3: {  	v2 =	vmul.f32 $2.000000030e-01, v1  }
0xa4: {  	vm15 =	vge.f32 v1, $0.0e+00  }
0xa5: {  	v1 =	vsel vm15, v1, v2  }
0xa6: {  	v1 =	vmul.f32 $1.442695020e+00, v1;
	_ =	sdelay $0x1  }
0xa7: {  	(erf) = vpow2.f32 v1;
	_ =	sdelay $0x8  }
0xa8: {  	v1 =	vpop (erf)  }
0xa9: {  	[tilespmem:$0x5070] =	vst v1  }
0xaa: {  	_ =	swait.ge [sflag:s23], $0x4000  }
0xab: {  	[sflag:s23] =	ssyncset.done $0x0  }
0xac: {  	s28 =	simm.s32 $0x5001;
	[sflag:s23] =	ssyncadd.s32 $0xFFFFC000  }
0xad: {  	s26 =	simm.s32 $0x5180;
	v1 =	vld.msk [tilespmem:s28+$0x0 ss:$0x0], $0xffff  }
0xae: {  	v3 =	vld [tilespmem:s26+$0x70]  }
0xaf: {  	v2 =	vld.msk [tilespmem:s28+$0xFFFFFFFF ss:$0x0], $0xffff  }
0xb0: {  	v4 =	vld [tilespmem:s26+$0xFFFFFF90]  }
0xb1: {  	v5 =	vld [tilespmem:s26+$0xFFFFFFA0]  }
0xb2: {  	v6 =	vld [tilespmem:s26+$0xFFFFFFB0]  }
0xb3: {  	v8 =	vld [tilespmem:s26+$0xFFFFFFD0]  }
0xb4: {  	v7 =	vld [tilespmem:s26+$0xFFFFFFC0]  }
0xb5: {  	v3 =	vmul.f32 v3, v1  }
0xb6: {  	v9 =	vld [tilespmem:s26+$0xFFFFFFE0];
	v4 =	vmul.f32 v4, v2  }
0xb7: {  	[tilespmem:s26+$0x70] =	vst v3;
	v3 =	vmul.f32 v5, v2;
	v5 =	vld [tilespmem:s26+$0xFFFFFFF0]  }
0xb8: {  	v8 =	vmul.f32 v8, v2;
	[tilespmem:s26+$0xFFFFFF90] =	vst v4;
	v4 =	vmul.f32 v6, v2;
	v6 =	vld [tilespmem:s26+$0x0]  }
0xb9: {  	[tilespmem:s26+$0xFFFFFFA0] =	vst v3;
	v3 =	vmul.f32 v7, v2;
	v7 =	vld [tilespmem:s26+$0x10]  }
0xba: {  	v10 =	vld [tilespmem:s26+$0x20];
	[tilespmem:s26+$0xFFFFFFD0] =	vst v8  }
0xbb: {  	v9 =	vmul.f32 v9, v2;
	[tilespmem:s26+$0xFFFFFFB0] =	vst v4;
	v4 =	vld [tilespmem:s26+$0x30]  }
0xbc: {  	[tilespmem:s26+$0xFFFFFFC0] =	vst v3;
	v3 =	vld [tilespmem:s26+$0x40];
	v8 =	vmul.f32 v5, v2  }
0xbd: {  	[tilespmem:s26+$0xFFFFFFE0] =	vst v9;
	v9 =	vmul.f32 v1, v6;
	v5 =	vld [tilespmem:s26+$0x50]  }
0xbe: {  	v6 =	vld [tilespmem:s26+$0x60];
	[tilespmem:s26+$0xFFFFFFF0] =	vst v8;
	v8 =	vmul.f32 v7, v1  }
0xbf: {  	s29 =	simm.s32 $0x5003;
	s30 =	simm.s32 $0x5180;
	s28 =	simm.s32 $0x0;
	v7 =	vld [tilespmem:s26+$0xFFFFFF80];
	[tilespmem:s26+$0x0] =	vst v9;
	v9 =	vmul.f32 v10, v1  }
.LBB2_5:
0xc0: {  	v10 =	vld.msk [tilespmem:s29+$0x0 ss:$0x0], $0xffff;
	s28 =	sadd.s32 $0x2, s28;
	[tilespmem:s26+$0x10] =	vst v8;
	v4 =	vmul.f32 v4, v1;
	s30 =	sadd.s32 $0x100, s30  }
0xc1: {  	v8 =	vld [tilespmem:s30+$0x70];
	p0 =	slt.u32 s28, $0x7E;
	[tilespmem:s26+$0x20] =	vst v9;
	v3 =	vmul.f32 v3, v1  }
0xc2: {  	v9 =	vld.msk [tilespmem:s29+$0xFFFFFFFF ss:$0x0], $0xffff;
	[tilespmem:s26+$0x30] =	vst v4;
	v4 =	vmul.f32 v5, v1  }
0xc3: {  	v5 =	vld [tilespmem:s30+$0xFFFFFF90];
	[tilespmem:s26+$0x40] =	vst v3;
	v11 =	vmul.f32 v6, v1  }
0xc4: {  	v3 =	vld [tilespmem:s30+$0xFFFFFFA0];
	v2 =	vmul.f32 v2, v7;
	[tilespmem:s26+$0x50] =	vst v4  }
0xc5: {  	v4 =	vld [tilespmem:s30+$0xFFFFFFB0];
	[tilespmem:s26+$0x60] =	vst v11  }
0xc6: {  	v1 =	vmov v10;
	v6 =	vld [tilespmem:s30+$0xFFFFFFC0];
	v7 =	vmul.f32 v8, v10;
	[tilespmem:s26+$0xFFFFFF80] =	vst v2;
	s26 =	smov.u32 s30  }
0xc7: {  	v8 =	vld [tilespmem:s30+$0xFFFFFFD0]  }
0xc8: {  	v5 =	vmul.f32 v5, v9;
	v10 =	vld [tilespmem:s30+$0xFFFFFFE0];
	[tilespmem:s30+$0x70] =	vst v7;
	v2 =	vmov v9  }
0xc9: {  	v3 =	vmul.f32 v3, v2;
	v7 =	vld [tilespmem:s30+$0xFFFFFFF0]  }
0xca: {  	[tilespmem:s30+$0xFFFFFF90] =	vst v5;
	v4 =	vmul.f32 v4, v2;
	v5 =	vld [tilespmem:s30+$0x0]  }
0xcb: {  	[tilespmem:s30+$0xFFFFFFA0] =	vst v3;
	v3 =	vmul.f32 v6, v2;
	v6 =	vld [tilespmem:s30+$0x10]  }
0xcc: {  	[tilespmem:s30+$0xFFFFFFB0] =	vst v4;
	v8 =	vmul.f32 v8, v2;
	v9 =	vld [tilespmem:s30+$0x20]  }
.Ltmp1:
0xcd: {  	[tilespmem:s30+$0xFFFFFFC0] =	vst v3;
	v10 =	vmul.f32 v10, v2;
	v4 =	vld [tilespmem:s30+$0x30];
	(pc) =	sbr.rel @p0 .LBB2_5-.Ltmp1, $4  }
0xce: {  	[tilespmem:s30+$0xFFFFFFD0] =	vst v8;
	v7 =	vmul.f32 v7, v2;
	v3 =	vld [tilespmem:s30+$0x40]  }
0xcf: {  	[tilespmem:s30+$0xFFFFFFE0] =	vst v10;
	v10 =	vmul.f32 v1, v5;
	v5 =	vld [tilespmem:s30+$0x50]  }
0xd0: {  	[tilespmem:s30+$0xFFFFFFF0] =	vst v7;
	v8 =	vmul.f32 v6, v1;
	v6 =	vld [tilespmem:s30+$0x60]  }
0xd1: {  	s29 =	sadd.s32 $0x2, s29;
	v7 =	vld [tilespmem:s30+$0xFFFFFF80];
	[tilespmem:s30+$0x0] =	vst v10;
	v9 =	vmul.f32 v9, v1  }
0xd2: {  	[tilespmem:s26+$0x10] =	vst v8;
	v4 =	vmul.f32 v4, v1  }
0xd3: {  	[tilespmem:s26+$0x20] =	vst v9;
	v3 =	vmul.f32 v3, v1  }
0xd4: {  	[tilespmem:s26+$0x30] =	vst v4;
	v63 =	vmul.f32 v5, v1  }
0xd5: {  	[tilespmem:s26+$0x40] =	vst v3;
	v1 =	vmul.f32 v6, v1  }
0xd6: {  	s25 =	sadd.s32 $0x1, s25;
	v2 =	vmul.f32 v2, v7;
	[tilespmem:s26+$0x50] =	vst v63  }
0xd7: {  	p0 =	sne.s32 s25, $0x52;
	[tilespmem:s26+$0x60] =	vst v1  }
.Ltmp2:
0xd8: {  	[tilespmem:s26+$0xFFFFFF80] =	vst v2;
	(pc) =	sbr.rel @p0 .LBB2_4-.Ltmp2, $4  }
0xd9: {  	[spmem:s1] =	stream.indirect.scatter.add.f32 [tilespmem:s17], [sflag:$0x2], $0x80, s21, s22, $0xb8;
	[tilespmem:$0x1CD00] =	vst v63  }
0xda: {  	_ =	swait.ge [sflag:s18], $0x4000  }
0xdb: {  	[sflag:s18] =	ssyncset.done $0x0  }
0xdc: {  	[sflag:s18] =	ssyncadd.s32 $0xFFFFC000  }
0xdd: {  	s24 =	sadd.s32 $0x1, s24  }
0xde: {  	s25 =	sshll.u32 s2, $0x6;
	[bflag:$0x0] =	sbarrier.arrive $0xFFFF;
	p0 =	sne.s32 s24, s16  }
.Ltmp3:
0xdf: {  	s26 =	sshrl.u32 s9, $0x3;
	s25 =	sor.u32 $0x1C02, s25;
	(pc) =	sbr.rel @p0 .LBB2_1-.Ltmp3, $4  }
0xe0: {  	[hbm:s15], [sflag:s25] =	dma.local [spmem:s26], $0x2780  }
0xe1: {  	_ =	swait.ge [sflag:s18], $0x2780  }
0xe2: {  	[sflag:s18] =	ssyncset.done $0x0  }
0xe3: {  	[sflag:s18] =	ssyncadd.s32 $0xFFFFD880  }
0xe4: {  	_ =	sfence.sel $0x180000  }
0xe5: {  	[bflag:$0x0] =	sbarrier.arrive $0xFFFF  }
0xe6: {  	p0 =	sne.s32 s2, $0x0;
	_ =	strace $0x90000047  }
0xe7: {  	s0 =	sadd.s32 @!p0 $0x100000, s0;
	[bflag:$0x2] =	sbarrier.arrive $0xFFFF  }
0xe8: {  	[sflag:s0] =	ssyncadd.tile.s32 @!p0 $0x1;
	_ =	shalt  }
.Lfunc_end2:
_tile_overlayer_lowered:
.L_overlay_start_2:
0xe9: {  	(tag) =	ssettag $0x2  }
0xea: {  	s0 =	rddreg [dreg:$0x0];
	s2 =	stileid.u32  }
0xeb: {  	s1 =	rddreg [dreg:$0x1];
	p0 =	sne.s32 s2, $0x0  }
0xec: {  	s3 =	rddreg [dreg:$0x2];
	[bflag:$0x3] =	sbarrier.arrive $0xFFFF;
	s2 =	simm.s32 @!p0 $0x1C02  }
0xed: {  	[timem:s3], [sflag:s2] =	dma.local @!p0 [hbm:s0], s1  }
0xee: {  	s0 =	simm.s32 @!p0 $0x2  }
0xef: {  	_ =	swait.ge @!p0 [sflag:s0], s1  }
0xf0: {  	s1 =	ssub.s32 @!p0 $0x0, s1;
	[sflag:s0] =	ssyncset.done @!p0 $0x0  }
0xf1: {  	[sflag:s0] =	ssyncadd.s32 @!p0 s1  }
0xf2: {  	[bflag:$0x3] =	sbarrier.arrive $0xFFFF  }
0xf3: {  	_ =	shalt  }

</sc_bundles>
